<compile_context>
chip_gen: v7x
topology: tpu7x:2x2x1
jax: 0.10.2.dev20260603
libtpu: 0.0.44.dev20260713+nightly
codegen_flags: <defaults>
</compile_context>

<pallas_src>
import functools

import jax
import jax.numpy as jnp
from jax import lax
from jax.experimental import pallas as pl
from jax.experimental.pallas import tpu as pltpu
from jax.experimental.pallas import tpu_sc as plsc

NC = 2
NS = 16
NW = NC * NS
LANES = 16
CH = 128




def _load_chunks(e3, row, base, rem, w, idx_v):
    start = w * base + jnp.minimum(w, rem)
    pltpu.sync_copy(e3.at[row, pl.ds(start, base)], idx_v.at[pl.ds(0, base)])
    if rem:
        @pl.when(w < rem)
        def _():
            pltpu.sync_copy(e3.at[row, start + base], idx_v.at[base])


def _count_body(np_, base, rem, e3_hbm, ones_hbm, zeros_hbm, cnt_out,
                idx_d, ones_v, cnt_sh):
    c = lax.axis_index("c")
    s = lax.axis_index("s")
    w = c * NS + s
    stripe = np_ // NS
    _load_chunks(e3_hbm, 1, base, rem, w, idx_d)
    pltpu.sync_copy(ones_hbm, ones_v)
    pltpu.sync_copy(zeros_hbm, cnt_sh.at[pl.ds(s * stripe, stripe)])
    plsc.subcore_barrier()

    def count_body(j, carry):
        pltpu.sync_copy(ones_v, cnt_sh.at[idx_d.at[j]], add=True)
        return carry

    lax.fori_loop(0, base, count_body, 0)
    if rem:
        @pl.when(w < rem)
        def _():
            count_body(base, 0)
    plsc.subcore_barrier()
    pltpu.sync_copy(cnt_sh.at[pl.ds(s * stripe, stripe)],
                    cnt_out.at[c, pl.ds(s * stripe, stripe)])


def _sc_count(e3, ones8, zeros8, np_):
    two, tch, ch = e3.shape
    assert two == 2 and ch == CH
    base, rem = tch // NW, tch % NW
    nmax = base + (1 if rem else 0)
    mesh = plsc.VectorSubcoreMesh(core_axis_name="c", subcore_axis_name="s",
                                  num_cores=NC)
    return pl.kernel(
        functools.partial(_count_body, np_, base, rem),
        out_type=jax.ShapeDtypeStruct((NC, np_, 8), jnp.float32),
        mesh=mesh,
        scratch_types=[
            pltpu.VMEM((nmax, CH), jnp.int32),
            pltpu.VMEM((CH, 8), jnp.float32),
            pltpu.VMEM_SHARED((np_, 8), jnp.float32),
        ],
        compiler_params=pltpu.CompilerParams(needs_layout_passes=False,
                                             use_tc_tiling_on_sc=False),
    )(e3, ones8, zeros8)


def _scatter_body(np_, base, rem, h, g_hbm, e3_hbm, out_hbm,
                  idx_s, idx_d, rows0, rows1, g_sh, acc, gsem0, gsem1):
    c = lax.axis_index("c")
    s = lax.axis_index("s")
    w = c * NS + s
    stripe = np_ // NS

    _load_chunks(e3_hbm, 0, base, rem, w, idx_s)
    _load_chunks(e3_hbm, 1, base, rem, w, idx_d)

    pltpu.sync_copy(g_hbm.at[pl.ds(s * stripe, stripe)],
                    g_sh.at[pl.ds(s * stripe, stripe)])
    zeros = jnp.zeros((LANES,), jnp.float32)

    def zero_body(i, carry):
        for k in range(h // LANES):
            rows0[i, pl.ds(k * LANES, LANES)] = zeros
        return carry

    lax.fori_loop(0, CH, zero_body, 0)
    for k in range(stripe // CH):
        pltpu.sync_copy(rows0, acc.at[pl.ds(s * stripe + k * CH, CH)])
    plsc.subcore_barrier()

    pltpu.make_async_copy(g_sh.at[idx_s.at[0]], rows0, gsem0).start()
    npairs = base // 2

    def edge_pair(i, carry):
        j0 = 2 * i
        pltpu.make_async_copy(g_sh.at[idx_s.at[j0 + 1]], rows1,
                              gsem1).start()
        pltpu.make_async_copy(g_sh.at[idx_s.at[j0]], rows0, gsem0).wait()
        pltpu.sync_copy(rows0, acc.at[idx_d.at[j0]], add=True)

        @pl.when(i + 1 < npairs)
        def _():
            pltpu.make_async_copy(g_sh.at[idx_s.at[j0 + 2]], rows0,
                                  gsem0).start()

        pltpu.make_async_copy(g_sh.at[idx_s.at[j0 + 1]], rows1,
                              gsem1).wait()
        pltpu.sync_copy(rows1, acc.at[idx_d.at[j0 + 1]], add=True)
        return carry

    lax.fori_loop(0, npairs, edge_pair, 0)
    if rem:
        @pl.when(w < rem)
        def _():
            pltpu.async_copy(g_sh.at[idx_s.at[base]], rows0, gsem0).wait()
            pltpu.sync_copy(rows0, acc.at[idx_d.at[base]], add=True)
    plsc.subcore_barrier()
    pltpu.sync_copy(acc.at[pl.ds(s * stripe, stripe)],
                    out_hbm.at[c, pl.ds(s * stripe, stripe)])


def _sc_scatter(g, e3):
    np_, h = g.shape
    two, tch, ch = e3.shape
    assert two == 2 and ch == CH
    base, rem = tch // NW, tch % NW
    assert base % 2 == 0
    nmax = base + (1 if rem else 0)
    mesh = plsc.VectorSubcoreMesh(core_axis_name="c", subcore_axis_name="s",
                                  num_cores=NC)
    return pl.kernel(
        functools.partial(_scatter_body, np_, base, rem, h),
        out_type=jax.ShapeDtypeStruct((NC, np_, h), jnp.float32),
        mesh=mesh,
        scratch_types=[
            pltpu.VMEM((nmax, CH), jnp.int32),
            pltpu.VMEM((nmax, CH), jnp.int32),
            pltpu.VMEM((CH, h), jnp.float32),
            pltpu.VMEM((CH, h), jnp.float32),
            pltpu.VMEM_SHARED((np_, h), jnp.float32),
            pltpu.VMEM_SHARED((np_, h), jnp.float32),
            pltpu.SemaphoreType.DMA,
            pltpu.SemaphoreType.DMA,
        ],
        compiler_params=pltpu.CompilerParams(needs_layout_passes=False,
                                             use_tc_tiling_on_sc=False),
    )(g, e3)




def _k2a_body(x_ref, gb_ref, wenc_ref, benc_ref, w1a_ref, w1b_ref, m_ref):
    xv = x_ref[...]
    xs = xv * gb_ref[0:1, :] + gb_ref[1:2, :]
    xe = jnp.dot(xs, wenc_ref[...],
                 preferred_element_type=jnp.float32) + benc_ref[...]
    m_ref[...] = (jnp.dot(xv, w1a_ref[...],
                          preferred_element_type=jnp.float32)
                  + jnp.dot(xe, w1b_ref[...],
                            preferred_element_type=jnp.float32))


def _k2b_body(m_ref, cnt_ref, g1_ref, dinv_ref):
    cnt = cnt_ref[0, :, 0] + cnt_ref[1, :, 0] + 1.0
    dinv = lax.rsqrt(cnt)[:, None]
    g1_ref[...] = m_ref[...] * dinv
    dinv_ref[...] = dinv


def _layer_norm(t, g, b):
    mu = jnp.mean(t, axis=-1, keepdims=True)
    var = jnp.mean((t - mu) ** 2, axis=-1, keepdims=True)
    return (t - mu) / jnp.sqrt(var + 1e-5) * g + b


def _k4_body(p_ref, g1_ref, dinv_ref, b1_ref, lg_ref, lb_ref, w2_ref,
             prev_ref, g2_ref):
    dinv = dinv_ref[...]
    t = (p_ref[0] + p_ref[1] + g1_ref[...]) * dinv + b1_ref[...]
    ln = _layer_norm(t, lg_ref[...], lb_ref[...])
    prev_ref[...] = ln
    hr = jnp.maximum(ln, 0.0)
    g2_ref[...] = jnp.dot(hr, w2_ref[...],
                          preferred_element_type=jnp.float32) * dinv


def _k6_body(q_ref, g2_ref, prev_ref, dinv_ref, b2_ref, lg_ref, lb_ref,
             wr1_ref, br1_ref, wr2_ref, br2_ref, y_ref):
    t = (q_ref[0] + q_ref[1] + g2_ref[...]) * dinv_ref[...] + b2_ref[...]
    ln = _layer_norm(t, lg_ref[...], lb_ref[...])
    hcat = ln + prev_ref[...]
    r = jnp.maximum(jnp.dot(hcat, wr1_ref[...],
                            preferred_element_type=jnp.float32)
                    + br1_ref[...], 0.0)
    y = jnp.sum(r * wr2_ref[...].T, axis=-1, keepdims=True) + br2_ref[...]
    y_ref[...] = jax.nn.sigmoid(y)


def _row_spec(bn, width):
    return pl.BlockSpec((bn, width), lambda i: (i, 0))


def _full_spec(shape):
    return pl.BlockSpec(shape, lambda i: tuple(0 for _ in shape))




def kernel(x, edge_index, bn_gamma, bn_beta, W_enc, b_enc, W1, b1, ln1_g,
           ln1_b, W2, b2, ln2_g, ln2_b, Wr1, br1, Wr2, br2):
    n, d = x.shape
    h = W1.shape[1]
    e = edge_index.shape[1]

    npad = ((n + 1 + 2047) // 2048) * 2048
    assert e % CH == 0

    gscale = bn_gamma / jnp.sqrt(1.0 + 1e-5)
    gb = jnp.stack([gscale, bn_beta])
    w1a, w1b = W1[:d], W1[d:]

    e3 = edge_index.reshape(2, e // CH, CH)

    ones8 = jnp.zeros((CH, 8), jnp.float32).at[:, 0].set(1.0)
    zeros8 = jnp.zeros((npad // NS, 8), jnp.float32)
    cnt = _sc_count(e3, ones8, zeros8, npad)

    bn = 1024
    grid = (npad // bn,)
    m = pl.pallas_call(
        _k2a_body,
        grid=grid,
        in_specs=[
            _row_spec(bn, d),
            _full_spec((2, d)),
            _full_spec((d, h)),
            _full_spec((1, h)),
            _full_spec((d, h)),
            _full_spec((h, h)),
        ],
        out_specs=_row_spec(bn, h),
        out_shape=jax.ShapeDtypeStruct((npad, h), jnp.float32),
    )(x, gb, W_enc, b_enc[None, :], w1a, w1b)

    g1, dinv = pl.pallas_call(
        _k2b_body,
        grid=grid,
        in_specs=[
            _row_spec(bn, h),
            pl.BlockSpec((NC, bn, 8), lambda i: (0, i, 0)),
        ],
        out_specs=[_row_spec(bn, h), _row_spec(bn, 1)],
        out_shape=[
            jax.ShapeDtypeStruct((npad, h), jnp.float32),
            jax.ShapeDtypeStruct((npad, 1), jnp.float32),
        ],
    )(m, cnt)

    p = _sc_scatter(g1, e3)

    prev, g2 = pl.pallas_call(
        _k4_body,
        grid=grid,
        in_specs=[
            pl.BlockSpec((NC, bn, h), lambda i: (0, i, 0)),
            _row_spec(bn, h),
            _row_spec(bn, 1),
            _full_spec((1, h)),
            _full_spec((1, h)),
            _full_spec((1, h)),
            _full_spec((h, h)),
        ],
        out_specs=[_row_spec(bn, h), _row_spec(bn, h)],
        out_shape=[
            jax.ShapeDtypeStruct((npad, h), jnp.float32),
            jax.ShapeDtypeStruct((npad, h), jnp.float32),
        ],
    )(p, g1, dinv, b1[None, :], ln1_g[None, :], ln1_b[None, :], W2)

    q = _sc_scatter(g2, e3)

    hh = Wr1.shape[1]
    y = pl.pallas_call(
        _k6_body,
        grid=grid,
        in_specs=[
            pl.BlockSpec((NC, bn, h), lambda i: (0, i, 0)),
            _row_spec(bn, h),
            _row_spec(bn, h),
            _row_spec(bn, 1),
            _full_spec((1, h)),
            _full_spec((1, h)),
            _full_spec((1, h)),
            _full_spec((h, hh)),
            _full_spec((1, hh)),
            _full_spec((hh, 1)),
            _full_spec((1, 1)),
        ],
        out_specs=_row_spec(bn, 1),
        out_shape=jax.ShapeDtypeStruct((npad, 1), jnp.float32),
    )(q, g2, prev, dinv, b2[None, :], ln2_g[None, :], ln2_b[None, :],
      Wr1, br1[None, :], Wr2, br2[None, :])

    return y[:n]

# --- scband reference (transcript-rebuilt; emitter-appended) ---
"""Pipeline reference for scband-uni-gcnregression-50620484551289 (READ-ONLY COPY).

The authoritative reference and input builder live on the scoring server;
editing this copy changes nothing except your own understanding.
"""

import jax, jax.numpy as jnp
import numpy as np

N = 10000
E = 320000
D = 128
H = 64

def _glorot(k, fan_in, fan_out):
    lim = float(np.sqrt(6.0 / (fan_in + fan_out)))
    return jax.random.uniform(k, (fan_in, fan_out), jnp.float32, -lim, lim)

def setup_inputs(seed: int = 0):
    key = jax.random.key(seed)
    ks = jax.random.split(key, 16)
    inp = {}
    inp["x"] = jax.random.normal(ks[0], (N, D), dtype=jnp.float32)
    inp["edge_index"] = jax.random.randint(ks[1], (2, E), 0, N, dtype=jnp.int32)
    # Unigencoder (AllSet-style MLP, num_layers=1, InputNorm=bn) params
    inp["bn_gamma"] = jnp.ones((D,), jnp.float32)
    inp["bn_beta"] = jnp.zeros((D,), jnp.float32)
    inp["W_enc"] = _glorot(ks[2], D, H)
    inp["b_enc"] = jnp.zeros((H,), jnp.float32)
    # GCN layer 0: in = D + H = 192
    inp["W1"] = _glorot(ks[3], D + H, H)
    inp["b1"] = jnp.zeros((H,), jnp.float32)
    inp["ln1_g"] = jnp.ones((H,), jnp.float32)
    inp["ln1_b"] = jnp.zeros((H,), jnp.float32)
    # GCN layer 1 (last)
    inp["W2"] = _glorot(ks[4], H, H)
    inp["b2"] = jnp.zeros((H,), jnp.float32)
    inp["ln2_g"] = jnp.ones((H,), jnp.float32)
    inp["ln2_b"] = jnp.zeros((H,), jnp.float32)
    # regressor
    inp["Wr1"] = _glorot(ks[5], H, H // 2)
    inp["br1"] = jnp.zeros((H // 2,), jnp.float32)
    inp["Wr2"] = _glorot(ks[6], H // 2, 1)
    inp["br2"] = jnp.zeros((1,), jnp.float32)
    return inp

def _layer_norm(h, g, b, eps=1e-5):
    mu = jnp.mean(h, axis=-1, keepdims=True)
    var = jnp.var(h, axis=-1, keepdims=True)
    return (h - mu) / jnp.sqrt(var + eps) * g + b

def _gcn_conv(h, W, b, src, dst, n):
    # PyG GCNConv: linear -> add self loops -> sym-normalized scatter-add -> bias
    h = h @ W
    loop = jnp.arange(n, dtype=src.dtype)
    s = jnp.concatenate([src, loop])
    d = jnp.concatenate([dst, loop])
    deg = jnp.zeros((n,), jnp.float32).at[d].add(1.0)
    dinv = jnp.where(deg > 0, jax.lax.rsqrt(jnp.maximum(deg, 1e-12)), 0.0)
    norm = dinv[s] * dinv[d]
    msg = h[s] * norm[:, None]
    out = jnp.zeros((n, h.shape[1]), jnp.float32).at[d].add(msg)
    return out + b

def reference(x, edge_index, bn_gamma, bn_beta, W_enc, b_enc, W1, b1, ln1_g, ln1_b, W2, b2, ln2_g, ln2_b, Wr1, br1, Wr2, br2):
    n = x.shape[0]
    src, dst = edge_index[0], edge_index[1]
    # Unigencoder: BatchNorm1d in eval mode (running_mean=0, running_var=1) + Linear
    xe = x * (bn_gamma / jnp.sqrt(1.0 + 1e-5)) + bn_beta
    xe = xe @ W_enc + b_enc
    h = jnp.concatenate([x, xe], axis=-1)
    # GCN layer 0
    h = _gcn_conv(h, W1, b1, src, dst, n)
    h = _layer_norm(h, ln1_g, ln1_b)
    prev = h
    h = jax.nn.relu(h)  # dropout is identity in eval mode
    # GCN layer 1 (last) with dense skip from previous layer output
    h = _gcn_conv(h, W2, b2, src, dst, n)
    h = _layer_norm(h, ln2_g, ln2_b)
    h = h + prev
    # regressor: Linear -> ReLU -> (Dropout eval) -> Linear -> Sigmoid
    r = jax.nn.relu(h @ Wr1 + br1)
    return jax.nn.sigmoid(r @ Wr2 + br2)

if __name__ == "__main__":
    import jax
    _d = setup_inputs()
    print(jax.jit(kernel)(*tuple(_d.values())))

</pallas_src>

<mosaic_0001>
#map = affine_map<(d0, d1) -> (0, 0)>
#map1 = affine_map<(d0, d1) -> (0, 0, 0)>
module attributes {stable_mosaic.version = 14 : i64} {
  func.func @_scatter_body(%arg0: i32, %arg1: i32, %arg2: memref<10240x64xf32, #tpu.memory_space<hbm>>, %arg3: memref<2x2500x128xi32, #tpu.memory_space<hbm>>, %arg4: memref<2x10240x64xf32, #tpu.memory_space<hbm>>, %arg5: memref<79x128xi32, #tpu.memory_space<vmem>>, %arg6: memref<79x128xi32, #tpu.memory_space<vmem>>, %arg7: memref<128x64xf32, #tpu.memory_space<vmem>>, %arg8: memref<128x64xf32, #tpu.memory_space<vmem>>, %arg9: memref<10240x64xf32, #tpu.memory_space<vmem_shared>>, %arg10: memref<10240x64xf32, #tpu.memory_space<vmem_shared>>, %arg11: memref<!tpu.dma_semaphore, #tpu.memory_space<semaphore_mem>>, %arg12: memref<!tpu.dma_semaphore, #tpu.memory_space<semaphore_mem>>) attributes {dimension_semantics = [#tpu.dimension_semantics<core_parallel>, #tpu.dimension_semantics<subcore_parallel>], iteration_bounds = array<i64: 2, 16>, scalar_prefetch = 0 : i64, scratch_operands = 8 : i64, tpu.core_type = #tpu.core_type<sc_vector_subcore>, window_params = [{transform_indices = #map}, {transform_indices = #map1}, {transform_indices = #map1}]} {
    %mul3A = arith.constant 16 : i32
    %mul3A_0 = arith.muli %arg0, %mul3A : i32
    %add3A = arith.addi %mul3A_0, %arg1 : i32
    %mul3A_1 = arith.constant 78 : i32
    %mul3A_2 = arith.muli %add3A, %mul3A_1 : i32
    %min3A = arith.constant 4 : i32
    %min3A_3 = arith.minsi %add3A, %min3A : i32
    %add3A_4 = arith.addi %mul3A_2, %min3A_3 : i32
    %run_scoped3A = arith.constant 0 : i32
    "tpu.region"() ({
      %run_scoped3A_70 = tpu.sem_alloc : memref<!tpu.dma_semaphore, #tpu.memory_space<semaphore_mem>>
      %dma_start3A_71 = arith.constant 0 : i32
      %dma_start3A_72 = arith.constant 0 : i32
      %dma_start3A_73 = tpu.memref_slice %arg5[%dma_start3A_71, %dma_start3A_72] : memref<79x128xi32, #tpu.memory_space<vmem>> -> memref<78x128xi32, #tpu.memory_space<vmem>>
      %dma_start3A_74 = arith.constant 0 : i32
      %dma_start3A_75 = tpu.memref_slice %arg3[%run_scoped3A, %add3A_4, %dma_start3A_74] : memref<2x2500x128xi32, #tpu.memory_space<hbm>> -> memref<1x78x128xi32, #tpu.memory_space<hbm>>
      %dma_start3A_76 = tpu.memref_squeeze %dma_start3A_75 : memref<1x78x128xi32, #tpu.memory_space<hbm>> -> memref<78x128xi32, #tpu.memory_space<hbm>>
      %dma_start3A_77 = arith.constant 0 : i32
      %dma_start3A_78 = arith.constant 0 : i32
      %dma_start3A_79 = tpu.memref_slice %arg5[%dma_start3A_77, %dma_start3A_78] : memref<79x128xi32, #tpu.memory_space<vmem>> -> memref<78x128xi32, #tpu.memory_space<vmem>>
      %dma_start3A_80 = arith.constant 0 : i32
      %dma_start3A_81 = tpu.memref_slice %arg3[%run_scoped3A, %add3A_4, %dma_start3A_80] : memref<2x2500x128xi32, #tpu.memory_space<hbm>> -> memref<1x78x128xi32, #tpu.memory_space<hbm>>
      %dma_start3A_82 = tpu.memref_squeeze %dma_start3A_81 : memref<1x78x128xi32, #tpu.memory_space<hbm>> -> memref<78x128xi32, #tpu.memory_space<hbm>>
      tpu.enqueue_dma source(%dma_start3A_82 : memref<78x128xi32, #tpu.memory_space<hbm>>) target(%dma_start3A_79 : memref<78x128xi32, #tpu.memory_space<vmem>>) target_semaphore(%run_scoped3A_70 : memref<!tpu.dma_semaphore, #tpu.memory_space<semaphore_mem>>)
      %dma_wait3A = arith.constant 0 : i32
      %dma_wait3A_83 = arith.constant 0 : i32
      %dma_wait3A_84 = tpu.memref_slice %arg5[%dma_wait3A, %dma_wait3A_83] : memref<79x128xi32, #tpu.memory_space<vmem>> -> memref<78x128xi32, #tpu.memory_space<vmem>>
      %dma_wait3A_85 = arith.constant 0 : i32
      %dma_wait3A_86 = tpu.memref_slice %arg3[%run_scoped3A, %add3A_4, %dma_wait3A_85] : memref<2x2500x128xi32, #tpu.memory_space<hbm>> -> memref<1x78x128xi32, #tpu.memory_space<hbm>>
      %dma_wait3A_87 = tpu.memref_squeeze %dma_wait3A_86 : memref<1x78x128xi32, #tpu.memory_space<hbm>> -> memref<78x128xi32, #tpu.memory_space<hbm>>
      %dma_wait3A_88 = arith.constant 0 : i32
      %dma_wait3A_89 = arith.constant 0 : i32
      %dma_wait3A_90 = tpu.memref_slice %arg5[%dma_wait3A_88, %dma_wait3A_89] : memref<79x128xi32, #tpu.memory_space<vmem>> -> memref<78x128xi32, #tpu.memory_space<vmem>>
      %dma_wait3A_91 = arith.constant 0 : i32
      %dma_wait3A_92 = tpu.memref_slice %arg3[%run_scoped3A, %add3A_4, %dma_wait3A_91] : memref<2x2500x128xi32, #tpu.memory_space<hbm>> -> memref<1x78x128xi32, #tpu.memory_space<hbm>>
      %dma_wait3A_93 = tpu.memref_squeeze %dma_wait3A_92 : memref<1x78x128xi32, #tpu.memory_space<hbm>> -> memref<78x128xi32, #tpu.memory_space<hbm>>
      tpu.wait_dma2 semaphore(%run_scoped3A_70 : memref<!tpu.dma_semaphore, #tpu.memory_space<semaphore_mem>>) src(%dma_wait3A_93 : memref<78x128xi32, #tpu.memory_space<hbm>>) dst(%dma_wait3A_90 : memref<78x128xi32, #tpu.memory_space<vmem>>)
      tpu.yield
    }) : () -> ()
    %lt3A = arith.constant 4 : i32
    %lt3A_5 = arith.cmpi slt, %add3A, %lt3A : i32
    %convert_element_type3A = arith.extui %lt3A_5 : i1 to i32
    %cond3A = arith.constant 0 : i32
    %cond3A_6 = arith.cmpi ne, %convert_element_type3A, %cond3A : i32
    scf.if %cond3A_6 {
      %add3A_70 = arith.constant 78 : i32
      %add3A_71 = arith.addi %add3A_4, %add3A_70 : i32
      %run_scoped3A_72 = arith.constant 0 : i32
      %run_scoped3A_73 = arith.constant 78 : i32
      "tpu.region"() ({
        %run_scoped3A_74 = tpu.sem_alloc : memref<!tpu.dma_semaphore, #tpu.memory_space<semaphore_mem>>
        %dma_start3A_75 = arith.constant 0 : i32
        %dma_start3A_76 = tpu.memref_slice %arg5[%run_scoped3A_73, %dma_start3A_75] : memref<79x128xi32, #tpu.memory_space<vmem>> -> memref<1x128xi32, #tpu.memory_space<vmem>>
        %dma_start3A_77 = tpu.memref_squeeze %dma_start3A_76 : memref<1x128xi32, #tpu.memory_space<vmem>> -> memref<128xi32, #tpu.memory_space<vmem>>
        %dma_start3A_78 = arith.constant 0 : i32
        %dma_start3A_79 = tpu.memref_slice %arg3[%run_scoped3A_72, %add3A_71, %dma_start3A_78] : memref<2x2500x128xi32, #tpu.memory_space<hbm>> -> memref<1x1x128xi32, #tpu.memory_space<hbm>>
        %dma_start3A_80 = tpu.memref_squeeze %dma_start3A_79 : memref<1x1x128xi32, #tpu.memory_space<hbm>> -> memref<128xi32, #tpu.memory_space<hbm>>
        %dma_start3A_81 = arith.constant 0 : i32
        %dma_start3A_82 = tpu.memref_slice %arg5[%run_scoped3A_73, %dma_start3A_81] : memref<79x128xi32, #tpu.memory_space<vmem>> -> memref<1x128xi32, #tpu.memory_space<vmem>>
        %dma_start3A_83 = tpu.memref_squeeze %dma_start3A_82 : memref<1x128xi32, #tpu.memory_space<vmem>> -> memref<128xi32, #tpu.memory_space<vmem>>
        %dma_start3A_84 = arith.constant 0 : i32
        %dma_start3A_85 = tpu.memref_slice %arg3[%run_scoped3A_72, %add3A_71, %dma_start3A_84] : memref<2x2500x128xi32, #tpu.memory_space<hbm>> -> memref<1x1x128xi32, #tpu.memory_space<hbm>>
        %dma_start3A_86 = tpu.memref_squeeze %dma_start3A_85 : memref<1x1x128xi32, #tpu.memory_space<hbm>> -> memref<128xi32, #tpu.memory_space<hbm>>
        tpu.enqueue_dma source(%dma_start3A_86 : memref<128xi32, #tpu.memory_space<hbm>>) target(%dma_start3A_83 : memref<128xi32, #tpu.memory_space<vmem>>) target_semaphore(%run_scoped3A_74 : memref<!tpu.dma_semaphore, #tpu.memory_space<semaphore_mem>>)
        %dma_wait3A = arith.constant 0 : i32
        %dma_wait3A_87 = tpu.memref_slice %arg5[%run_scoped3A_73, %dma_wait3A] : memref<79x128xi32, #tpu.memory_space<vmem>> -> memref<1x128xi32, #tpu.memory_space<vmem>>
        %dma_wait3A_88 = tpu.memref_squeeze %dma_wait3A_87 : memref<1x128xi32, #tpu.memory_space<vmem>> -> memref<128xi32, #tpu.memory_space<vmem>>
        %dma_wait3A_89 = arith.constant 0 : i32
        %dma_wait3A_90 = tpu.memref_slice %arg3[%run_scoped3A_72, %add3A_71, %dma_wait3A_89] : memref<2x2500x128xi32, #tpu.memory_space<hbm>> -> memref<1x1x128xi32, #tpu.memory_space<hbm>>
        %dma_wait3A_91 = tpu.memref_squeeze %dma_wait3A_90 : memref<1x1x128xi32, #tpu.memory_space<hbm>> -> memref<128xi32, #tpu.memory_space<hbm>>
        %dma_wait3A_92 = arith.constant 0 : i32
        %dma_wait3A_93 = tpu.memref_slice %arg5[%run_scoped3A_73, %dma_wait3A_92] : memref<79x128xi32, #tpu.memory_space<vmem>> -> memref<1x128xi32, #tpu.memory_space<vmem>>
        %dma_wait3A_94 = tpu.memref_squeeze %dma_wait3A_93 : memref<1x128xi32, #tpu.memory_space<vmem>> -> memref<128xi32, #tpu.memory_space<vmem>>
        %dma_wait3A_95 = arith.constant 0 : i32
        %dma_wait3A_96 = tpu.memref_slice %arg3[%run_scoped3A_72, %add3A_71, %dma_wait3A_95] : memref<2x2500x128xi32, #tpu.memory_space<hbm>> -> memref<1x1x128xi32, #tpu.memory_space<hbm>>
        %dma_wait3A_97 = tpu.memref_squeeze %dma_wait3A_96 : memref<1x1x128xi32, #tpu.memory_space<hbm>> -> memref<128xi32, #tpu.memory_space<hbm>>
        tpu.wait_dma2 semaphore(%run_scoped3A_74 : memref<!tpu.dma_semaphore, #tpu.memory_space<semaphore_mem>>) src(%dma_wait3A_97 : memref<128xi32, #tpu.memory_space<hbm>>) dst(%dma_wait3A_94 : memref<128xi32, #tpu.memory_space<vmem>>)
        tpu.yield
      }) : () -> ()
    } else {
    }
    %mul3A_7 = arith.constant 78 : i32
    %mul3A_8 = arith.muli %add3A, %mul3A_7 : i32
    %min3A_9 = arith.constant 4 : i32
    %min3A_10 = arith.minsi %add3A, %min3A_9 : i32
    %add3A_11 = arith.addi %mul3A_8, %min3A_10 : i32
    %run_scoped3A_12 = arith.constant 1 : i32
    "tpu.region"() ({
      %run_scoped3A_70 = tpu.sem_alloc : memref<!tpu.dma_semaphore, #tpu.memory_space<semaphore_mem>>
      %dma_start3A_71 = arith.constant 0 : i32
      %dma_start3A_72 = arith.constant 0 : i32
      %dma_start3A_73 = tpu.memref_slice %arg6[%dma_start3A_71, %dma_start3A_72] : memref<79x128xi32, #tpu.memory_space<vmem>> -> memref<78x128xi32, #tpu.memory_space<vmem>>
      %dma_start3A_74 = arith.constant 0 : i32
      %dma_start3A_75 = tpu.memref_slice %arg3[%run_scoped3A_12, %add3A_11, %dma_start3A_74] : memref<2x2500x128xi32, #tpu.memory_space<hbm>> -> memref<1x78x128xi32, #tpu.memory_space<hbm>>
      %dma_start3A_76 = tpu.memref_squeeze %dma_start3A_75 : memref<1x78x128xi32, #tpu.memory_space<hbm>> -> memref<78x128xi32, #tpu.memory_space<hbm>>
      %dma_start3A_77 = arith.constant 0 : i32
      %dma_start3A_78 = arith.constant 0 : i32
      %dma_start3A_79 = tpu.memref_slice %arg6[%dma_start3A_77, %dma_start3A_78] : memref<79x128xi32, #tpu.memory_space<vmem>> -> memref<78x128xi32, #tpu.memory_space<vmem>>
      %dma_start3A_80 = arith.constant 0 : i32
      %dma_start3A_81 = tpu.memref_slice %arg3[%run_scoped3A_12, %add3A_11, %dma_start3A_80] : memref<2x2500x128xi32, #tpu.memory_space<hbm>> -> memref<1x78x128xi32, #tpu.memory_space<hbm>>
      %dma_start3A_82 = tpu.memref_squeeze %dma_start3A_81 : memref<1x78x128xi32, #tpu.memory_space<hbm>> -> memref<78x128xi32, #tpu.memory_space<hbm>>
      tpu.enqueue_dma source(%dma_start3A_82 : memref<78x128xi32, #tpu.memory_space<hbm>>) target(%dma_start3A_79 : memref<78x128xi32, #tpu.memory_space<vmem>>) target_semaphore(%run_scoped3A_70 : memref<!tpu.dma_semaphore, #tpu.memory_space<semaphore_mem>>)
      %dma_wait3A = arith.constant 0 : i32
      %dma_wait3A_83 = arith.constant 0 : i32
      %dma_wait3A_84 = tpu.memref_slice %arg6[%dma_wait3A, %dma_wait3A_83] : memref<79x128xi32, #tpu.memory_space<vmem>> -> memref<78x128xi32, #tpu.memory_space<vmem>>
      %dma_wait3A_85 = arith.constant 0 : i32
      %dma_wait3A_86 = tpu.memref_slice %arg3[%run_scoped3A_12, %add3A_11, %dma_wait3A_85] : memref<2x2500x128xi32, #tpu.memory_space<hbm>> -> memref<1x78x128xi32, #tpu.memory_space<hbm>>
      %dma_wait3A_87 = tpu.memref_squeeze %dma_wait3A_86 : memref<1x78x128xi32, #tpu.memory_space<hbm>> -> memref<78x128xi32, #tpu.memory_space<hbm>>
      %dma_wait3A_88 = arith.constant 0 : i32
      %dma_wait3A_89 = arith.constant 0 : i32
      %dma_wait3A_90 = tpu.memref_slice %arg6[%dma_wait3A_88, %dma_wait3A_89] : memref<79x128xi32, #tpu.memory_space<vmem>> -> memref<78x128xi32, #tpu.memory_space<vmem>>
      %dma_wait3A_91 = arith.constant 0 : i32
      %dma_wait3A_92 = tpu.memref_slice %arg3[%run_scoped3A_12, %add3A_11, %dma_wait3A_91] : memref<2x2500x128xi32, #tpu.memory_space<hbm>> -> memref<1x78x128xi32, #tpu.memory_space<hbm>>
      %dma_wait3A_93 = tpu.memref_squeeze %dma_wait3A_92 : memref<1x78x128xi32, #tpu.memory_space<hbm>> -> memref<78x128xi32, #tpu.memory_space<hbm>>
      tpu.wait_dma2 semaphore(%run_scoped3A_70 : memref<!tpu.dma_semaphore, #tpu.memory_space<semaphore_mem>>) src(%dma_wait3A_93 : memref<78x128xi32, #tpu.memory_space<hbm>>) dst(%dma_wait3A_90 : memref<78x128xi32, #tpu.memory_space<vmem>>)
      tpu.yield
    }) : () -> ()
    %lt3A_13 = arith.constant 4 : i32
    %lt3A_14 = arith.cmpi slt, %add3A, %lt3A_13 : i32
    %convert_element_type3A_15 = arith.extui %lt3A_14 : i1 to i32
    %cond3A_16 = arith.constant 0 : i32
    %cond3A_17 = arith.cmpi ne, %convert_element_type3A_15, %cond3A_16 : i32
    scf.if %cond3A_17 {
      %add3A_70 = arith.constant 78 : i32
      %add3A_71 = arith.addi %add3A_11, %add3A_70 : i32
      %run_scoped3A_72 = arith.constant 1 : i32
      %run_scoped3A_73 = arith.constant 78 : i32
      "tpu.region"() ({
        %run_scoped3A_74 = tpu.sem_alloc : memref<!tpu.dma_semaphore, #tpu.memory_space<semaphore_mem>>
        %dma_start3A_75 = arith.constant 0 : i32
        %dma_start3A_76 = tpu.memref_slice %arg6[%run_scoped3A_73, %dma_start3A_75] : memref<79x128xi32, #tpu.memory_space<vmem>> -> memref<1x128xi32, #tpu.memory_space<vmem>>
        %dma_start3A_77 = tpu.memref_squeeze %dma_start3A_76 : memref<1x128xi32, #tpu.memory_space<vmem>> -> memref<128xi32, #tpu.memory_space<vmem>>
        %dma_start3A_78 = arith.constant 0 : i32
        %dma_start3A_79 = tpu.memref_slice %arg3[%run_scoped3A_72, %add3A_71, %dma_start3A_78] : memref<2x2500x128xi32, #tpu.memory_space<hbm>> -> memref<1x1x128xi32, #tpu.memory_space<hbm>>
        %dma_start3A_80 = tpu.memref_squeeze %dma_start3A_79 : memref<1x1x128xi32, #tpu.memory_space<hbm>> -> memref<128xi32, #tpu.memory_space<hbm>>
        %dma_start3A_81 = arith.constant 0 : i32
        %dma_start3A_82 = tpu.memref_slice %arg6[%run_scoped3A_73, %dma_start3A_81] : memref<79x128xi32, #tpu.memory_space<vmem>> -> memref<1x128xi32, #tpu.memory_space<vmem>>
        %dma_start3A_83 = tpu.memref_squeeze %dma_start3A_82 : memref<1x128xi32, #tpu.memory_space<vmem>> -> memref<128xi32, #tpu.memory_space<vmem>>
        %dma_start3A_84 = arith.constant 0 : i32
        %dma_start3A_85 = tpu.memref_slice %arg3[%run_scoped3A_72, %add3A_71, %dma_start3A_84] : memref<2x2500x128xi32, #tpu.memory_space<hbm>> -> memref<1x1x128xi32, #tpu.memory_space<hbm>>
        %dma_start3A_86 = tpu.memref_squeeze %dma_start3A_85 : memref<1x1x128xi32, #tpu.memory_space<hbm>> -> memref<128xi32, #tpu.memory_space<hbm>>
        tpu.enqueue_dma source(%dma_start3A_86 : memref<128xi32, #tpu.memory_space<hbm>>) target(%dma_start3A_83 : memref<128xi32, #tpu.memory_space<vmem>>) target_semaphore(%run_scoped3A_74 : memref<!tpu.dma_semaphore, #tpu.memory_space<semaphore_mem>>)
        %dma_wait3A = arith.constant 0 : i32
        %dma_wait3A_87 = tpu.memref_slice %arg6[%run_scoped3A_73, %dma_wait3A] : memref<79x128xi32, #tpu.memory_space<vmem>> -> memref<1x128xi32, #tpu.memory_space<vmem>>
        %dma_wait3A_88 = tpu.memref_squeeze %dma_wait3A_87 : memref<1x128xi32, #tpu.memory_space<vmem>> -> memref<128xi32, #tpu.memory_space<vmem>>
        %dma_wait3A_89 = arith.constant 0 : i32
        %dma_wait3A_90 = tpu.memref_slice %arg3[%run_scoped3A_72, %add3A_71, %dma_wait3A_89] : memref<2x2500x128xi32, #tpu.memory_space<hbm>> -> memref<1x1x128xi32, #tpu.memory_space<hbm>>
        %dma_wait3A_91 = tpu.memref_squeeze %dma_wait3A_90 : memref<1x1x128xi32, #tpu.memory_space<hbm>> -> memref<128xi32, #tpu.memory_space<hbm>>
        %dma_wait3A_92 = arith.constant 0 : i32
        %dma_wait3A_93 = tpu.memref_slice %arg6[%run_scoped3A_73, %dma_wait3A_92] : memref<79x128xi32, #tpu.memory_space<vmem>> -> memref<1x128xi32, #tpu.memory_space<vmem>>
        %dma_wait3A_94 = tpu.memref_squeeze %dma_wait3A_93 : memref<1x128xi32, #tpu.memory_space<vmem>> -> memref<128xi32, #tpu.memory_space<vmem>>
        %dma_wait3A_95 = arith.constant 0 : i32
        %dma_wait3A_96 = tpu.memref_slice %arg3[%run_scoped3A_72, %add3A_71, %dma_wait3A_95] : memref<2x2500x128xi32, #tpu.memory_space<hbm>> -> memref<1x1x128xi32, #tpu.memory_space<hbm>>
        %dma_wait3A_97 = tpu.memref_squeeze %dma_wait3A_96 : memref<1x1x128xi32, #tpu.memory_space<hbm>> -> memref<128xi32, #tpu.memory_space<hbm>>
        tpu.wait_dma2 semaphore(%run_scoped3A_74 : memref<!tpu.dma_semaphore, #tpu.memory_space<semaphore_mem>>) src(%dma_wait3A_97 : memref<128xi32, #tpu.memory_space<hbm>>) dst(%dma_wait3A_94 : memref<128xi32, #tpu.memory_space<vmem>>)
        tpu.yield
      }) : () -> ()
    } else {
    }
    %mul3A_18 = arith.constant 640 : i32
    %mul3A_19 = arith.muli %arg1, %mul3A_18 : i32
    %mul3A_20 = arith.constant 640 : i32
    %mul3A_21 = arith.muli %arg1, %mul3A_20 : i32
    "tpu.region"() ({
      %run_scoped3A_70 = tpu.sem_alloc : memref<!tpu.dma_semaphore, #tpu.memory_space<semaphore_mem>>
      %dma_start3A_71 = arith.constant 0 : i32
      %dma_start3A_72 = tpu.memref_slice %arg9[%mul3A_21, %dma_start3A_71] : memref<10240x64xf32, #tpu.memory_space<vmem_shared>> -> memref<640x64xf32, #tpu.memory_space<vmem_shared>>
      %dma_start3A_73 = arith.constant 0 : i32
      %dma_start3A_74 = tpu.memref_slice %arg2[%mul3A_19, %dma_start3A_73] : memref<10240x64xf32, #tpu.memory_space<hbm>> -> memref<640x64xf32, #tpu.memory_space<hbm>>
      tpu.enqueue_dma source(%dma_start3A_74 : memref<640x64xf32, #tpu.memory_space<hbm>>) target(%dma_start3A_72 : memref<640x64xf32, #tpu.memory_space<vmem_shared>>) target_semaphore(%run_scoped3A_70 : memref<!tpu.dma_semaphore, #tpu.memory_space<semaphore_mem>>)
      %dma_wait3A = arith.constant 0 : i32
      %dma_wait3A_75 = tpu.memref_slice %arg9[%mul3A_21, %dma_wait3A] : memref<10240x64xf32, #tpu.memory_space<vmem_shared>> -> memref<640x64xf32, #tpu.memory_space<vmem_shared>>
      %dma_wait3A_76 = arith.constant 0 : i32
      %dma_wait3A_77 = tpu.memref_slice %arg2[%mul3A_19, %dma_wait3A_76] : memref<10240x64xf32, #tpu.memory_space<hbm>> -> memref<640x64xf32, #tpu.memory_space<hbm>>
      tpu.wait_dma2 semaphore(%run_scoped3A_70 : memref<!tpu.dma_semaphore, #tpu.memory_space<semaphore_mem>>) src(%dma_wait3A_77 : memref<640x64xf32, #tpu.memory_space<hbm>>) dst(%dma_wait3A_75 : memref<640x64xf32, #tpu.memory_space<vmem_shared>>)
      tpu.yield
    }) : () -> ()
    %broadcast_in_dim3A = arith.constant 0.000000e+00 : f32
    %broadcast_in_dim3A_22 = vector.broadcast %broadcast_in_dim3A : f32 to vector<16xf32>
    %scan3A = arith.constant 0 : i32
    %scan3A_23 = arith.constant 0 : i32
    %scan3A_24 = arith.constant 128 : i32
    %scan3A_25 = arith.addi %scan3A_23, %scan3A_24 : i32
    %scan3A_26 = arith.constant 1 : i32
    scf.for %scan3A_70 = %scan3A_23 to %scan3A_25 step %scan3A_26  : i32 {
      %swap3A = arith.index_cast %scan3A_70 : i32 to index
      %swap3A_71 = arith.constant 0 : index
      %swap3A_72 = tpu.vector_load %arg7[%swap3A, %swap3A_71] {strides = array<i32>} : memref<128x64xf32, #tpu.memory_space<vmem>>, vector<16xf32>,
      tpu.vector_store %arg7[%swap3A, %swap3A_71], %broadcast_in_dim3A_22 {strides = array<i32>} : memref<128x64xf32, #tpu.memory_space<vmem>>, vector<16xf32>,
      %swap3A_73 = arith.index_cast %scan3A_70 : i32 to index
      %swap3A_74 = arith.constant 16 : index
      %swap3A_75 = tpu.vector_load %arg7[%swap3A_73, %swap3A_74] {strides = array<i32>} : memref<128x64xf32, #tpu.memory_space<vmem>>, vector<16xf32>,
      tpu.vector_store %arg7[%swap3A_73, %swap3A_74], %broadcast_in_dim3A_22 {strides = array<i32>} : memref<128x64xf32, #tpu.memory_space<vmem>>, vector<16xf32>,
      %swap3A_76 = arith.index_cast %scan3A_70 : i32 to index
      %swap3A_77 = arith.constant 32 : index
      %swap3A_78 = tpu.vector_load %arg7[%swap3A_76, %swap3A_77] {strides = array<i32>} : memref<128x64xf32, #tpu.memory_space<vmem>>, vector<16xf32>,
      tpu.vector_store %arg7[%swap3A_76, %swap3A_77], %broadcast_in_dim3A_22 {strides = array<i32>} : memref<128x64xf32, #tpu.memory_space<vmem>>, vector<16xf32>,
      %swap3A_79 = arith.index_cast %scan3A_70 : i32 to index
      %swap3A_80 = arith.constant 48 : index
      %swap3A_81 = tpu.vector_load %arg7[%swap3A_79, %swap3A_80] {strides = array<i32>} : memref<128x64xf32, #tpu.memory_space<vmem>>, vector<16xf32>,
      tpu.vector_store %arg7[%swap3A_79, %swap3A_80], %broadcast_in_dim3A_22 {strides = array<i32>} : memref<128x64xf32, #tpu.memory_space<vmem>>, vector<16xf32>,
    }
    %scan3A_27 = arith.constant 128 : i32
    %mul3A_28 = arith.constant 640 : i32
    %mul3A_29 = arith.muli %arg1, %mul3A_28 : i32
    %add3A_30 = arith.constant 0 : i32
    %add3A_31 = arith.addi %mul3A_29, %add3A_30 : i32
    "tpu.region"() ({
      %run_scoped3A_70 = tpu.sem_alloc : memref<!tpu.dma_semaphore, #tpu.memory_space<semaphore_mem>>
      %dma_start3A_71 = arith.constant 0 : i32
      %dma_start3A_72 = tpu.memref_slice %arg10[%add3A_31, %dma_start3A_71] : memref<10240x64xf32, #tpu.memory_space<vmem_shared>> -> memref<128x64xf32, #tpu.memory_space<vmem_shared>>
      %dma_start3A_73 = arith.constant 0 : i32
      %dma_start3A_74 = tpu.memref_slice %arg10[%add3A_31, %dma_start3A_73] : memref<10240x64xf32, #tpu.memory_space<vmem_shared>> -> memref<128x64xf32, #tpu.memory_space<vmem_shared>>
      tpu.enqueue_dma source(%arg7 : memref<128x64xf32, #tpu.memory_space<vmem>>) target(%dma_start3A_74 : memref<128x64xf32, #tpu.memory_space<vmem_shared>>) target_semaphore(%run_scoped3A_70 : memref<!tpu.dma_semaphore, #tpu.memory_space<semaphore_mem>>)
      %dma_wait3A = arith.constant 0 : i32
      %dma_wait3A_75 = tpu.memref_slice %arg10[%add3A_31, %dma_wait3A] : memref<10240x64xf32, #tpu.memory_space<vmem_shared>> -> memref<128x64xf32, #tpu.memory_space<vmem_shared>>
      %dma_wait3A_76 = arith.constant 0 : i32
      %dma_wait3A_77 = tpu.memref_slice %arg10[%add3A_31, %dma_wait3A_76] : memref<10240x64xf32, #tpu.memory_space<vmem_shared>> -> memref<128x64xf32, #tpu.memory_space<vmem_shared>>
      tpu.wait_dma2 semaphore(%run_scoped3A_70 : memref<!tpu.dma_semaphore, #tpu.memory_space<semaphore_mem>>) src(%arg7 : memref<128x64xf32, #tpu.memory_space<vmem>>) dst(%dma_wait3A_77 : memref<128x64xf32, #tpu.memory_space<vmem_shared>>)
      tpu.yield
    }) : () -> ()
    %mul3A_32 = arith.constant 640 : i32
    %mul3A_33 = arith.muli %arg1, %mul3A_32 : i32
    %add3A_34 = arith.constant 128 : i32
    %add3A_35 = arith.addi %mul3A_33, %add3A_34 : i32
    "tpu.region"() ({
      %run_scoped3A_70 = tpu.sem_alloc : memref<!tpu.dma_semaphore, #tpu.memory_space<semaphore_mem>>
      %dma_start3A_71 = arith.constant 0 : i32
      %dma_start3A_72 = tpu.memref_slice %arg10[%add3A_35, %dma_start3A_71] : memref<10240x64xf32, #tpu.memory_space<vmem_shared>> -> memref<128x64xf32, #tpu.memory_space<vmem_shared>>
      %dma_start3A_73 = arith.constant 0 : i32
      %dma_start3A_74 = tpu.memref_slice %arg10[%add3A_35, %dma_start3A_73] : memref<10240x64xf32, #tpu.memory_space<vmem_shared>> -> memref<128x64xf32, #tpu.memory_space<vmem_shared>>
      tpu.enqueue_dma source(%arg7 : memref<128x64xf32, #tpu.memory_space<vmem>>) target(%dma_start3A_74 : memref<128x64xf32, #tpu.memory_space<vmem_shared>>) target_semaphore(%run_scoped3A_70 : memref<!tpu.dma_semaphore, #tpu.memory_space<semaphore_mem>>)
      %dma_wait3A = arith.constant 0 : i32
      %dma_wait3A_75 = tpu.memref_slice %arg10[%add3A_35, %dma_wait3A] : memref<10240x64xf32, #tpu.memory_space<vmem_shared>> -> memref<128x64xf32, #tpu.memory_space<vmem_shared>>
      %dma_wait3A_76 = arith.constant 0 : i32
      %dma_wait3A_77 = tpu.memref_slice %arg10[%add3A_35, %dma_wait3A_76] : memref<10240x64xf32, #tpu.memory_space<vmem_shared>> -> memref<128x64xf32, #tpu.memory_space<vmem_shared>>
      tpu.wait_dma2 semaphore(%run_scoped3A_70 : memref<!tpu.dma_semaphore, #tpu.memory_space<semaphore_mem>>) src(%arg7 : memref<128x64xf32, #tpu.memory_space<vmem>>) dst(%dma_wait3A_77 : memref<128x64xf32, #tpu.memory_space<vmem_shared>>)
      tpu.yield
    }) : () -> ()
    %mul3A_36 = arith.constant 640 : i32
    %mul3A_37 = arith.muli %arg1, %mul3A_36 : i32
    %add3A_38 = arith.constant 256 : i32
    %add3A_39 = arith.addi %mul3A_37, %add3A_38 : i32
    "tpu.region"() ({
      %run_scoped3A_70 = tpu.sem_alloc : memref<!tpu.dma_semaphore, #tpu.memory_space<semaphore_mem>>
      %dma_start3A_71 = arith.constant 0 : i32
      %dma_start3A_72 = tpu.memref_slice %arg10[%add3A_39, %dma_start3A_71] : memref<10240x64xf32, #tpu.memory_space<vmem_shared>> -> memref<128x64xf32, #tpu.memory_space<vmem_shared>>
      %dma_start3A_73 = arith.constant 0 : i32
      %dma_start3A_74 = tpu.memref_slice %arg10[%add3A_39, %dma_start3A_73] : memref<10240x64xf32, #tpu.memory_space<vmem_shared>> -> memref<128x64xf32, #tpu.memory_space<vmem_shared>>
      tpu.enqueue_dma source(%arg7 : memref<128x64xf32, #tpu.memory_space<vmem>>) target(%dma_start3A_74 : memref<128x64xf32, #tpu.memory_space<vmem_shared>>) target_semaphore(%run_scoped3A_70 : memref<!tpu.dma_semaphore, #tpu.memory_space<semaphore_mem>>)
      %dma_wait3A = arith.constant 0 : i32
      %dma_wait3A_75 = tpu.memref_slice %arg10[%add3A_39, %dma_wait3A] : memref<10240x64xf32, #tpu.memory_space<vmem_shared>> -> memref<128x64xf32, #tpu.memory_space<vmem_shared>>
      %dma_wait3A_76 = arith.constant 0 : i32
      %dma_wait3A_77 = tpu.memref_slice %arg10[%add3A_39, %dma_wait3A_76] : memref<10240x64xf32, #tpu.memory_space<vmem_shared>> -> memref<128x64xf32, #tpu.memory_space<vmem_shared>>
      tpu.wait_dma2 semaphore(%run_scoped3A_70 : memref<!tpu.dma_semaphore, #tpu.memory_space<semaphore_mem>>) src(%arg7 : memref<128x64xf32, #tpu.memory_space<vmem>>) dst(%dma_wait3A_77 : memref<128x64xf32, #tpu.memory_space<vmem_shared>>)
      tpu.yield
    }) : () -> ()
    %mul3A_40 = arith.constant 640 : i32
    %mul3A_41 = arith.muli %arg1, %mul3A_40 : i32
    %add3A_42 = arith.constant 384 : i32
    %add3A_43 = arith.addi %mul3A_41, %add3A_42 : i32
    "tpu.region"() ({
      %run_scoped3A_70 = tpu.sem_alloc : memref<!tpu.dma_semaphore, #tpu.memory_space<semaphore_mem>>
      %dma_start3A_71 = arith.constant 0 : i32
      %dma_start3A_72 = tpu.memref_slice %arg10[%add3A_43, %dma_start3A_71] : memref<10240x64xf32, #tpu.memory_space<vmem_shared>> -> memref<128x64xf32, #tpu.memory_space<vmem_shared>>
      %dma_start3A_73 = arith.constant 0 : i32
      %dma_start3A_74 = tpu.memref_slice %arg10[%add3A_43, %dma_start3A_73] : memref<10240x64xf32, #tpu.memory_space<vmem_shared>> -> memref<128x64xf32, #tpu.memory_space<vmem_shared>>
      tpu.enqueue_dma source(%arg7 : memref<128x64xf32, #tpu.memory_space<vmem>>) target(%dma_start3A_74 : memref<128x64xf32, #tpu.memory_space<vmem_shared>>) target_semaphore(%run_scoped3A_70 : memref<!tpu.dma_semaphore, #tpu.memory_space<semaphore_mem>>)
      %dma_wait3A = arith.constant 0 : i32
      %dma_wait3A_75 = tpu.memref_slice %arg10[%add3A_43, %dma_wait3A] : memref<10240x64xf32, #tpu.memory_space<vmem_shared>> -> memref<128x64xf32, #tpu.memory_space<vmem_shared>>
      %dma_wait3A_76 = arith.constant 0 : i32
      %dma_wait3A_77 = tpu.memref_slice %arg10[%add3A_43, %dma_wait3A_76] : memref<10240x64xf32, #tpu.memory_space<vmem_shared>> -> memref<128x64xf32, #tpu.memory_space<vmem_shared>>
      tpu.wait_dma2 semaphore(%run_scoped3A_70 : memref<!tpu.dma_semaphore, #tpu.memory_space<semaphore_mem>>) src(%arg7 : memref<128x64xf32, #tpu.memory_space<vmem>>) dst(%dma_wait3A_77 : memref<128x64xf32, #tpu.memory_space<vmem_shared>>)
      tpu.yield
    }) : () -> ()
    %mul3A_44 = arith.constant 640 : i32
    %mul3A_45 = arith.muli %arg1, %mul3A_44 : i32
    %add3A_46 = arith.constant 512 : i32
    %add3A_47 = arith.addi %mul3A_45, %add3A_46 : i32
    "tpu.region"() ({
      %run_scoped3A_70 = tpu.sem_alloc : memref<!tpu.dma_semaphore, #tpu.memory_space<semaphore_mem>>
      %dma_start3A_71 = arith.constant 0 : i32
      %dma_start3A_72 = tpu.memref_slice %arg10[%add3A_47, %dma_start3A_71] : memref<10240x64xf32, #tpu.memory_space<vmem_shared>> -> memref<128x64xf32, #tpu.memory_space<vmem_shared>>
      %dma_start3A_73 = arith.constant 0 : i32
      %dma_start3A_74 = tpu.memref_slice %arg10[%add3A_47, %dma_start3A_73] : memref<10240x64xf32, #tpu.memory_space<vmem_shared>> -> memref<128x64xf32, #tpu.memory_space<vmem_shared>>
      tpu.enqueue_dma source(%arg7 : memref<128x64xf32, #tpu.memory_space<vmem>>) target(%dma_start3A_74 : memref<128x64xf32, #tpu.memory_space<vmem_shared>>) target_semaphore(%run_scoped3A_70 : memref<!tpu.dma_semaphore, #tpu.memory_space<semaphore_mem>>)
      %dma_wait3A = arith.constant 0 : i32
      %dma_wait3A_75 = tpu.memref_slice %arg10[%add3A_47, %dma_wait3A] : memref<10240x64xf32, #tpu.memory_space<vmem_shared>> -> memref<128x64xf32, #tpu.memory_space<vmem_shared>>
      %dma_wait3A_76 = arith.constant 0 : i32
      %dma_wait3A_77 = tpu.memref_slice %arg10[%add3A_47, %dma_wait3A_76] : memref<10240x64xf32, #tpu.memory_space<vmem_shared>> -> memref<128x64xf32, #tpu.memory_space<vmem_shared>>
      tpu.wait_dma2 semaphore(%run_scoped3A_70 : memref<!tpu.dma_semaphore, #tpu.memory_space<semaphore_mem>>) src(%arg7 : memref<128x64xf32, #tpu.memory_space<vmem>>) dst(%dma_wait3A_77 : memref<128x64xf32, #tpu.memory_space<vmem_shared>>)
      tpu.yield
    }) : () -> ()
    %barrier3A = arith.constant 0 : index
    tpu.barrier barrier_id(%barrier3A)
    %dma_start3A = arith.constant 0 : i32
    %dma_start3A_48 = arith.constant 0 : i32
    %dma_start3A_49 = tpu.memref_slice %arg5[%dma_start3A, %dma_start3A_48] : memref<79x128xi32, #tpu.memory_space<vmem>> -> memref<1x128xi32, #tpu.memory_space<vmem>>
    %dma_start3A_50 = tpu.memref_squeeze %dma_start3A_49 : memref<1x128xi32, #tpu.memory_space<vmem>> -> memref<128xi32, #tpu.memory_space<vmem>>
    %dma_start3A_51 = arith.constant 0 : i32
    %dma_start3A_52 = arith.constant 0 : i32
    %dma_start3A_53 = tpu.memref_slice %arg9[%dma_start3A_51, %dma_start3A_52] : memref<10240x64xf32, #tpu.memory_space<vmem_shared>> -> memref<10240x64xf32, #tpu.memory_space<vmem_shared>>
    tpu.enqueue_indirect_dma source(%dma_start3A_53 : memref<10240x64xf32, #tpu.memory_space<vmem_shared>>) target(%arg7 : memref<128x64xf32, #tpu.memory_space<vmem>>) offsets(%dma_start3A_50 : memref<128xi32, #tpu.memory_space<vmem>>) semaphore(%arg11 : memref<!tpu.dma_semaphore, #tpu.memory_space<semaphore_mem>>)
    %scan3A_54 = arith.constant 0 : i32
    %scan3A_55 = arith.constant 0 : i32
    %scan3A_56 = arith.constant 39 : i32
    %scan3A_57 = arith.addi %scan3A_55, %scan3A_56 : i32
    %scan3A_58 = arith.constant 1 : i32
    scf.for %scan3A_70 = %scan3A_55 to %scan3A_57 step %scan3A_58  : i32 {
      %mul3A_71 = arith.constant 2 : i32
      %mul3A_72 = arith.muli %mul3A_71, %scan3A_70 : i32
      %add3A_73 = arith.constant 1 : i32
      %add3A_74 = arith.addi %mul3A_72, %add3A_73 : i32
      %dma_start3A_75 = arith.constant 0 : i32
      %dma_start3A_76 = tpu.memref_slice %arg5[%add3A_74, %dma_start3A_75] : memref<79x128xi32, #tpu.memory_space<vmem>> -> memref<1x128xi32, #tpu.memory_space<vmem>>
      %dma_start3A_77 = tpu.memref_squeeze %dma_start3A_76 : memref<1x128xi32, #tpu.memory_space<vmem>> -> memref<128xi32, #tpu.memory_space<vmem>>
      %dma_start3A_78 = arith.constant 0 : i32
      %dma_start3A_79 = arith.constant 0 : i32
      %dma_start3A_80 = tpu.memref_slice %arg9[%dma_start3A_78, %dma_start3A_79] : memref<10240x64xf32, #tpu.memory_space<vmem_shared>> -> memref<10240x64xf32, #tpu.memory_space<vmem_shared>>
      tpu.enqueue_indirect_dma source(%dma_start3A_80 : memref<10240x64xf32, #tpu.memory_space<vmem_shared>>) target(%arg8 : memref<128x64xf32, #tpu.memory_space<vmem>>) offsets(%dma_start3A_77 : memref<128xi32, #tpu.memory_space<vmem>>) semaphore(%arg12 : memref<!tpu.dma_semaphore, #tpu.memory_space<semaphore_mem>>)
      %dma_wait3A = arith.constant 0 : i32
      %dma_wait3A_81 = tpu.memref_slice %arg5[%mul3A_72, %dma_wait3A] : memref<79x128xi32, #tpu.memory_space<vmem>> -> memref<1x128xi32, #tpu.memory_space<vmem>>
      %dma_wait3A_82 = tpu.memref_squeeze %dma_wait3A_81 : memref<1x128xi32, #tpu.memory_space<vmem>> -> memref<128xi32, #tpu.memory_space<vmem>>
      %dma_wait3A_83 = arith.constant 0 : i32
      %dma_wait3A_84 = arith.constant 0 : i32
      %dma_wait3A_85 = tpu.memref_slice %arg9[%dma_wait3A_83, %dma_wait3A_84] : memref<10240x64xf32, #tpu.memory_space<vmem_shared>> -> memref<10240x64xf32, #tpu.memory_space<vmem_shared>>
      tpu.wait_indirect_dma semaphore(%arg11 : memref<!tpu.dma_semaphore, #tpu.memory_space<semaphore_mem>>) src(%dma_wait3A_85 : memref<10240x64xf32, #tpu.memory_space<vmem_shared>>) dst(%arg7 : memref<128x64xf32, #tpu.memory_space<vmem>>)
      "tpu.region"() ({
        %run_scoped3A_103 = tpu.sem_alloc : memref<!tpu.dma_semaphore, #tpu.memory_space<semaphore_mem>>
        %dma_start3A_104 = arith.constant 0 : i32
        %dma_start3A_105 = tpu.memref_slice %arg6[%mul3A_72, %dma_start3A_104] : memref<79x128xi32, #tpu.memory_space<vmem>> -> memref<1x128xi32, #tpu.memory_space<vmem>>
        %dma_start3A_106 = tpu.memref_squeeze %dma_start3A_105 : memref<1x128xi32, #tpu.memory_space<vmem>> -> memref<128xi32, #tpu.memory_space<vmem>>
        %dma_start3A_107 = arith.constant 0 : i32
        %dma_start3A_108 = arith.constant 0 : i32
        %dma_start3A_109 = tpu.memref_slice %arg10[%dma_start3A_107, %dma_start3A_108] : memref<10240x64xf32, #tpu.memory_space<vmem_shared>> -> memref<10240x64xf32, #tpu.memory_space<vmem_shared>>
        tpu.enqueue_indirect_dma source(%arg7 : memref<128x64xf32, #tpu.memory_space<vmem>>) target(%dma_start3A_109 : memref<10240x64xf32, #tpu.memory_space<vmem_shared>>) offsets(%dma_start3A_106 : memref<128xi32, #tpu.memory_space<vmem>>) semaphore(%run_scoped3A_103 : memref<!tpu.dma_semaphore, #tpu.memory_space<semaphore_mem>>) {add = true}
        %dma_wait3A_110 = arith.constant 0 : i32
        %dma_wait3A_111 = tpu.memref_slice %arg6[%mul3A_72, %dma_wait3A_110] : memref<79x128xi32, #tpu.memory_space<vmem>> -> memref<1x128xi32, #tpu.memory_space<vmem>>
        %dma_wait3A_112 = tpu.memref_squeeze %dma_wait3A_111 : memref<1x128xi32, #tpu.memory_space<vmem>> -> memref<128xi32, #tpu.memory_space<vmem>>
        %dma_wait3A_113 = arith.constant 0 : i32
        %dma_wait3A_114 = arith.constant 0 : i32
        %dma_wait3A_115 = tpu.memref_slice %arg10[%dma_wait3A_113, %dma_wait3A_114] : memref<10240x64xf32, #tpu.memory_space<vmem_shared>> -> memref<10240x64xf32, #tpu.memory_space<vmem_shared>>
        tpu.wait_indirect_dma semaphore(%run_scoped3A_103 : memref<!tpu.dma_semaphore, #tpu.memory_space<semaphore_mem>>) src(%arg7 : memref<128x64xf32, #tpu.memory_space<vmem>>) dst(%dma_wait3A_115 : memref<10240x64xf32, #tpu.memory_space<vmem_shared>>)
        tpu.yield
      }) : () -> ()
      %add3A_86 = arith.constant 1 : i32
      %add3A_87 = arith.addi %scan3A_70, %add3A_86 : i32
      %lt3A_88 = arith.constant 39 : i32
      %lt3A_89 = arith.cmpi slt, %add3A_87, %lt3A_88 : i32
      %convert_element_type3A_90 = arith.extui %lt3A_89 : i1 to i32
      %cond3A_91 = arith.constant 0 : i32
      %cond3A_92 = arith.cmpi ne, %convert_element_type3A_90, %cond3A_91 : i32
      scf.if %cond3A_92 {
        %add3A_103 = arith.constant 2 : i32
        %add3A_104 = arith.addi %mul3A_72, %add3A_103 : i32
        %dma_start3A_105 = arith.constant 0 : i32
        %dma_start3A_106 = tpu.memref_slice %arg5[%add3A_104, %dma_start3A_105] : memref<79x128xi32, #tpu.memory_space<vmem>> -> memref<1x128xi32, #tpu.memory_space<vmem>>
        %dma_start3A_107 = tpu.memref_squeeze %dma_start3A_106 : memref<1x128xi32, #tpu.memory_space<vmem>> -> memref<128xi32, #tpu.memory_space<vmem>>
        %dma_start3A_108 = arith.constant 0 : i32
        %dma_start3A_109 = arith.constant 0 : i32
        %dma_start3A_110 = tpu.memref_slice %arg9[%dma_start3A_108, %dma_start3A_109] : memref<10240x64xf32, #tpu.memory_space<vmem_shared>> -> memref<10240x64xf32, #tpu.memory_space<vmem_shared>>
        tpu.enqueue_indirect_dma source(%dma_start3A_110 : memref<10240x64xf32, #tpu.memory_space<vmem_shared>>) target(%arg7 : memref<128x64xf32, #tpu.memory_space<vmem>>) offsets(%dma_start3A_107 : memref<128xi32, #tpu.memory_space<vmem>>) semaphore(%arg11 : memref<!tpu.dma_semaphore, #tpu.memory_space<semaphore_mem>>)
      } else {
      }
      %add3A_93 = arith.constant 1 : i32
      %add3A_94 = arith.addi %mul3A_72, %add3A_93 : i32
      %dma_wait3A_95 = arith.constant 0 : i32
      %dma_wait3A_96 = tpu.memref_slice %arg5[%add3A_94, %dma_wait3A_95] : memref<79x128xi32, #tpu.memory_space<vmem>> -> memref<1x128xi32, #tpu.memory_space<vmem>>
      %dma_wait3A_97 = tpu.memref_squeeze %dma_wait3A_96 : memref<1x128xi32, #tpu.memory_space<vmem>> -> memref<128xi32, #tpu.memory_space<vmem>>
      %dma_wait3A_98 = arith.constant 0 : i32
      %dma_wait3A_99 = arith.constant 0 : i32
      %dma_wait3A_100 = tpu.memref_slice %arg9[%dma_wait3A_98, %dma_wait3A_99] : memref<10240x64xf32, #tpu.memory_space<vmem_shared>> -> memref<10240x64xf32, #tpu.memory_space<vmem_shared>>
      tpu.wait_indirect_dma semaphore(%arg12 : memref<!tpu.dma_semaphore, #tpu.memory_space<semaphore_mem>>) src(%dma_wait3A_100 : memref<10240x64xf32, #tpu.memory_space<vmem_shared>>) dst(%arg8 : memref<128x64xf32, #tpu.memory_space<vmem>>)
      %add3A_101 = arith.constant 1 : i32
      %add3A_102 = arith.addi %mul3A_72, %add3A_101 : i32
      "tpu.region"() ({
        %run_scoped3A_103 = tpu.sem_alloc : memref<!tpu.dma_semaphore, #tpu.memory_space<semaphore_mem>>
        %dma_start3A_104 = arith.constant 0 : i32
        %dma_start3A_105 = tpu.memref_slice %arg6[%add3A_102, %dma_start3A_104] : memref<79x128xi32, #tpu.memory_space<vmem>> -> memref<1x128xi32, #tpu.memory_space<vmem>>
        %dma_start3A_106 = tpu.memref_squeeze %dma_start3A_105 : memref<1x128xi32, #tpu.memory_space<vmem>> -> memref<128xi32, #tpu.memory_space<vmem>>
        %dma_start3A_107 = arith.constant 0 : i32
        %dma_start3A_108 = arith.constant 0 : i32
        %dma_start3A_109 = tpu.memref_slice %arg10[%dma_start3A_107, %dma_start3A_108] : memref<10240x64xf32, #tpu.memory_space<vmem_shared>> -> memref<10240x64xf32, #tpu.memory_space<vmem_shared>>
        tpu.enqueue_indirect_dma source(%arg8 : memref<128x64xf32, #tpu.memory_space<vmem>>) target(%dma_start3A_109 : memref<10240x64xf32, #tpu.memory_space<vmem_shared>>) offsets(%dma_start3A_106 : memref<128xi32, #tpu.memory_space<vmem>>) semaphore(%run_scoped3A_103 : memref<!tpu.dma_semaphore, #tpu.memory_space<semaphore_mem>>) {add = true}
        %dma_wait3A_110 = arith.constant 0 : i32
        %dma_wait3A_111 = tpu.memref_slice %arg6[%add3A_102, %dma_wait3A_110] : memref<79x128xi32, #tpu.memory_space<vmem>> -> memref<1x128xi32, #tpu.memory_space<vmem>>
        %dma_wait3A_112 = tpu.memref_squeeze %dma_wait3A_111 : memref<1x128xi32, #tpu.memory_space<vmem>> -> memref<128xi32, #tpu.memory_space<vmem>>
        %dma_wait3A_113 = arith.constant 0 : i32
        %dma_wait3A_114 = arith.constant 0 : i32
        %dma_wait3A_115 = tpu.memref_slice %arg10[%dma_wait3A_113, %dma_wait3A_114] : memref<10240x64xf32, #tpu.memory_space<vmem_shared>> -> memref<10240x64xf32, #tpu.memory_space<vmem_shared>>
        tpu.wait_indirect_dma semaphore(%run_scoped3A_103 : memref<!tpu.dma_semaphore, #tpu.memory_space<semaphore_mem>>) src(%arg8 : memref<128x64xf32, #tpu.memory_space<vmem>>) dst(%dma_wait3A_115 : memref<10240x64xf32, #tpu.memory_space<vmem_shared>>)
        tpu.yield
      }) : () -> ()
    }
    %scan3A_59 = arith.constant 39 : i32
    %lt3A_60 = arith.constant 4 : i32
    %lt3A_61 = arith.cmpi slt, %add3A, %lt3A_60 : i32
    %convert_element_type3A_62 = arith.extui %lt3A_61 : i1 to i32
    %cond3A_63 = arith.constant 0 : i32
    %cond3A_64 = arith.cmpi ne, %convert_element_type3A_62, %cond3A_63 : i32
    scf.if %cond3A_64 {
      %dma_start3A_70 = arith.constant 78 : i32
      %dma_start3A_71 = arith.constant 0 : i32
      %dma_start3A_72 = tpu.memref_slice %arg5[%dma_start3A_70, %dma_start3A_71] : memref<79x128xi32, #tpu.memory_space<vmem>> -> memref<1x128xi32, #tpu.memory_space<vmem>>
      %dma_start3A_73 = tpu.memref_squeeze %dma_start3A_72 : memref<1x128xi32, #tpu.memory_space<vmem>> -> memref<128xi32, #tpu.memory_space<vmem>>
      %dma_start3A_74 = arith.constant 0 : i32
      %dma_start3A_75 = arith.constant 0 : i32
      %dma_start3A_76 = tpu.memref_slice %arg9[%dma_start3A_74, %dma_start3A_75] : memref<10240x64xf32, #tpu.memory_space<vmem_shared>> -> memref<10240x64xf32, #tpu.memory_space<vmem_shared>>
      tpu.enqueue_indirect_dma source(%dma_start3A_76 : memref<10240x64xf32, #tpu.memory_space<vmem_shared>>) target(%arg7 : memref<128x64xf32, #tpu.memory_space<vmem>>) offsets(%dma_start3A_73 : memref<128xi32, #tpu.memory_space<vmem>>) semaphore(%arg11 : memref<!tpu.dma_semaphore, #tpu.memory_space<semaphore_mem>>)
      %dma_wait3A = arith.constant 78 : i32
      %dma_wait3A_77 = arith.constant 0 : i32
      %dma_wait3A_78 = tpu.memref_slice %arg5[%dma_wait3A, %dma_wait3A_77] : memref<79x128xi32, #tpu.memory_space<vmem>> -> memref<1x128xi32, #tpu.memory_space<vmem>>
      %dma_wait3A_79 = tpu.memref_squeeze %dma_wait3A_78 : memref<1x128xi32, #tpu.memory_space<vmem>> -> memref<128xi32, #tpu.memory_space<vmem>>
      %dma_wait3A_80 = arith.constant 0 : i32
      %dma_wait3A_81 = arith.constant 0 : i32
      %dma_wait3A_82 = tpu.memref_slice %arg9[%dma_wait3A_80, %dma_wait3A_81] : memref<10240x64xf32, #tpu.memory_space<vmem_shared>> -> memref<10240x64xf32, #tpu.memory_space<vmem_shared>>
      tpu.wait_indirect_dma semaphore(%arg11 : memref<!tpu.dma_semaphore, #tpu.memory_space<semaphore_mem>>) src(%dma_wait3A_82 : memref<10240x64xf32, #tpu.memory_space<vmem_shared>>) dst(%arg7 : memref<128x64xf32, #tpu.memory_space<vmem>>)
      %run_scoped3A_83 = arith.constant 78 : i32
      "tpu.region"() ({
        %run_scoped3A_84 = tpu.sem_alloc : memref<!tpu.dma_semaphore, #tpu.memory_space<semaphore_mem>>
        %dma_start3A_85 = arith.constant 0 : i32
        %dma_start3A_86 = tpu.memref_slice %arg6[%run_scoped3A_83, %dma_start3A_85] : memref<79x128xi32, #tpu.memory_space<vmem>> -> memref<1x128xi32, #tpu.memory_space<vmem>>
        %dma_start3A_87 = tpu.memref_squeeze %dma_start3A_86 : memref<1x128xi32, #tpu.memory_space<vmem>> -> memref<128xi32, #tpu.memory_space<vmem>>
        %dma_start3A_88 = arith.constant 0 : i32
        %dma_start3A_89 = arith.constant 0 : i32
        %dma_start3A_90 = tpu.memref_slice %arg10[%dma_start3A_88, %dma_start3A_89] : memref<10240x64xf32, #tpu.memory_space<vmem_shared>> -> memref<10240x64xf32, #tpu.memory_space<vmem_shared>>
        tpu.enqueue_indirect_dma source(%arg7 : memref<128x64xf32, #tpu.memory_space<vmem>>) target(%dma_start3A_90 : memref<10240x64xf32, #tpu.memory_space<vmem_shared>>) offsets(%dma_start3A_87 : memref<128xi32, #tpu.memory_space<vmem>>) semaphore(%run_scoped3A_84 : memref<!tpu.dma_semaphore, #tpu.memory_space<semaphore_mem>>) {add = true}
        %dma_wait3A_91 = arith.constant 0 : i32
        %dma_wait3A_92 = tpu.memref_slice %arg6[%run_scoped3A_83, %dma_wait3A_91] : memref<79x128xi32, #tpu.memory_space<vmem>> -> memref<1x128xi32, #tpu.memory_space<vmem>>
        %dma_wait3A_93 = tpu.memref_squeeze %dma_wait3A_92 : memref<1x128xi32, #tpu.memory_space<vmem>> -> memref<128xi32, #tpu.memory_space<vmem>>
        %dma_wait3A_94 = arith.constant 0 : i32
        %dma_wait3A_95 = arith.constant 0 : i32
        %dma_wait3A_96 = tpu.memref_slice %arg10[%dma_wait3A_94, %dma_wait3A_95] : memref<10240x64xf32, #tpu.memory_space<vmem_shared>> -> memref<10240x64xf32, #tpu.memory_space<vmem_shared>>
        tpu.wait_indirect_dma semaphore(%run_scoped3A_84 : memref<!tpu.dma_semaphore, #tpu.memory_space<semaphore_mem>>) src(%arg7 : memref<128x64xf32, #tpu.memory_space<vmem>>) dst(%dma_wait3A_96 : memref<10240x64xf32, #tpu.memory_space<vmem_shared>>)
        tpu.yield
      }) : () -> ()
    } else {
    }
    %barrier3A_65 = arith.constant 0 : index
    tpu.barrier barrier_id(%barrier3A_65)
    %mul3A_66 = arith.constant 640 : i32
    %mul3A_67 = arith.muli %arg1, %mul3A_66 : i32
    %mul3A_68 = arith.constant 640 : i32
    %mul3A_69 = arith.muli %arg1, %mul3A_68 : i32
    "tpu.region"() ({
      %run_scoped3A_70 = tpu.sem_alloc : memref<!tpu.dma_semaphore, #tpu.memory_space<semaphore_mem>>
      %dma_start3A_71 = arith.constant 0 : i32
      %dma_start3A_72 = tpu.memref_slice %arg4[%arg0, %mul3A_69, %dma_start3A_71] : memref<2x10240x64xf32, #tpu.memory_space<hbm>> -> memref<1x640x64xf32, #tpu.memory_space<hbm>>
      %dma_start3A_73 = tpu.memref_squeeze %dma_start3A_72 : memref<1x640x64xf32, #tpu.memory_space<hbm>> -> memref<640x64xf32, #tpu.memory_space<hbm>>
      %dma_start3A_74 = arith.constant 0 : i32
      %dma_start3A_75 = tpu.memref_slice %arg10[%mul3A_67, %dma_start3A_74] : memref<10240x64xf32, #tpu.memory_space<vmem_shared>> -> memref<640x64xf32, #tpu.memory_space<vmem_shared>>
      tpu.enqueue_dma source(%dma_start3A_75 : memref<640x64xf32, #tpu.memory_space<vmem_shared>>) target(%dma_start3A_73 : memref<640x64xf32, #tpu.memory_space<hbm>>) target_semaphore(%run_scoped3A_70 : memref<!tpu.dma_semaphore, #tpu.memory_space<semaphore_mem>>)
      %dma_wait3A = arith.constant 0 : i32
      %dma_wait3A_76 = tpu.memref_slice %arg4[%arg0, %mul3A_69, %dma_wait3A] : memref<2x10240x64xf32, #tpu.memory_space<hbm>> -> memref<1x640x64xf32, #tpu.memory_space<hbm>>
      %dma_wait3A_77 = tpu.memref_squeeze %dma_wait3A_76 : memref<1x640x64xf32, #tpu.memory_space<hbm>> -> memref<640x64xf32, #tpu.memory_space<hbm>>
      %dma_wait3A_78 = arith.constant 0 : i32
      %dma_wait3A_79 = tpu.memref_slice %arg10[%mul3A_67, %dma_wait3A_78] : memref<10240x64xf32, #tpu.memory_space<vmem_shared>> -> memref<640x64xf32, #tpu.memory_space<vmem_shared>>
      tpu.wait_dma2 semaphore(%run_scoped3A_70 : memref<!tpu.dma_semaphore, #tpu.memory_space<semaphore_mem>>) src(%dma_wait3A_79 : memref<640x64xf32, #tpu.memory_space<vmem_shared>>) dst(%dma_wait3A_77 : memref<640x64xf32, #tpu.memory_space<hbm>>)
      tpu.yield
    }) : () -> ()
    return
  }
}

#map = affine_map<(d0, d1) -> (0, 0, 0)>
#map1 = affine_map<(d0, d1) -> (0, 0)>
module attributes {stable_mosaic.version = 14 : i64} {
  func.func @_count_body(%arg0: i32, %arg1: i32, %arg2: memref<2x2500x128xi32, #tpu.memory_space<hbm>>, %arg3: memref<128x8xf32, #tpu.memory_space<hbm>>, %arg4: memref<640x8xf32, #tpu.memory_space<hbm>>, %arg5: memref<2x10240x8xf32, #tpu.memory_space<hbm>>, %arg6: memref<79x128xi32, #tpu.memory_space<vmem>>, %arg7: memref<128x8xf32, #tpu.memory_space<vmem>>, %arg8: memref<10240x8xf32, #tpu.memory_space<vmem_shared>>) attributes {dimension_semantics = [#tpu.dimension_semantics<core_parallel>, #tpu.dimension_semantics<subcore_parallel>], iteration_bounds = array<i64: 2, 16>, scalar_prefetch = 0 : i64, scratch_operands = 3 : i64, tpu.core_type = #tpu.core_type<sc_vector_subcore>, window_params = [{transform_indices = #map}, {transform_indices = #map1}, {transform_indices = #map1}, {transform_indices = #map}]} {
    %mul3A = arith.constant 16 : i32
    %mul3A_0 = arith.muli %arg0, %mul3A : i32
    %add3A = arith.addi %mul3A_0, %arg1 : i32
    %mul3A_1 = arith.constant 78 : i32
    %mul3A_2 = arith.muli %add3A, %mul3A_1 : i32
    %min3A = arith.constant 4 : i32
    %min3A_3 = arith.minsi %add3A, %min3A : i32
    %add3A_4 = arith.addi %mul3A_2, %min3A_3 : i32
    %run_scoped3A = arith.constant 1 : i32
    "tpu.region"() ({
      %run_scoped3A_24 = tpu.sem_alloc : memref<!tpu.dma_semaphore, #tpu.memory_space<semaphore_mem>>
      %dma_start3A = arith.constant 0 : i32
      %dma_start3A_25 = arith.constant 0 : i32
      %dma_start3A_26 = tpu.memref_slice %arg6[%dma_start3A, %dma_start3A_25] : memref<79x128xi32, #tpu.memory_space<vmem>> -> memref<78x128xi32, #tpu.memory_space<vmem>>
      %dma_start3A_27 = arith.constant 0 : i32
      %dma_start3A_28 = tpu.memref_slice %arg2[%run_scoped3A, %add3A_4, %dma_start3A_27] : memref<2x2500x128xi32, #tpu.memory_space<hbm>> -> memref<1x78x128xi32, #tpu.memory_space<hbm>>
      %dma_start3A_29 = tpu.memref_squeeze %dma_start3A_28 : memref<1x78x128xi32, #tpu.memory_space<hbm>> -> memref<78x128xi32, #tpu.memory_space<hbm>>
      %dma_start3A_30 = arith.constant 0 : i32
      %dma_start3A_31 = arith.constant 0 : i32
      %dma_start3A_32 = tpu.memref_slice %arg6[%dma_start3A_30, %dma_start3A_31] : memref<79x128xi32, #tpu.memory_space<vmem>> -> memref<78x128xi32, #tpu.memory_space<vmem>>
      %dma_start3A_33 = arith.constant 0 : i32
      %dma_start3A_34 = tpu.memref_slice %arg2[%run_scoped3A, %add3A_4, %dma_start3A_33] : memref<2x2500x128xi32, #tpu.memory_space<hbm>> -> memref<1x78x128xi32, #tpu.memory_space<hbm>>
      %dma_start3A_35 = tpu.memref_squeeze %dma_start3A_34 : memref<1x78x128xi32, #tpu.memory_space<hbm>> -> memref<78x128xi32, #tpu.memory_space<hbm>>
      tpu.enqueue_dma source(%dma_start3A_35 : memref<78x128xi32, #tpu.memory_space<hbm>>) target(%dma_start3A_32 : memref<78x128xi32, #tpu.memory_space<vmem>>) target_semaphore(%run_scoped3A_24 : memref<!tpu.dma_semaphore, #tpu.memory_space<semaphore_mem>>)
      %dma_wait3A = arith.constant 0 : i32
      %dma_wait3A_36 = arith.constant 0 : i32
      %dma_wait3A_37 = tpu.memref_slice %arg6[%dma_wait3A, %dma_wait3A_36] : memref<79x128xi32, #tpu.memory_space<vmem>> -> memref<78x128xi32, #tpu.memory_space<vmem>>
      %dma_wait3A_38 = arith.constant 0 : i32
      %dma_wait3A_39 = tpu.memref_slice %arg2[%run_scoped3A, %add3A_4, %dma_wait3A_38] : memref<2x2500x128xi32, #tpu.memory_space<hbm>> -> memref<1x78x128xi32, #tpu.memory_space<hbm>>
      %dma_wait3A_40 = tpu.memref_squeeze %dma_wait3A_39 : memref<1x78x128xi32, #tpu.memory_space<hbm>> -> memref<78x128xi32, #tpu.memory_space<hbm>>
      %dma_wait3A_41 = arith.constant 0 : i32
      %dma_wait3A_42 = arith.constant 0 : i32
      %dma_wait3A_43 = tpu.memref_slice %arg6[%dma_wait3A_41, %dma_wait3A_42] : memref<79x128xi32, #tpu.memory_space<vmem>> -> memref<78x128xi32, #tpu.memory_space<vmem>>
      %dma_wait3A_44 = arith.constant 0 : i32
      %dma_wait3A_45 = tpu.memref_slice %arg2[%run_scoped3A, %add3A_4, %dma_wait3A_44] : memref<2x2500x128xi32, #tpu.memory_space<hbm>> -> memref<1x78x128xi32, #tpu.memory_space<hbm>>
      %dma_wait3A_46 = tpu.memref_squeeze %dma_wait3A_45 : memref<1x78x128xi32, #tpu.memory_space<hbm>> -> memref<78x128xi32, #tpu.memory_space<hbm>>
      tpu.wait_dma2 semaphore(%run_scoped3A_24 : memref<!tpu.dma_semaphore, #tpu.memory_space<semaphore_mem>>) src(%dma_wait3A_46 : memref<78x128xi32, #tpu.memory_space<hbm>>) dst(%dma_wait3A_43 : memref<78x128xi32, #tpu.memory_space<vmem>>)
      tpu.yield
    }) : () -> ()
    %lt3A = arith.constant 4 : i32
    %lt3A_5 = arith.cmpi slt, %add3A, %lt3A : i32
    %convert_element_type3A = arith.extui %lt3A_5 : i1 to i32
    %cond3A = arith.constant 0 : i32
    %cond3A_6 = arith.cmpi ne, %convert_element_type3A, %cond3A : i32
    scf.if %cond3A_6 {
      %add3A_24 = arith.constant 78 : i32
      %add3A_25 = arith.addi %add3A_4, %add3A_24 : i32
      %run_scoped3A_26 = arith.constant 1 : i32
      %run_scoped3A_27 = arith.constant 78 : i32
      "tpu.region"() ({
        %run_scoped3A_28 = tpu.sem_alloc : memref<!tpu.dma_semaphore, #tpu.memory_space<semaphore_mem>>
        %dma_start3A = arith.constant 0 : i32
        %dma_start3A_29 = tpu.memref_slice %arg6[%run_scoped3A_27, %dma_start3A] : memref<79x128xi32, #tpu.memory_space<vmem>> -> memref<1x128xi32, #tpu.memory_space<vmem>>
        %dma_start3A_30 = tpu.memref_squeeze %dma_start3A_29 : memref<1x128xi32, #tpu.memory_space<vmem>> -> memref<128xi32, #tpu.memory_space<vmem>>
        %dma_start3A_31 = arith.constant 0 : i32
        %dma_start3A_32 = tpu.memref_slice %arg2[%run_scoped3A_26, %add3A_25, %dma_start3A_31] : memref<2x2500x128xi32, #tpu.memory_space<hbm>> -> memref<1x1x128xi32, #tpu.memory_space<hbm>>
        %dma_start3A_33 = tpu.memref_squeeze %dma_start3A_32 : memref<1x1x128xi32, #tpu.memory_space<hbm>> -> memref<128xi32, #tpu.memory_space<hbm>>
        %dma_start3A_34 = arith.constant 0 : i32
        %dma_start3A_35 = tpu.memref_slice %arg6[%run_scoped3A_27, %dma_start3A_34] : memref<79x128xi32, #tpu.memory_space<vmem>> -> memref<1x128xi32, #tpu.memory_space<vmem>>
        %dma_start3A_36 = tpu.memref_squeeze %dma_start3A_35 : memref<1x128xi32, #tpu.memory_space<vmem>> -> memref<128xi32, #tpu.memory_space<vmem>>
        %dma_start3A_37 = arith.constant 0 : i32
        %dma_start3A_38 = tpu.memref_slice %arg2[%run_scoped3A_26, %add3A_25, %dma_start3A_37] : memref<2x2500x128xi32, #tpu.memory_space<hbm>> -> memref<1x1x128xi32, #tpu.memory_space<hbm>>
        %dma_start3A_39 = tpu.memref_squeeze %dma_start3A_38 : memref<1x1x128xi32, #tpu.memory_space<hbm>> -> memref<128xi32, #tpu.memory_space<hbm>>
        tpu.enqueue_dma source(%dma_start3A_39 : memref<128xi32, #tpu.memory_space<hbm>>) target(%dma_start3A_36 : memref<128xi32, #tpu.memory_space<vmem>>) target_semaphore(%run_scoped3A_28 : memref<!tpu.dma_semaphore, #tpu.memory_space<semaphore_mem>>)
        %dma_wait3A = arith.constant 0 : i32
        %dma_wait3A_40 = tpu.memref_slice %arg6[%run_scoped3A_27, %dma_wait3A] : memref<79x128xi32, #tpu.memory_space<vmem>> -> memref<1x128xi32, #tpu.memory_space<vmem>>
        %dma_wait3A_41 = tpu.memref_squeeze %dma_wait3A_40 : memref<1x128xi32, #tpu.memory_space<vmem>> -> memref<128xi32, #tpu.memory_space<vmem>>
        %dma_wait3A_42 = arith.constant 0 : i32
        %dma_wait3A_43 = tpu.memref_slice %arg2[%run_scoped3A_26, %add3A_25, %dma_wait3A_42] : memref<2x2500x128xi32, #tpu.memory_space<hbm>> -> memref<1x1x128xi32, #tpu.memory_space<hbm>>
        %dma_wait3A_44 = tpu.memref_squeeze %dma_wait3A_43 : memref<1x1x128xi32, #tpu.memory_space<hbm>> -> memref<128xi32, #tpu.memory_space<hbm>>
        %dma_wait3A_45 = arith.constant 0 : i32
        %dma_wait3A_46 = tpu.memref_slice %arg6[%run_scoped3A_27, %dma_wait3A_45] : memref<79x128xi32, #tpu.memory_space<vmem>> -> memref<1x128xi32, #tpu.memory_space<vmem>>
        %dma_wait3A_47 = tpu.memref_squeeze %dma_wait3A_46 : memref<1x128xi32, #tpu.memory_space<vmem>> -> memref<128xi32, #tpu.memory_space<vmem>>
        %dma_wait3A_48 = arith.constant 0 : i32
        %dma_wait3A_49 = tpu.memref_slice %arg2[%run_scoped3A_26, %add3A_25, %dma_wait3A_48] : memref<2x2500x128xi32, #tpu.memory_space<hbm>> -> memref<1x1x128xi32, #tpu.memory_space<hbm>>
        %dma_wait3A_50 = tpu.memref_squeeze %dma_wait3A_49 : memref<1x1x128xi32, #tpu.memory_space<hbm>> -> memref<128xi32, #tpu.memory_space<hbm>>
        tpu.wait_dma2 semaphore(%run_scoped3A_28 : memref<!tpu.dma_semaphore, #tpu.memory_space<semaphore_mem>>) src(%dma_wait3A_50 : memref<128xi32, #tpu.memory_space<hbm>>) dst(%dma_wait3A_47 : memref<128xi32, #tpu.memory_space<vmem>>)
        tpu.yield
      }) : () -> ()
    } else {
    }
    "tpu.region"() ({
      %run_scoped3A_24 = tpu.sem_alloc : memref<!tpu.dma_semaphore, #tpu.memory_space<semaphore_mem>>
      tpu.enqueue_dma source(%arg3 : memref<128x8xf32, #tpu.memory_space<hbm>>) target(%arg7 : memref<128x8xf32, #tpu.memory_space<vmem>>) target_semaphore(%run_scoped3A_24 : memref<!tpu.dma_semaphore, #tpu.memory_space<semaphore_mem>>)
      tpu.wait_dma2 semaphore(%run_scoped3A_24 : memref<!tpu.dma_semaphore, #tpu.memory_space<semaphore_mem>>) src(%arg3 : memref<128x8xf32, #tpu.memory_space<hbm>>) dst(%arg7 : memref<128x8xf32, #tpu.memory_space<vmem>>)
      tpu.yield
    }) : () -> ()
    %mul3A_7 = arith.constant 640 : i32
    %mul3A_8 = arith.muli %arg1, %mul3A_7 : i32
    "tpu.region"() ({
      %run_scoped3A_24 = tpu.sem_alloc : memref<!tpu.dma_semaphore, #tpu.memory_space<semaphore_mem>>
      %dma_start3A = arith.constant 0 : i32
      %dma_start3A_25 = tpu.memref_slice %arg8[%mul3A_8, %dma_start3A] : memref<10240x8xf32, #tpu.memory_space<vmem_shared>> -> memref<640x8xf32, #tpu.memory_space<vmem_shared>>
      tpu.enqueue_dma source(%arg4 : memref<640x8xf32, #tpu.memory_space<hbm>>) target(%dma_start3A_25 : memref<640x8xf32, #tpu.memory_space<vmem_shared>>) target_semaphore(%run_scoped3A_24 : memref<!tpu.dma_semaphore, #tpu.memory_space<semaphore_mem>>)
      %dma_wait3A = arith.constant 0 : i32
      %dma_wait3A_26 = tpu.memref_slice %arg8[%mul3A_8, %dma_wait3A] : memref<10240x8xf32, #tpu.memory_space<vmem_shared>> -> memref<640x8xf32, #tpu.memory_space<vmem_shared>>
      tpu.wait_dma2 semaphore(%run_scoped3A_24 : memref<!tpu.dma_semaphore, #tpu.memory_space<semaphore_mem>>) src(%arg4 : memref<640x8xf32, #tpu.memory_space<hbm>>) dst(%dma_wait3A_26 : memref<640x8xf32, #tpu.memory_space<vmem_shared>>)
      tpu.yield
    }) : () -> ()
    %barrier3A = arith.constant 0 : index
    tpu.barrier barrier_id(%barrier3A)
    %scan3A = arith.constant 0 : i32
    %scan3A_9 = arith.constant 0 : i32
    %scan3A_10 = arith.constant 78 : i32
    %scan3A_11 = arith.addi %scan3A_9, %scan3A_10 : i32
    %scan3A_12 = arith.constant 1 : i32
    scf.for %scan3A_24 = %scan3A_9 to %scan3A_11 step %scan3A_12  : i32 {
      "tpu.region"() ({
        %run_scoped3A_25 = tpu.sem_alloc : memref<!tpu.dma_semaphore, #tpu.memory_space<semaphore_mem>>
        %dma_start3A = arith.constant 0 : i32
        %dma_start3A_26 = tpu.memref_slice %arg6[%scan3A_24, %dma_start3A] : memref<79x128xi32, #tpu.memory_space<vmem>> -> memref<1x128xi32, #tpu.memory_space<vmem>>
        %dma_start3A_27 = tpu.memref_squeeze %dma_start3A_26 : memref<1x128xi32, #tpu.memory_space<vmem>> -> memref<128xi32, #tpu.memory_space<vmem>>
        %dma_start3A_28 = arith.constant 0 : i32
        %dma_start3A_29 = arith.constant 0 : i32
        %dma_start3A_30 = tpu.memref_slice %arg8[%dma_start3A_28, %dma_start3A_29] : memref<10240x8xf32, #tpu.memory_space<vmem_shared>> -> memref<10240x8xf32, #tpu.memory_space<vmem_shared>>
        tpu.enqueue_indirect_dma source(%arg7 : memref<128x8xf32, #tpu.memory_space<vmem>>) target(%dma_start3A_30 : memref<10240x8xf32, #tpu.memory_space<vmem_shared>>) offsets(%dma_start3A_27 : memref<128xi32, #tpu.memory_space<vmem>>) semaphore(%run_scoped3A_25 : memref<!tpu.dma_semaphore, #tpu.memory_space<semaphore_mem>>) {add = true}
        %dma_wait3A = arith.constant 0 : i32
        %dma_wait3A_31 = tpu.memref_slice %arg6[%scan3A_24, %dma_wait3A] : memref<79x128xi32, #tpu.memory_space<vmem>> -> memref<1x128xi32, #tpu.memory_space<vmem>>
        %dma_wait3A_32 = tpu.memref_squeeze %dma_wait3A_31 : memref<1x128xi32, #tpu.memory_space<vmem>> -> memref<128xi32, #tpu.memory_space<vmem>>
        %dma_wait3A_33 = arith.constant 0 : i32
        %dma_wait3A_34 = arith.constant 0 : i32
        %dma_wait3A_35 = tpu.memref_slice %arg8[%dma_wait3A_33, %dma_wait3A_34] : memref<10240x8xf32, #tpu.memory_space<vmem_shared>> -> memref<10240x8xf32, #tpu.memory_space<vmem_shared>>
        tpu.wait_indirect_dma semaphore(%run_scoped3A_25 : memref<!tpu.dma_semaphore, #tpu.memory_space<semaphore_mem>>) src(%arg7 : memref<128x8xf32, #tpu.memory_space<vmem>>) dst(%dma_wait3A_35 : memref<10240x8xf32, #tpu.memory_space<vmem_shared>>)
        tpu.yield
      }) : () -> ()
    }
    %scan3A_13 = arith.constant 78 : i32
    %lt3A_14 = arith.constant 4 : i32
    %lt3A_15 = arith.cmpi slt, %add3A, %lt3A_14 : i32
    %convert_element_type3A_16 = arith.extui %lt3A_15 : i1 to i32
    %cond3A_17 = arith.constant 0 : i32
    %cond3A_18 = arith.cmpi ne, %convert_element_type3A_16, %cond3A_17 : i32
    scf.if %cond3A_18 {
      %run_scoped3A_24 = arith.constant 78 : i32
      "tpu.region"() ({
        %run_scoped3A_25 = tpu.sem_alloc : memref<!tpu.dma_semaphore, #tpu.memory_space<semaphore_mem>>
        %dma_start3A = arith.constant 0 : i32
        %dma_start3A_26 = tpu.memref_slice %arg6[%run_scoped3A_24, %dma_start3A] : memref<79x128xi32, #tpu.memory_space<vmem>> -> memref<1x128xi32, #tpu.memory_space<vmem>>
        %dma_start3A_27 = tpu.memref_squeeze %dma_start3A_26 : memref<1x128xi32, #tpu.memory_space<vmem>> -> memref<128xi32, #tpu.memory_space<vmem>>
        %dma_start3A_28 = arith.constant 0 : i32
        %dma_start3A_29 = arith.constant 0 : i32
        %dma_start3A_30 = tpu.memref_slice %arg8[%dma_start3A_28, %dma_start3A_29] : memref<10240x8xf32, #tpu.memory_space<vmem_shared>> -> memref<10240x8xf32, #tpu.memory_space<vmem_shared>>
        tpu.enqueue_indirect_dma source(%arg7 : memref<128x8xf32, #tpu.memory_space<vmem>>) target(%dma_start3A_30 : memref<10240x8xf32, #tpu.memory_space<vmem_shared>>) offsets(%dma_start3A_27 : memref<128xi32, #tpu.memory_space<vmem>>) semaphore(%run_scoped3A_25 : memref<!tpu.dma_semaphore, #tpu.memory_space<semaphore_mem>>) {add = true}
        %dma_wait3A = arith.constant 0 : i32
        %dma_wait3A_31 = tpu.memref_slice %arg6[%run_scoped3A_24, %dma_wait3A] : memref<79x128xi32, #tpu.memory_space<vmem>> -> memref<1x128xi32, #tpu.memory_space<vmem>>
        %dma_wait3A_32 = tpu.memref_squeeze %dma_wait3A_31 : memref<1x128xi32, #tpu.memory_space<vmem>> -> memref<128xi32, #tpu.memory_space<vmem>>
        %dma_wait3A_33 = arith.constant 0 : i32
        %dma_wait3A_34 = arith.constant 0 : i32
        %dma_wait3A_35 = tpu.memref_slice %arg8[%dma_wait3A_33, %dma_wait3A_34] : memref<10240x8xf32, #tpu.memory_space<vmem_shared>> -> memref<10240x8xf32, #tpu.memory_space<vmem_shared>>
        tpu.wait_indirect_dma semaphore(%run_scoped3A_25 : memref<!tpu.dma_semaphore, #tpu.memory_space<semaphore_mem>>) src(%arg7 : memref<128x8xf32, #tpu.memory_space<vmem>>) dst(%dma_wait3A_35 : memref<10240x8xf32, #tpu.memory_space<vmem_shared>>)
        tpu.yield
      }) : () -> ()
    } else {
    }
    %barrier3A_19 = arith.constant 0 : index
    tpu.barrier barrier_id(%barrier3A_19)
    %mul3A_20 = arith.constant 640 : i32
    %mul3A_21 = arith.muli %arg1, %mul3A_20 : i32
    %mul3A_22 = arith.constant 640 : i32
    %mul3A_23 = arith.muli %arg1, %mul3A_22 : i32
    "tpu.region"() ({
      %run_scoped3A_24 = tpu.sem_alloc : memref<!tpu.dma_semaphore, #tpu.memory_space<semaphore_mem>>
      %dma_start3A = arith.constant 0 : i32
      %dma_start3A_25 = tpu.memref_slice %arg5[%arg0, %mul3A_23, %dma_start3A] : memref<2x10240x8xf32, #tpu.memory_space<hbm>> -> memref<1x640x8xf32, #tpu.memory_space<hbm>>
      %dma_start3A_26 = tpu.memref_squeeze %dma_start3A_25 : memref<1x640x8xf32, #tpu.memory_space<hbm>> -> memref<640x8xf32, #tpu.memory_space<hbm>>
      %dma_start3A_27 = arith.constant 0 : i32
      %dma_start3A_28 = tpu.memref_slice %arg8[%mul3A_21, %dma_start3A_27] : memref<10240x8xf32, #tpu.memory_space<vmem_shared>> -> memref<640x8xf32, #tpu.memory_space<vmem_shared>>
      tpu.enqueue_dma source(%dma_start3A_28 : memref<640x8xf32, #tpu.memory_space<vmem_shared>>) target(%dma_start3A_26 : memref<640x8xf32, #tpu.memory_space<hbm>>) target_semaphore(%run_scoped3A_24 : memref<!tpu.dma_semaphore, #tpu.memory_space<semaphore_mem>>)
      %dma_wait3A = arith.constant 0 : i32
      %dma_wait3A_29 = tpu.memref_slice %arg5[%arg0, %mul3A_23, %dma_wait3A] : memref<2x10240x8xf32, #tpu.memory_space<hbm>> -> memref<1x640x8xf32, #tpu.memory_space<hbm>>
      %dma_wait3A_30 = tpu.memref_squeeze %dma_wait3A_29 : memref<1x640x8xf32, #tpu.memory_space<hbm>> -> memref<640x8xf32, #tpu.memory_space<hbm>>
      %dma_wait3A_31 = arith.constant 0 : i32
      %dma_wait3A_32 = tpu.memref_slice %arg8[%mul3A_21, %dma_wait3A_31] : memref<10240x8xf32, #tpu.memory_space<vmem_shared>> -> memref<640x8xf32, #tpu.memory_space<vmem_shared>>
      tpu.wait_dma2 semaphore(%run_scoped3A_24 : memref<!tpu.dma_semaphore, #tpu.memory_space<semaphore_mem>>) src(%dma_wait3A_32 : memref<640x8xf32, #tpu.memory_space<vmem_shared>>) dst(%dma_wait3A_30 : memref<640x8xf32, #tpu.memory_space<hbm>>)
      tpu.yield
    }) : () -> ()
    return
  }
}

#map = affine_map<(d0, d1) -> (0, 0)>
#map1 = affine_map<(d0, d1) -> (0, 0, 0)>
module attributes {stable_mosaic.version = 14 : i64} {
  func.func @_scatter_body(%arg0: i32, %arg1: i32, %arg2: memref<10240x64xf32, #tpu.memory_space<hbm>>, %arg3: memref<2x2500x128xi32, #tpu.memory_space<hbm>>, %arg4: memref<2x10240x64xf32, #tpu.memory_space<hbm>>, %arg5: memref<79x128xi32, #tpu.memory_space<vmem>>, %arg6: memref<79x128xi32, #tpu.memory_space<vmem>>, %arg7: memref<128x64xf32, #tpu.memory_space<vmem>>, %arg8: memref<128x64xf32, #tpu.memory_space<vmem>>, %arg9: memref<10240x64xf32, #tpu.memory_space<vmem_shared>>, %arg10: memref<10240x64xf32, #tpu.memory_space<vmem_shared>>, %arg11: memref<!tpu.dma_semaphore, #tpu.memory_space<semaphore_mem>>, %arg12: memref<!tpu.dma_semaphore, #tpu.memory_space<semaphore_mem>>) attributes {dimension_semantics = [#tpu.dimension_semantics<core_parallel>, #tpu.dimension_semantics<subcore_parallel>], iteration_bounds = array<i64: 2, 16>, scalar_prefetch = 0 : i64, scratch_operands = 8 : i64, tpu.core_type = #tpu.core_type<sc_vector_subcore>, window_params = [{transform_indices = #map}, {transform_indices = #map1}, {transform_indices = #map1}]} {
    %mul3A = arith.constant 16 : i32
    %mul3A_0 = arith.muli %arg0, %mul3A : i32
    %add3A = arith.addi %mul3A_0, %arg1 : i32
    %mul3A_1 = arith.constant 78 : i32
    %mul3A_2 = arith.muli %add3A, %mul3A_1 : i32
    %min3A = arith.constant 4 : i32
    %min3A_3 = arith.minsi %add3A, %min3A : i32
    %add3A_4 = arith.addi %mul3A_2, %min3A_3 : i32
    %run_scoped3A = arith.constant 0 : i32
    "tpu.region"() ({
      %run_scoped3A_70 = tpu.sem_alloc : memref<!tpu.dma_semaphore, #tpu.memory_space<semaphore_mem>>
      %dma_start3A_71 = arith.constant 0 : i32
      %dma_start3A_72 = arith.constant 0 : i32
      %dma_start3A_73 = tpu.memref_slice %arg5[%dma_start3A_71, %dma_start3A_72] : memref<79x128xi32, #tpu.memory_space<vmem>> -> memref<78x128xi32, #tpu.memory_space<vmem>>
      %dma_start3A_74 = arith.constant 0 : i32
      %dma_start3A_75 = tpu.memref_slice %arg3[%run_scoped3A, %add3A_4, %dma_start3A_74] : memref<2x2500x128xi32, #tpu.memory_space<hbm>> -> memref<1x78x128xi32, #tpu.memory_space<hbm>>
      %dma_start3A_76 = tpu.memref_squeeze %dma_start3A_75 : memref<1x78x128xi32, #tpu.memory_space<hbm>> -> memref<78x128xi32, #tpu.memory_space<hbm>>
      %dma_start3A_77 = arith.constant 0 : i32
      %dma_start3A_78 = arith.constant 0 : i32
      %dma_start3A_79 = tpu.memref_slice %arg5[%dma_start3A_77, %dma_start3A_78] : memref<79x128xi32, #tpu.memory_space<vmem>> -> memref<78x128xi32, #tpu.memory_space<vmem>>
      %dma_start3A_80 = arith.constant 0 : i32
      %dma_start3A_81 = tpu.memref_slice %arg3[%run_scoped3A, %add3A_4, %dma_start3A_80] : memref<2x2500x128xi32, #tpu.memory_space<hbm>> -> memref<1x78x128xi32, #tpu.memory_space<hbm>>
      %dma_start3A_82 = tpu.memref_squeeze %dma_start3A_81 : memref<1x78x128xi32, #tpu.memory_space<hbm>> -> memref<78x128xi32, #tpu.memory_space<hbm>>
      tpu.enqueue_dma source(%dma_start3A_82 : memref<78x128xi32, #tpu.memory_space<hbm>>) target(%dma_start3A_79 : memref<78x128xi32, #tpu.memory_space<vmem>>) target_semaphore(%run_scoped3A_70 : memref<!tpu.dma_semaphore, #tpu.memory_space<semaphore_mem>>)
      %dma_wait3A = arith.constant 0 : i32
      %dma_wait3A_83 = arith.constant 0 : i32
      %dma_wait3A_84 = tpu.memref_slice %arg5[%dma_wait3A, %dma_wait3A_83] : memref<79x128xi32, #tpu.memory_space<vmem>> -> memref<78x128xi32, #tpu.memory_space<vmem>>
      %dma_wait3A_85 = arith.constant 0 : i32
      %dma_wait3A_86 = tpu.memref_slice %arg3[%run_scoped3A, %add3A_4, %dma_wait3A_85] : memref<2x2500x128xi32, #tpu.memory_space<hbm>> -> memref<1x78x128xi32, #tpu.memory_space<hbm>>
      %dma_wait3A_87 = tpu.memref_squeeze %dma_wait3A_86 : memref<1x78x128xi32, #tpu.memory_space<hbm>> -> memref<78x128xi32, #tpu.memory_space<hbm>>
      %dma_wait3A_88 = arith.constant 0 : i32
      %dma_wait3A_89 = arith.constant 0 : i32
      %dma_wait3A_90 = tpu.memref_slice %arg5[%dma_wait3A_88, %dma_wait3A_89] : memref<79x128xi32, #tpu.memory_space<vmem>> -> memref<78x128xi32, #tpu.memory_space<vmem>>
      %dma_wait3A_91 = arith.constant 0 : i32
      %dma_wait3A_92 = tpu.memref_slice %arg3[%run_scoped3A, %add3A_4, %dma_wait3A_91] : memref<2x2500x128xi32, #tpu.memory_space<hbm>> -> memref<1x78x128xi32, #tpu.memory_space<hbm>>
      %dma_wait3A_93 = tpu.memref_squeeze %dma_wait3A_92 : memref<1x78x128xi32, #tpu.memory_space<hbm>> -> memref<78x128xi32, #tpu.memory_space<hbm>>
      tpu.wait_dma2 semaphore(%run_scoped3A_70 : memref<!tpu.dma_semaphore, #tpu.memory_space<semaphore_mem>>) src(%dma_wait3A_93 : memref<78x128xi32, #tpu.memory_space<hbm>>) dst(%dma_wait3A_90 : memref<78x128xi32, #tpu.memory_space<vmem>>)
      tpu.yield
    }) : () -> ()
    %lt3A = arith.constant 4 : i32
    %lt3A_5 = arith.cmpi slt, %add3A, %lt3A : i32
    %convert_element_type3A = arith.extui %lt3A_5 : i1 to i32
    %cond3A = arith.constant 0 : i32
    %cond3A_6 = arith.cmpi ne, %convert_element_type3A, %cond3A : i32
    scf.if %cond3A_6 {
      %add3A_70 = arith.constant 78 : i32
      %add3A_71 = arith.addi %add3A_4, %add3A_70 : i32
      %run_scoped3A_72 = arith.constant 0 : i32
      %run_scoped3A_73 = arith.constant 78 : i32
      "tpu.region"() ({
        %run_scoped3A_74 = tpu.sem_alloc : memref<!tpu.dma_semaphore, #tpu.memory_space<semaphore_mem>>
        %dma_start3A_75 = arith.constant 0 : i32
        %dma_start3A_76 = tpu.memref_slice %arg5[%run_scoped3A_73, %dma_start3A_75] : memref<79x128xi32, #tpu.memory_space<vmem>> -> memref<1x128xi32, #tpu.memory_space<vmem>>
        %dma_start3A_77 = tpu.memref_squeeze %dma_start3A_76 : memref<1x128xi32, #tpu.memory_space<vmem>> -> memref<128xi32, #tpu.memory_space<vmem>>
        %dma_start3A_78 = arith.constant 0 : i32
        %dma_start3A_79 = tpu.memref_slice %arg3[%run_scoped3A_72, %add3A_71, %dma_start3A_78] : memref<2x2500x128xi32, #tpu.memory_space<hbm>> -> memref<1x1x128xi32, #tpu.memory_space<hbm>>
        %dma_start3A_80 = tpu.memref_squeeze %dma_start3A_79 : memref<1x1x128xi32, #tpu.memory_space<hbm>> -> memref<128xi32, #tpu.memory_space<hbm>>
        %dma_start3A_81 = arith.constant 0 : i32
        %dma_start3A_82 = tpu.memref_slice %arg5[%run_scoped3A_73, %dma_start3A_81] : memref<79x128xi32, #tpu.memory_space<vmem>> -> memref<1x128xi32, #tpu.memory_space<vmem>>
        %dma_start3A_83 = tpu.memref_squeeze %dma_start3A_82 : memref<1x128xi32, #tpu.memory_space<vmem>> -> memref<128xi32, #tpu.memory_space<vmem>>
        %dma_start3A_84 = arith.constant 0 : i32
        %dma_start3A_85 = tpu.memref_slice %arg3[%run_scoped3A_72, %add3A_71, %dma_start3A_84] : memref<2x2500x128xi32, #tpu.memory_space<hbm>> -> memref<1x1x128xi32, #tpu.memory_space<hbm>>
        %dma_start3A_86 = tpu.memref_squeeze %dma_start3A_85 : memref<1x1x128xi32, #tpu.memory_space<hbm>> -> memref<128xi32, #tpu.memory_space<hbm>>
        tpu.enqueue_dma source(%dma_start3A_86 : memref<128xi32, #tpu.memory_space<hbm>>) target(%dma_start3A_83 : memref<128xi32, #tpu.memory_space<vmem>>) target_semaphore(%run_scoped3A_74 : memref<!tpu.dma_semaphore, #tpu.memory_space<semaphore_mem>>)
        %dma_wait3A = arith.constant 0 : i32
        %dma_wait3A_87 = tpu.memref_slice %arg5[%run_scoped3A_73, %dma_wait3A] : memref<79x128xi32, #tpu.memory_space<vmem>> -> memref<1x128xi32, #tpu.memory_space<vmem>>
        %dma_wait3A_88 = tpu.memref_squeeze %dma_wait3A_87 : memref<1x128xi32, #tpu.memory_space<vmem>> -> memref<128xi32, #tpu.memory_space<vmem>>
        %dma_wait3A_89 = arith.constant 0 : i32
        %dma_wait3A_90 = tpu.memref_slice %arg3[%run_scoped3A_72, %add3A_71, %dma_wait3A_89] : memref<2x2500x128xi32, #tpu.memory_space<hbm>> -> memref<1x1x128xi32, #tpu.memory_space<hbm>>
        %dma_wait3A_91 = tpu.memref_squeeze %dma_wait3A_90 : memref<1x1x128xi32, #tpu.memory_space<hbm>> -> memref<128xi32, #tpu.memory_space<hbm>>
        %dma_wait3A_92 = arith.constant 0 : i32
        %dma_wait3A_93 = tpu.memref_slice %arg5[%run_scoped3A_73, %dma_wait3A_92] : memref<79x128xi32, #tpu.memory_space<vmem>> -> memref<1x128xi32, #tpu.memory_space<vmem>>
        %dma_wait3A_94 = tpu.memref_squeeze %dma_wait3A_93 : memref<1x128xi32, #tpu.memory_space<vmem>> -> memref<128xi32, #tpu.memory_space<vmem>>
        %dma_wait3A_95 = arith.constant 0 : i32
        %dma_wait3A_96 = tpu.memref_slice %arg3[%run_scoped3A_72, %add3A_71, %dma_wait3A_95] : memref<2x2500x128xi32, #tpu.memory_space<hbm>> -> memref<1x1x128xi32, #tpu.memory_space<hbm>>
        %dma_wait3A_97 = tpu.memref_squeeze %dma_wait3A_96 : memref<1x1x128xi32, #tpu.memory_space<hbm>> -> memref<128xi32, #tpu.memory_space<hbm>>
        tpu.wait_dma2 semaphore(%run_scoped3A_74 : memref<!tpu.dma_semaphore, #tpu.memory_space<semaphore_mem>>) src(%dma_wait3A_97 : memref<128xi32, #tpu.memory_space<hbm>>) dst(%dma_wait3A_94 : memref<128xi32, #tpu.memory_space<vmem>>)
        tpu.yield
      }) : () -> ()
    } else {
    }
    %mul3A_7 = arith.constant 78 : i32
    %mul3A_8 = arith.muli %add3A, %mul3A_7 : i32
    %min3A_9 = arith.constant 4 : i32
    %min3A_10 = arith.minsi %add3A, %min3A_9 : i32
    %add3A_11 = arith.addi %mul3A_8, %min3A_10 : i32
    %run_scoped3A_12 = arith.constant 1 : i32
    "tpu.region"() ({
      %run_scoped3A_70 = tpu.sem_alloc : memref<!tpu.dma_semaphore, #tpu.memory_space<semaphore_mem>>
      %dma_start3A_71 = arith.constant 0 : i32
      %dma_start3A_72 = arith.constant 0 : i32
      %dma_start3A_73 = tpu.memref_slice %arg6[%dma_start3A_71, %dma_start3A_72] : memref<79x128xi32, #tpu.memory_space<vmem>> -> memref<78x128xi32, #tpu.memory_space<vmem>>
      %dma_start3A_74 = arith.constant 0 : i32
      %dma_start3A_75 = tpu.memref_slice %arg3[%run_scoped3A_12, %add3A_11, %dma_start3A_74] : memref<2x2500x128xi32, #tpu.memory_space<hbm>> -> memref<1x78x128xi32, #tpu.memory_space<hbm>>
      %dma_start3A_76 = tpu.memref_squeeze %dma_start3A_75 : memref<1x78x128xi32, #tpu.memory_space<hbm>> -> memref<78x128xi32, #tpu.memory_space<hbm>>
      %dma_start3A_77 = arith.constant 0 : i32
      %dma_start3A_78 = arith.constant 0 : i32
      %dma_start3A_79 = tpu.memref_slice %arg6[%dma_start3A_77, %dma_start3A_78] : memref<79x128xi32, #tpu.memory_space<vmem>> -> memref<78x128xi32, #tpu.memory_space<vmem>>
      %dma_start3A_80 = arith.constant 0 : i32
      %dma_start3A_81 = tpu.memref_slice %arg3[%run_scoped3A_12, %add3A_11, %dma_start3A_80] : memref<2x2500x128xi32, #tpu.memory_space<hbm>> -> memref<1x78x128xi32, #tpu.memory_space<hbm>>
      %dma_start3A_82 = tpu.memref_squeeze %dma_start3A_81 : memref<1x78x128xi32, #tpu.memory_space<hbm>> -> memref<78x128xi32, #tpu.memory_space<hbm>>
      tpu.enqueue_dma source(%dma_start3A_82 : memref<78x128xi32, #tpu.memory_space<hbm>>) target(%dma_start3A_79 : memref<78x128xi32, #tpu.memory_space<vmem>>) target_semaphore(%run_scoped3A_70 : memref<!tpu.dma_semaphore, #tpu.memory_space<semaphore_mem>>)
      %dma_wait3A = arith.constant 0 : i32
      %dma_wait3A_83 = arith.constant 0 : i32
      %dma_wait3A_84 = tpu.memref_slice %arg6[%dma_wait3A, %dma_wait3A_83] : memref<79x128xi32, #tpu.memory_space<vmem>> -> memref<78x128xi32, #tpu.memory_space<vmem>>
      %dma_wait3A_85 = arith.constant 0 : i32
      %dma_wait3A_86 = tpu.memref_slice %arg3[%run_scoped3A_12, %add3A_11, %dma_wait3A_85] : memref<2x2500x128xi32, #tpu.memory_space<hbm>> -> memref<1x78x128xi32, #tpu.memory_space<hbm>>
      %dma_wait3A_87 = tpu.memref_squeeze %dma_wait3A_86 : memref<1x78x128xi32, #tpu.memory_space<hbm>> -> memref<78x128xi32, #tpu.memory_space<hbm>>
      %dma_wait3A_88 = arith.constant 0 : i32
      %dma_wait3A_89 = arith.constant 0 : i32
      %dma_wait3A_90 = tpu.memref_slice %arg6[%dma_wait3A_88, %dma_wait3A_89] : memref<79x128xi32, #tpu.memory_space<vmem>> -> memref<78x128xi32, #tpu.memory_space<vmem>>
      %dma_wait3A_91 = arith.constant 0 : i32
      %dma_wait3A_92 = tpu.memref_slice %arg3[%run_scoped3A_12, %add3A_11, %dma_wait3A_91] : memref<2x2500x128xi32, #tpu.memory_space<hbm>> -> memref<1x78x128xi32, #tpu.memory_space<hbm>>
      %dma_wait3A_93 = tpu.memref_squeeze %dma_wait3A_92 : memref<1x78x128xi32, #tpu.memory_space<hbm>> -> memref<78x128xi32, #tpu.memory_space<hbm>>
      tpu.wait_dma2 semaphore(%run_scoped3A_70 : memref<!tpu.dma_semaphore, #tpu.memory_space<semaphore_mem>>) src(%dma_wait3A_93 : memref<78x128xi32, #tpu.memory_space<hbm>>) dst(%dma_wait3A_90 : memref<78x128xi32, #tpu.memory_space<vmem>>)
      tpu.yield
    }) : () -> ()
    %lt3A_13 = arith.constant 4 : i32
    %lt3A_14 = arith.cmpi slt, %add3A, %lt3A_13 : i32
    %convert_element_type3A_15 = arith.extui %lt3A_14 : i1 to i32
    %cond3A_16 = arith.constant 0 : i32
    %cond3A_17 = arith.cmpi ne, %convert_element_type3A_15, %cond3A_16 : i32
    scf.if %cond3A_17 {
      %add3A_70 = arith.constant 78 : i32
      %add3A_71 = arith.addi %add3A_11, %add3A_70 : i32
      %run_scoped3A_72 = arith.constant 1 : i32
      %run_scoped3A_73 = arith.constant 78 : i32
      "tpu.region"() ({
        %run_scoped3A_74 = tpu.sem_alloc : memref<!tpu.dma_semaphore, #tpu.memory_space<semaphore_mem>>
        %dma_start3A_75 = arith.constant 0 : i32
        %dma_start3A_76 = tpu.memref_slice %arg6[%run_scoped3A_73, %dma_start3A_75] : memref<79x128xi32, #tpu.memory_space<vmem>> -> memref<1x128xi32, #tpu.memory_space<vmem>>
        %dma_start3A_77 = tpu.memref_squeeze %dma_start3A_76 : memref<1x128xi32, #tpu.memory_space<vmem>> -> memref<128xi32, #tpu.memory_space<vmem>>
        %dma_start3A_78 = arith.constant 0 : i32
        %dma_start3A_79 = tpu.memref_slice %arg3[%run_scoped3A_72, %add3A_71, %dma_start3A_78] : memref<2x2500x128xi32, #tpu.memory_space<hbm>> -> memref<1x1x128xi32, #tpu.memory_space<hbm>>
        %dma_start3A_80 = tpu.memref_squeeze %dma_start3A_79 : memref<1x1x128xi32, #tpu.memory_space<hbm>> -> memref<128xi32, #tpu.memory_space<hbm>>
        %dma_start3A_81 = arith.constant 0 : i32
        %dma_start3A_82 = tpu.memref_slice %arg6[%run_scoped3A_73, %dma_start3A_81] : memref<79x128xi32, #tpu.memory_space<vmem>> -> memref<1x128xi32, #tpu.memory_space<vmem>>
        %dma_start3A_83 = tpu.memref_squeeze %dma_start3A_82 : memref<1x128xi32, #tpu.memory_space<vmem>> -> memref<128xi32, #tpu.memory_space<vmem>>
        %dma_start3A_84 = arith.constant 0 : i32
        %dma_start3A_85 = tpu.memref_slice %arg3[%run_scoped3A_72, %add3A_71, %dma_start3A_84] : memref<2x2500x128xi32, #tpu.memory_space<hbm>> -> memref<1x1x128xi32, #tpu.memory_space<hbm>>
        %dma_start3A_86 = tpu.memref_squeeze %dma_start3A_85 : memref<1x1x128xi32, #tpu.memory_space<hbm>> -> memref<128xi32, #tpu.memory_space<hbm>>
        tpu.enqueue_dma source(%dma_start3A_86 : memref<128xi32, #tpu.memory_space<hbm>>) target(%dma_start3A_83 : memref<128xi32, #tpu.memory_space<vmem>>) target_semaphore(%run_scoped3A_74 : memref<!tpu.dma_semaphore, #tpu.memory_space<semaphore_mem>>)
        %dma_wait3A = arith.constant 0 : i32
        %dma_wait3A_87 = tpu.memref_slice %arg6[%run_scoped3A_73, %dma_wait3A] : memref<79x128xi32, #tpu.memory_space<vmem>> -> memref<1x128xi32, #tpu.memory_space<vmem>>
        %dma_wait3A_88 = tpu.memref_squeeze %dma_wait3A_87 : memref<1x128xi32, #tpu.memory_space<vmem>> -> memref<128xi32, #tpu.memory_space<vmem>>
        %dma_wait3A_89 = arith.constant 0 : i32
        %dma_wait3A_90 = tpu.memref_slice %arg3[%run_scoped3A_72, %add3A_71, %dma_wait3A_89] : memref<2x2500x128xi32, #tpu.memory_space<hbm>> -> memref<1x1x128xi32, #tpu.memory_space<hbm>>
        %dma_wait3A_91 = tpu.memref_squeeze %dma_wait3A_90 : memref<1x1x128xi32, #tpu.memory_space<hbm>> -> memref<128xi32, #tpu.memory_space<hbm>>
        %dma_wait3A_92 = arith.constant 0 : i32
        %dma_wait3A_93 = tpu.memref_slice %arg6[%run_scoped3A_73, %dma_wait3A_92] : memref<79x128xi32, #tpu.memory_space<vmem>> -> memref<1x128xi32, #tpu.memory_space<vmem>>
        %dma_wait3A_94 = tpu.memref_squeeze %dma_wait3A_93 : memref<1x128xi32, #tpu.memory_space<vmem>> -> memref<128xi32, #tpu.memory_space<vmem>>
        %dma_wait3A_95 = arith.constant 0 : i32
        %dma_wait3A_96 = tpu.memref_slice %arg3[%run_scoped3A_72, %add3A_71, %dma_wait3A_95] : memref<2x2500x128xi32, #tpu.memory_space<hbm>> -> memref<1x1x128xi32, #tpu.memory_space<hbm>>
        %dma_wait3A_97 = tpu.memref_squeeze %dma_wait3A_96 : memref<1x1x128xi32, #tpu.memory_space<hbm>> -> memref<128xi32, #tpu.memory_space<hbm>>
        tpu.wait_dma2 semaphore(%run_scoped3A_74 : memref<!tpu.dma_semaphore, #tpu.memory_space<semaphore_mem>>) src(%dma_wait3A_97 : memref<128xi32, #tpu.memory_space<hbm>>) dst(%dma_wait3A_94 : memref<128xi32, #tpu.memory_space<vmem>>)
        tpu.yield
      }) : () -> ()
    } else {
    }
    %mul3A_18 = arith.constant 640 : i32
    %mul3A_19 = arith.muli %arg1, %mul3A_18 : i32
    %mul3A_20 = arith.constant 640 : i32
    %mul3A_21 = arith.muli %arg1, %mul3A_20 : i32
    "tpu.region"() ({
      %run_scoped3A_70 = tpu.sem_alloc : memref<!tpu.dma_semaphore, #tpu.memory_space<semaphore_mem>>
      %dma_start3A_71 = arith.constant 0 : i32
      %dma_start3A_72 = tpu.memref_slice %arg9[%mul3A_21, %dma_start3A_71] : memref<10240x64xf32, #tpu.memory_space<vmem_shared>> -> memref<640x64xf32, #tpu.memory_space<vmem_shared>>
      %dma_start3A_73 = arith.constant 0 : i32
      %dma_start3A_74 = tpu.memref_slice %arg2[%mul3A_19, %dma_start3A_73] : memref<10240x64xf32, #tpu.memory_space<hbm>> -> memref<640x64xf32, #tpu.memory_space<hbm>>
      tpu.enqueue_dma source(%dma_start3A_74 : memref<640x64xf32, #tpu.memory_space<hbm>>) target(%dma_start3A_72 : memref<640x64xf32, #tpu.memory_space<vmem_shared>>) target_semaphore(%run_scoped3A_70 : memref<!tpu.dma_semaphore, #tpu.memory_space<semaphore_mem>>)
      %dma_wait3A = arith.constant 0 : i32
      %dma_wait3A_75 = tpu.memref_slice %arg9[%mul3A_21, %dma_wait3A] : memref<10240x64xf32, #tpu.memory_space<vmem_shared>> -> memref<640x64xf32, #tpu.memory_space<vmem_shared>>
      %dma_wait3A_76 = arith.constant 0 : i32
      %dma_wait3A_77 = tpu.memref_slice %arg2[%mul3A_19, %dma_wait3A_76] : memref<10240x64xf32, #tpu.memory_space<hbm>> -> memref<640x64xf32, #tpu.memory_space<hbm>>
      tpu.wait_dma2 semaphore(%run_scoped3A_70 : memref<!tpu.dma_semaphore, #tpu.memory_space<semaphore_mem>>) src(%dma_wait3A_77 : memref<640x64xf32, #tpu.memory_space<hbm>>) dst(%dma_wait3A_75 : memref<640x64xf32, #tpu.memory_space<vmem_shared>>)
      tpu.yield
    }) : () -> ()
    %broadcast_in_dim3A = arith.constant 0.000000e+00 : f32
    %broadcast_in_dim3A_22 = vector.broadcast %broadcast_in_dim3A : f32 to vector<16xf32>
    %scan3A = arith.constant 0 : i32
    %scan3A_23 = arith.constant 0 : i32
    %scan3A_24 = arith.constant 128 : i32
    %scan3A_25 = arith.addi %scan3A_23, %scan3A_24 : i32
    %scan3A_26 = arith.constant 1 : i32
    scf.for %scan3A_70 = %scan3A_23 to %scan3A_25 step %scan3A_26  : i32 {
      %swap3A = arith.index_cast %scan3A_70 : i32 to index
      %swap3A_71 = arith.constant 0 : index
      %swap3A_72 = tpu.vector_load %arg7[%swap3A, %swap3A_71] {strides = array<i32>} : memref<128x64xf32, #tpu.memory_space<vmem>>, vector<16xf32>,
      tpu.vector_store %arg7[%swap3A, %swap3A_71], %broadcast_in_dim3A_22 {strides = array<i32>} : memref<128x64xf32, #tpu.memory_space<vmem>>, vector<16xf32>,
      %swap3A_73 = arith.index_cast %scan3A_70 : i32 to index
      %swap3A_74 = arith.constant 16 : index
      %swap3A_75 = tpu.vector_load %arg7[%swap3A_73, %swap3A_74] {strides = array<i32>} : memref<128x64xf32, #tpu.memory_space<vmem>>, vector<16xf32>,
      tpu.vector_store %arg7[%swap3A_73, %swap3A_74], %broadcast_in_dim3A_22 {strides = array<i32>} : memref<128x64xf32, #tpu.memory_space<vmem>>, vector<16xf32>,
      %swap3A_76 = arith.index_cast %scan3A_70 : i32 to index
      %swap3A_77 = arith.constant 32 : index
      %swap3A_78 = tpu.vector_load %arg7[%swap3A_76, %swap3A_77] {strides = array<i32>} : memref<128x64xf32, #tpu.memory_space<vmem>>, vector<16xf32>,
      tpu.vector_store %arg7[%swap3A_76, %swap3A_77], %broadcast_in_dim3A_22 {strides = array<i32>} : memref<128x64xf32, #tpu.memory_space<vmem>>, vector<16xf32>,
      %swap3A_79 = arith.index_cast %scan3A_70 : i32 to index
      %swap3A_80 = arith.constant 48 : index
      %swap3A_81 = tpu.vector_load %arg7[%swap3A_79, %swap3A_80] {strides = array<i32>} : memref<128x64xf32, #tpu.memory_space<vmem>>, vector<16xf32>,
      tpu.vector_store %arg7[%swap3A_79, %swap3A_80], %broadcast_in_dim3A_22 {strides = array<i32>} : memref<128x64xf32, #tpu.memory_space<vmem>>, vector<16xf32>,
    }
    %scan3A_27 = arith.constant 128 : i32
    %mul3A_28 = arith.constant 640 : i32
    %mul3A_29 = arith.muli %arg1, %mul3A_28 : i32
    %add3A_30 = arith.constant 0 : i32
    %add3A_31 = arith.addi %mul3A_29, %add3A_30 : i32
    "tpu.region"() ({
      %run_scoped3A_70 = tpu.sem_alloc : memref<!tpu.dma_semaphore, #tpu.memory_space<semaphore_mem>>
      %dma_start3A_71 = arith.constant 0 : i32
      %dma_start3A_72 = tpu.memref_slice %arg10[%add3A_31, %dma_start3A_71] : memref<10240x64xf32, #tpu.memory_space<vmem_shared>> -> memref<128x64xf32, #tpu.memory_space<vmem_shared>>
      %dma_start3A_73 = arith.constant 0 : i32
      %dma_start3A_74 = tpu.memref_slice %arg10[%add3A_31, %dma_start3A_73] : memref<10240x64xf32, #tpu.memory_space<vmem_shared>> -> memref<128x64xf32, #tpu.memory_space<vmem_shared>>
      tpu.enqueue_dma source(%arg7 : memref<128x64xf32, #tpu.memory_space<vmem>>) target(%dma_start3A_74 : memref<128x64xf32, #tpu.memory_space<vmem_shared>>) target_semaphore(%run_scoped3A_70 : memref<!tpu.dma_semaphore, #tpu.memory_space<semaphore_mem>>)
      %dma_wait3A = arith.constant 0 : i32
      %dma_wait3A_75 = tpu.memref_slice %arg10[%add3A_31, %dma_wait3A] : memref<10240x64xf32, #tpu.memory_space<vmem_shared>> -> memref<128x64xf32, #tpu.memory_space<vmem_shared>>
      %dma_wait3A_76 = arith.constant 0 : i32
      %dma_wait3A_77 = tpu.memref_slice %arg10[%add3A_31, %dma_wait3A_76] : memref<10240x64xf32, #tpu.memory_space<vmem_shared>> -> memref<128x64xf32, #tpu.memory_space<vmem_shared>>
      tpu.wait_dma2 semaphore(%run_scoped3A_70 : memref<!tpu.dma_semaphore, #tpu.memory_space<semaphore_mem>>) src(%arg7 : memref<128x64xf32, #tpu.memory_space<vmem>>) dst(%dma_wait3A_77 : memref<128x64xf32, #tpu.memory_space<vmem_shared>>)
      tpu.yield
    }) : () -> ()
    %mul3A_32 = arith.constant 640 : i32
    %mul3A_33 = arith.muli %arg1, %mul3A_32 : i32
    %add3A_34 = arith.constant 128 : i32
    %add3A_35 = arith.addi %mul3A_33, %add3A_34 : i32
    "tpu.region"() ({
      %run_scoped3A_70 = tpu.sem_alloc : memref<!tpu.dma_semaphore, #tpu.memory_space<semaphore_mem>>
      %dma_start3A_71 = arith.constant 0 : i32
      %dma_start3A_72 = tpu.memref_slice %arg10[%add3A_35, %dma_start3A_71] : memref<10240x64xf32, #tpu.memory_space<vmem_shared>> -> memref<128x64xf32, #tpu.memory_space<vmem_shared>>
      %dma_start3A_73 = arith.constant 0 : i32
      %dma_start3A_74 = tpu.memref_slice %arg10[%add3A_35, %dma_start3A_73] : memref<10240x64xf32, #tpu.memory_space<vmem_shared>> -> memref<128x64xf32, #tpu.memory_space<vmem_shared>>
      tpu.enqueue_dma source(%arg7 : memref<128x64xf32, #tpu.memory_space<vmem>>) target(%dma_start3A_74 : memref<128x64xf32, #tpu.memory_space<vmem_shared>>) target_semaphore(%run_scoped3A_70 : memref<!tpu.dma_semaphore, #tpu.memory_space<semaphore_mem>>)
      %dma_wait3A = arith.constant 0 : i32
      %dma_wait3A_75 = tpu.memref_slice %arg10[%add3A_35, %dma_wait3A] : memref<10240x64xf32, #tpu.memory_space<vmem_shared>> -> memref<128x64xf32, #tpu.memory_space<vmem_shared>>
      %dma_wait3A_76 = arith.constant 0 : i32
      %dma_wait3A_77 = tpu.memref_slice %arg10[%add3A_35, %dma_wait3A_76] : memref<10240x64xf32, #tpu.memory_space<vmem_shared>> -> memref<128x64xf32, #tpu.memory_space<vmem_shared>>
      tpu.wait_dma2 semaphore(%run_scoped3A_70 : memref<!tpu.dma_semaphore, #tpu.memory_space<semaphore_mem>>) src(%arg7 : memref<128x64xf32, #tpu.memory_space<vmem>>) dst(%dma_wait3A_77 : memref<128x64xf32, #tpu.memory_space<vmem_shared>>)
      tpu.yield
    }) : () -> ()
    %mul3A_36 = arith.constant 640 : i32
    %mul3A_37 = arith.muli %arg1, %mul3A_36 : i32
    %add3A_38 = arith.constant 256 : i32
    %add3A_39 = arith.addi %mul3A_37, %add3A_38 : i32
    "tpu.region"() ({
      %run_scoped3A_70 = tpu.sem_alloc : memref<!tpu.dma_semaphore, #tpu.memory_space<semaphore_mem>>
      %dma_start3A_71 = arith.constant 0 : i32
      %dma_start3A_72 = tpu.memref_slice %arg10[%add3A_39, %dma_start3A_71] : memref<10240x64xf32, #tpu.memory_space<vmem_shared>> -> memref<128x64xf32, #tpu.memory_space<vmem_shared>>
      %dma_start3A_73 = arith.constant 0 : i32
      %dma_start3A_74 = tpu.memref_slice %arg10[%add3A_39, %dma_start3A_73] : memref<10240x64xf32, #tpu.memory_space<vmem_shared>> -> memref<128x64xf32, #tpu.memory_space<vmem_shared>>
      tpu.enqueue_dma source(%arg7 : memref<128x64xf32, #tpu.memory_space<vmem>>) target(%dma_start3A_74 : memref<128x64xf32, #tpu.memory_space<vmem_shared>>) target_semaphore(%run_scoped3A_70 : memref<!tpu.dma_semaphore, #tpu.memory_space<semaphore_mem>>)
      %dma_wait3A = arith.constant 0 : i32
      %dma_wait3A_75 = tpu.memref_slice %arg10[%add3A_39, %dma_wait3A] : memref<10240x64xf32, #tpu.memory_space<vmem_shared>> -> memref<128x64xf32, #tpu.memory_space<vmem_shared>>
      %dma_wait3A_76 = arith.constant 0 : i32
      %dma_wait3A_77 = tpu.memref_slice %arg10[%add3A_39, %dma_wait3A_76] : memref<10240x64xf32, #tpu.memory_space<vmem_shared>> -> memref<128x64xf32, #tpu.memory_space<vmem_shared>>
      tpu.wait_dma2 semaphore(%run_scoped3A_70 : memref<!tpu.dma_semaphore, #tpu.memory_space<semaphore_mem>>) src(%arg7 : memref<128x64xf32, #tpu.memory_space<vmem>>) dst(%dma_wait3A_77 : memref<128x64xf32, #tpu.memory_space<vmem_shared>>)
      tpu.yield
    }) : () -> ()
    %mul3A_40 = arith.constant 640 : i32
    %mul3A_41 = arith.muli %arg1, %mul3A_40 : i32
    %add3A_42 = arith.constant 384 : i32
    %add3A_43 = arith.addi %mul3A_41, %add3A_42 : i32
    "tpu.region"() ({
      %run_scoped3A_70 = tpu.sem_alloc : memref<!tpu.dma_semaphore, #tpu.memory_space<semaphore_mem>>
      %dma_start3A_71 = arith.constant 0 : i32
      %dma_start3A_72 = tpu.memref_slice %arg10[%add3A_43, %dma_start3A_71] : memref<10240x64xf32, #tpu.memory_space<vmem_shared>> -> memref<128x64xf32, #tpu.memory_space<vmem_shared>>
      %dma_start3A_73 = arith.constant 0 : i32
      %dma_start3A_74 = tpu.memref_slice %arg10[%add3A_43, %dma_start3A_73] : memref<10240x64xf32, #tpu.memory_space<vmem_shared>> -> memref<128x64xf32, #tpu.memory_space<vmem_shared>>
      tpu.enqueue_dma source(%arg7 : memref<128x64xf32, #tpu.memory_space<vmem>>) target(%dma_start3A_74 : memref<128x64xf32, #tpu.memory_space<vmem_shared>>) target_semaphore(%run_scoped3A_70 : memref<!tpu.dma_semaphore, #tpu.memory_space<semaphore_mem>>)
      %dma_wait3A = arith.constant 0 : i32
      %dma_wait3A_75 = tpu.memref_slice %arg10[%add3A_43, %dma_wait3A] : memref<10240x64xf32, #tpu.memory_space<vmem_shared>> -> memref<128x64xf32, #tpu.memory_space<vmem_shared>>
      %dma_wait3A_76 = arith.constant 0 : i32
      %dma_wait3A_77 = tpu.memref_slice %arg10[%add3A_43, %dma_wait3A_76] : memref<10240x64xf32, #tpu.memory_space<vmem_shared>> -> memref<128x64xf32, #tpu.memory_space<vmem_shared>>
      tpu.wait_dma2 semaphore(%run_scoped3A_70 : memref<!tpu.dma_semaphore, #tpu.memory_space<semaphore_mem>>) src(%arg7 : memref<128x64xf32, #tpu.memory_space<vmem>>) dst(%dma_wait3A_77 : memref<128x64xf32, #tpu.memory_space<vmem_shared>>)
      tpu.yield
    }) : () -> ()
    %mul3A_44 = arith.constant 640 : i32
    %mul3A_45 = arith.muli %arg1, %mul3A_44 : i32
    %add3A_46 = arith.constant 512 : i32
    %add3A_47 = arith.addi %mul3A_45, %add3A_46 : i32
    "tpu.region"() ({
      %run_scoped3A_70 = tpu.sem_alloc : memref<!tpu.dma_semaphore, #tpu.memory_space<semaphore_mem>>
      %dma_start3A_71 = arith.constant 0 : i32
      %dma_start3A_72 = tpu.memref_slice %arg10[%add3A_47, %dma_start3A_71] : memref<10240x64xf32, #tpu.memory_space<vmem_shared>> -> memref<128x64xf32, #tpu.memory_space<vmem_shared>>
      %dma_start3A_73 = arith.constant 0 : i32
      %dma_start3A_74 = tpu.memref_slice %arg10[%add3A_47, %dma_start3A_73] : memref<10240x64xf32, #tpu.memory_space<vmem_shared>> -> memref<128x64xf32, #tpu.memory_space<vmem_shared>>
      tpu.enqueue_dma source(%arg7 : memref<128x64xf32, #tpu.memory_space<vmem>>) target(%dma_start3A_74 : memref<128x64xf32, #tpu.memory_space<vmem_shared>>) target_semaphore(%run_scoped3A_70 : memref<!tpu.dma_semaphore, #tpu.memory_space<semaphore_mem>>)
      %dma_wait3A = arith.constant 0 : i32
      %dma_wait3A_75 = tpu.memref_slice %arg10[%add3A_47, %dma_wait3A] : memref<10240x64xf32, #tpu.memory_space<vmem_shared>> -> memref<128x64xf32, #tpu.memory_space<vmem_shared>>
      %dma_wait3A_76 = arith.constant 0 : i32
      %dma_wait3A_77 = tpu.memref_slice %arg10[%add3A_47, %dma_wait3A_76] : memref<10240x64xf32, #tpu.memory_space<vmem_shared>> -> memref<128x64xf32, #tpu.memory_space<vmem_shared>>
      tpu.wait_dma2 semaphore(%run_scoped3A_70 : memref<!tpu.dma_semaphore, #tpu.memory_space<semaphore_mem>>) src(%arg7 : memref<128x64xf32, #tpu.memory_space<vmem>>) dst(%dma_wait3A_77 : memref<128x64xf32, #tpu.memory_space<vmem_shared>>)
      tpu.yield
    }) : () -> ()
    %barrier3A = arith.constant 0 : index
    tpu.barrier barrier_id(%barrier3A)
    %dma_start3A = arith.constant 0 : i32
    %dma_start3A_48 = arith.constant 0 : i32
    %dma_start3A_49 = tpu.memref_slice %arg5[%dma_start3A, %dma_start3A_48] : memref<79x128xi32, #tpu.memory_space<vmem>> -> memref<1x128xi32, #tpu.memory_space<vmem>>
    %dma_start3A_50 = tpu.memref_squeeze %dma_start3A_49 : memref<1x128xi32, #tpu.memory_space<vmem>> -> memref<128xi32, #tpu.memory_space<vmem>>
    %dma_start3A_51 = arith.constant 0 : i32
    %dma_start3A_52 = arith.constant 0 : i32
    %dma_start3A_53 = tpu.memref_slice %arg9[%dma_start3A_51, %dma_start3A_52] : memref<10240x64xf32, #tpu.memory_space<vmem_shared>> -> memref<10240x64xf32, #tpu.memory_space<vmem_shared>>
    tpu.enqueue_indirect_dma source(%dma_start3A_53 : memref<10240x64xf32, #tpu.memory_space<vmem_shared>>) target(%arg7 : memref<128x64xf32, #tpu.memory_space<vmem>>) offsets(%dma_start3A_50 : memref<128xi32, #tpu.memory_space<vmem>>) semaphore(%arg11 : memref<!tpu.dma_semaphore, #tpu.memory_space<semaphore_mem>>)
    %scan3A_54 = arith.constant 0 : i32
    %scan3A_55 = arith.constant 0 : i32
    %scan3A_56 = arith.constant 39 : i32
    %scan3A_57 = arith.addi %scan3A_55, %scan3A_56 : i32
    %scan3A_58 = arith.constant 1 : i32
    scf.for %scan3A_70 = %scan3A_55 to %scan3A_57 step %scan3A_58  : i32 {
      %mul3A_71 = arith.constant 2 : i32
      %mul3A_72 = arith.muli %mul3A_71, %scan3A_70 : i32
      %add3A_73 = arith.constant 1 : i32
      %add3A_74 = arith.addi %mul3A_72, %add3A_73 : i32
      %dma_start3A_75 = arith.constant 0 : i32
      %dma_start3A_76 = tpu.memref_slice %arg5[%add3A_74, %dma_start3A_75] : memref<79x128xi32, #tpu.memory_space<vmem>> -> memref<1x128xi32, #tpu.memory_space<vmem>>
      %dma_start3A_77 = tpu.memref_squeeze %dma_start3A_76 : memref<1x128xi32, #tpu.memory_space<vmem>> -> memref<128xi32, #tpu.memory_space<vmem>>
      %dma_start3A_78 = arith.constant 0 : i32
      %dma_start3A_79 = arith.constant 0 : i32
      %dma_start3A_80 = tpu.memref_slice %arg9[%dma_start3A_78, %dma_start3A_79] : memref<10240x64xf32, #tpu.memory_space<vmem_shared>> -> memref<10240x64xf32, #tpu.memory_space<vmem_shared>>
      tpu.enqueue_indirect_dma source(%dma_start3A_80 : memref<10240x64xf32, #tpu.memory_space<vmem_shared>>) target(%arg8 : memref<128x64xf32, #tpu.memory_space<vmem>>) offsets(%dma_start3A_77 : memref<128xi32, #tpu.memory_space<vmem>>) semaphore(%arg12 : memref<!tpu.dma_semaphore, #tpu.memory_space<semaphore_mem>>)
      %dma_wait3A = arith.constant 0 : i32
      %dma_wait3A_81 = tpu.memref_slice %arg5[%mul3A_72, %dma_wait3A] : memref<79x128xi32, #tpu.memory_space<vmem>> -> memref<1x128xi32, #tpu.memory_space<vmem>>
      %dma_wait3A_82 = tpu.memref_squeeze %dma_wait3A_81 : memref<1x128xi32, #tpu.memory_space<vmem>> -> memref<128xi32, #tpu.memory_space<vmem>>
      %dma_wait3A_83 = arith.constant 0 : i32
      %dma_wait3A_84 = arith.constant 0 : i32
      %dma_wait3A_85 = tpu.memref_slice %arg9[%dma_wait3A_83, %dma_wait3A_84] : memref<10240x64xf32, #tpu.memory_space<vmem_shared>> -> memref<10240x64xf32, #tpu.memory_space<vmem_shared>>
      tpu.wait_indirect_dma semaphore(%arg11 : memref<!tpu.dma_semaphore, #tpu.memory_space<semaphore_mem>>) src(%dma_wait3A_85 : memref<10240x64xf32, #tpu.memory_space<vmem_shared>>) dst(%arg7 : memref<128x64xf32, #tpu.memory_space<vmem>>)
      "tpu.region"() ({
        %run_scoped3A_103 = tpu.sem_alloc : memref<!tpu.dma_semaphore, #tpu.memory_space<semaphore_mem>>
        %dma_start3A_104 = arith.constant 0 : i32
        %dma_start3A_105 = tpu.memref_slice %arg6[%mul3A_72, %dma_start3A_104] : memref<79x128xi32, #tpu.memory_space<vmem>> -> memref<1x128xi32, #tpu.memory_space<vmem>>
        %dma_start3A_106 = tpu.memref_squeeze %dma_start3A_105 : memref<1x128xi32, #tpu.memory_space<vmem>> -> memref<128xi32, #tpu.memory_space<vmem>>
        %dma_start3A_107 = arith.constant 0 : i32
        %dma_start3A_108 = arith.constant 0 : i32
        %dma_start3A_109 = tpu.memref_slice %arg10[%dma_start3A_107, %dma_start3A_108] : memref<10240x64xf32, #tpu.memory_space<vmem_shared>> -> memref<10240x64xf32, #tpu.memory_space<vmem_shared>>
        tpu.enqueue_indirect_dma source(%arg7 : memref<128x64xf32, #tpu.memory_space<vmem>>) target(%dma_start3A_109 : memref<10240x64xf32, #tpu.memory_space<vmem_shared>>) offsets(%dma_start3A_106 : memref<128xi32, #tpu.memory_space<vmem>>) semaphore(%run_scoped3A_103 : memref<!tpu.dma_semaphore, #tpu.memory_space<semaphore_mem>>) {add = true}
        %dma_wait3A_110 = arith.constant 0 : i32
        %dma_wait3A_111 = tpu.memref_slice %arg6[%mul3A_72, %dma_wait3A_110] : memref<79x128xi32, #tpu.memory_space<vmem>> -> memref<1x128xi32, #tpu.memory_space<vmem>>
        %dma_wait3A_112 = tpu.memref_squeeze %dma_wait3A_111 : memref<1x128xi32, #tpu.memory_space<vmem>> -> memref<128xi32, #tpu.memory_space<vmem>>
        %dma_wait3A_113 = arith.constant 0 : i32
        %dma_wait3A_114 = arith.constant 0 : i32
        %dma_wait3A_115 = tpu.memref_slice %arg10[%dma_wait3A_113, %dma_wait3A_114] : memref<10240x64xf32, #tpu.memory_space<vmem_shared>> -> memref<10240x64xf32, #tpu.memory_space<vmem_shared>>
        tpu.wait_indirect_dma semaphore(%run_scoped3A_103 : memref<!tpu.dma_semaphore, #tpu.memory_space<semaphore_mem>>) src(%arg7 : memref<128x64xf32, #tpu.memory_space<vmem>>) dst(%dma_wait3A_115 : memref<10240x64xf32, #tpu.memory_space<vmem_shared>>)
        tpu.yield
      }) : () -> ()
      %add3A_86 = arith.constant 1 : i32
      %add3A_87 = arith.addi %scan3A_70, %add3A_86 : i32
      %lt3A_88 = arith.constant 39 : i32
      %lt3A_89 = arith.cmpi slt, %add3A_87, %lt3A_88 : i32
      %convert_element_type3A_90 = arith.extui %lt3A_89 : i1 to i32
      %cond3A_91 = arith.constant 0 : i32
      %cond3A_92 = arith.cmpi ne, %convert_element_type3A_90, %cond3A_91 : i32
      scf.if %cond3A_92 {
        %add3A_103 = arith.constant 2 : i32
        %add3A_104 = arith.addi %mul3A_72, %add3A_103 : i32
        %dma_start3A_105 = arith.constant 0 : i32
        %dma_start3A_106 = tpu.memref_slice %arg5[%add3A_104, %dma_start3A_105] : memref<79x128xi32, #tpu.memory_space<vmem>> -> memref<1x128xi32, #tpu.memory_space<vmem>>
        %dma_start3A_107 = tpu.memref_squeeze %dma_start3A_106 : memref<1x128xi32, #tpu.memory_space<vmem>> -> memref<128xi32, #tpu.memory_space<vmem>>
        %dma_start3A_108 = arith.constant 0 : i32
        %dma_start3A_109 = arith.constant 0 : i32
        %dma_start3A_110 = tpu.memref_slice %arg9[%dma_start3A_108, %dma_start3A_109] : memref<10240x64xf32, #tpu.memory_space<vmem_shared>> -> memref<10240x64xf32, #tpu.memory_space<vmem_shared>>
        tpu.enqueue_indirect_dma source(%dma_start3A_110 : memref<10240x64xf32, #tpu.memory_space<vmem_shared>>) target(%arg7 : memref<128x64xf32, #tpu.memory_space<vmem>>) offsets(%dma_start3A_107 : memref<128xi32, #tpu.memory_space<vmem>>) semaphore(%arg11 : memref<!tpu.dma_semaphore, #tpu.memory_space<semaphore_mem>>)
      } else {
      }
      %add3A_93 = arith.constant 1 : i32
      %add3A_94 = arith.addi %mul3A_72, %add3A_93 : i32
      %dma_wait3A_95 = arith.constant 0 : i32
      %dma_wait3A_96 = tpu.memref_slice %arg5[%add3A_94, %dma_wait3A_95] : memref<79x128xi32, #tpu.memory_space<vmem>> -> memref<1x128xi32, #tpu.memory_space<vmem>>
      %dma_wait3A_97 = tpu.memref_squeeze %dma_wait3A_96 : memref<1x128xi32, #tpu.memory_space<vmem>> -> memref<128xi32, #tpu.memory_space<vmem>>
      %dma_wait3A_98 = arith.constant 0 : i32
      %dma_wait3A_99 = arith.constant 0 : i32
      %dma_wait3A_100 = tpu.memref_slice %arg9[%dma_wait3A_98, %dma_wait3A_99] : memref<10240x64xf32, #tpu.memory_space<vmem_shared>> -> memref<10240x64xf32, #tpu.memory_space<vmem_shared>>
      tpu.wait_indirect_dma semaphore(%arg12 : memref<!tpu.dma_semaphore, #tpu.memory_space<semaphore_mem>>) src(%dma_wait3A_100 : memref<10240x64xf32, #tpu.memory_space<vmem_shared>>) dst(%arg8 : memref<128x64xf32, #tpu.memory_space<vmem>>)
      %add3A_101 = arith.constant 1 : i32
      %add3A_102 = arith.addi %mul3A_72, %add3A_101 : i32
      "tpu.region"() ({
        %run_scoped3A_103 = tpu.sem_alloc : memref<!tpu.dma_semaphore, #tpu.memory_space<semaphore_mem>>
        %dma_start3A_104 = arith.constant 0 : i32
        %dma_start3A_105 = tpu.memref_slice %arg6[%add3A_102, %dma_start3A_104] : memref<79x128xi32, #tpu.memory_space<vmem>> -> memref<1x128xi32, #tpu.memory_space<vmem>>
        %dma_start3A_106 = tpu.memref_squeeze %dma_start3A_105 : memref<1x128xi32, #tpu.memory_space<vmem>> -> memref<128xi32, #tpu.memory_space<vmem>>
        %dma_start3A_107 = arith.constant 0 : i32
        %dma_start3A_108 = arith.constant 0 : i32
        %dma_start3A_109 = tpu.memref_slice %arg10[%dma_start3A_107, %dma_start3A_108] : memref<10240x64xf32, #tpu.memory_space<vmem_shared>> -> memref<10240x64xf32, #tpu.memory_space<vmem_shared>>
        tpu.enqueue_indirect_dma source(%arg8 : memref<128x64xf32, #tpu.memory_space<vmem>>) target(%dma_start3A_109 : memref<10240x64xf32, #tpu.memory_space<vmem_shared>>) offsets(%dma_start3A_106 : memref<128xi32, #tpu.memory_space<vmem>>) semaphore(%run_scoped3A_103 : memref<!tpu.dma_semaphore, #tpu.memory_space<semaphore_mem>>) {add = true}
        %dma_wait3A_110 = arith.constant 0 : i32
        %dma_wait3A_111 = tpu.memref_slice %arg6[%add3A_102, %dma_wait3A_110] : memref<79x128xi32, #tpu.memory_space<vmem>> -> memref<1x128xi32, #tpu.memory_space<vmem>>
        %dma_wait3A_112 = tpu.memref_squeeze %dma_wait3A_111 : memref<1x128xi32, #tpu.memory_space<vmem>> -> memref<128xi32, #tpu.memory_space<vmem>>
        %dma_wait3A_113 = arith.constant 0 : i32
        %dma_wait3A_114 = arith.constant 0 : i32
        %dma_wait3A_115 = tpu.memref_slice %arg10[%dma_wait3A_113, %dma_wait3A_114] : memref<10240x64xf32, #tpu.memory_space<vmem_shared>> -> memref<10240x64xf32, #tpu.memory_space<vmem_shared>>
        tpu.wait_indirect_dma semaphore(%run_scoped3A_103 : memref<!tpu.dma_semaphore, #tpu.memory_space<semaphore_mem>>) src(%arg8 : memref<128x64xf32, #tpu.memory_space<vmem>>) dst(%dma_wait3A_115 : memref<10240x64xf32, #tpu.memory_space<vmem_shared>>)
        tpu.yield
      }) : () -> ()
    }
    %scan3A_59 = arith.constant 39 : i32
    %lt3A_60 = arith.constant 4 : i32
    %lt3A_61 = arith.cmpi slt, %add3A, %lt3A_60 : i32
    %convert_element_type3A_62 = arith.extui %lt3A_61 : i1 to i32
    %cond3A_63 = arith.constant 0 : i32
    %cond3A_64 = arith.cmpi ne, %convert_element_type3A_62, %cond3A_63 : i32
    scf.if %cond3A_64 {
      %dma_start3A_70 = arith.constant 78 : i32
      %dma_start3A_71 = arith.constant 0 : i32
      %dma_start3A_72 = tpu.memref_slice %arg5[%dma_start3A_70, %dma_start3A_71] : memref<79x128xi32, #tpu.memory_space<vmem>> -> memref<1x128xi32, #tpu.memory_space<vmem>>
      %dma_start3A_73 = tpu.memref_squeeze %dma_start3A_72 : memref<1x128xi32, #tpu.memory_space<vmem>> -> memref<128xi32, #tpu.memory_space<vmem>>
      %dma_start3A_74 = arith.constant 0 : i32
      %dma_start3A_75 = arith.constant 0 : i32
      %dma_start3A_76 = tpu.memref_slice %arg9[%dma_start3A_74, %dma_start3A_75] : memref<10240x64xf32, #tpu.memory_space<vmem_shared>> -> memref<10240x64xf32, #tpu.memory_space<vmem_shared>>
      tpu.enqueue_indirect_dma source(%dma_start3A_76 : memref<10240x64xf32, #tpu.memory_space<vmem_shared>>) target(%arg7 : memref<128x64xf32, #tpu.memory_space<vmem>>) offsets(%dma_start3A_73 : memref<128xi32, #tpu.memory_space<vmem>>) semaphore(%arg11 : memref<!tpu.dma_semaphore, #tpu.memory_space<semaphore_mem>>)
      %dma_wait3A = arith.constant 78 : i32
      %dma_wait3A_77 = arith.constant 0 : i32
      %dma_wait3A_78 = tpu.memref_slice %arg5[%dma_wait3A, %dma_wait3A_77] : memref<79x128xi32, #tpu.memory_space<vmem>> -> memref<1x128xi32, #tpu.memory_space<vmem>>
      %dma_wait3A_79 = tpu.memref_squeeze %dma_wait3A_78 : memref<1x128xi32, #tpu.memory_space<vmem>> -> memref<128xi32, #tpu.memory_space<vmem>>
      %dma_wait3A_80 = arith.constant 0 : i32
      %dma_wait3A_81 = arith.constant 0 : i32
      %dma_wait3A_82 = tpu.memref_slice %arg9[%dma_wait3A_80, %dma_wait3A_81] : memref<10240x64xf32, #tpu.memory_space<vmem_shared>> -> memref<10240x64xf32, #tpu.memory_space<vmem_shared>>
      tpu.wait_indirect_dma semaphore(%arg11 : memref<!tpu.dma_semaphore, #tpu.memory_space<semaphore_mem>>) src(%dma_wait3A_82 : memref<10240x64xf32, #tpu.memory_space<vmem_shared>>) dst(%arg7 : memref<128x64xf32, #tpu.memory_space<vmem>>)
      %run_scoped3A_83 = arith.constant 78 : i32
      "tpu.region"() ({
        %run_scoped3A_84 = tpu.sem_alloc : memref<!tpu.dma_semaphore, #tpu.memory_space<semaphore_mem>>
        %dma_start3A_85 = arith.constant 0 : i32
        %dma_start3A_86 = tpu.memref_slice %arg6[%run_scoped3A_83, %dma_start3A_85] : memref<79x128xi32, #tpu.memory_space<vmem>> -> memref<1x128xi32, #tpu.memory_space<vmem>>
        %dma_start3A_87 = tpu.memref_squeeze %dma_start3A_86 : memref<1x128xi32, #tpu.memory_space<vmem>> -> memref<128xi32, #tpu.memory_space<vmem>>
        %dma_start3A_88 = arith.constant 0 : i32
        %dma_start3A_89 = arith.constant 0 : i32
        %dma_start3A_90 = tpu.memref_slice %arg10[%dma_start3A_88, %dma_start3A_89] : memref<10240x64xf32, #tpu.memory_space<vmem_shared>> -> memref<10240x64xf32, #tpu.memory_space<vmem_shared>>
        tpu.enqueue_indirect_dma source(%arg7 : memref<128x64xf32, #tpu.memory_space<vmem>>) target(%dma_start3A_90 : memref<10240x64xf32, #tpu.memory_space<vmem_shared>>) offsets(%dma_start3A_87 : memref<128xi32, #tpu.memory_space<vmem>>) semaphore(%run_scoped3A_84 : memref<!tpu.dma_semaphore, #tpu.memory_space<semaphore_mem>>) {add = true}
        %dma_wait3A_91 = arith.constant 0 : i32
        %dma_wait3A_92 = tpu.memref_slice %arg6[%run_scoped3A_83, %dma_wait3A_91] : memref<79x128xi32, #tpu.memory_space<vmem>> -> memref<1x128xi32, #tpu.memory_space<vmem>>
        %dma_wait3A_93 = tpu.memref_squeeze %dma_wait3A_92 : memref<1x128xi32, #tpu.memory_space<vmem>> -> memref<128xi32, #tpu.memory_space<vmem>>
        %dma_wait3A_94 = arith.constant 0 : i32
        %dma_wait3A_95 = arith.constant 0 : i32
        %dma_wait3A_96 = tpu.memref_slice %arg10[%dma_wait3A_94, %dma_wait3A_95] : memref<10240x64xf32, #tpu.memory_space<vmem_shared>> -> memref<10240x64xf32, #tpu.memory_space<vmem_shared>>
        tpu.wait_indirect_dma semaphore(%run_scoped3A_84 : memref<!tpu.dma_semaphore, #tpu.memory_space<semaphore_mem>>) src(%arg7 : memref<128x64xf32, #tpu.memory_space<vmem>>) dst(%dma_wait3A_96 : memref<10240x64xf32, #tpu.memory_space<vmem_shared>>)
        tpu.yield
      }) : () -> ()
    } else {
    }
    %barrier3A_65 = arith.constant 0 : index
    tpu.barrier barrier_id(%barrier3A_65)
    %mul3A_66 = arith.constant 640 : i32
    %mul3A_67 = arith.muli %arg1, %mul3A_66 : i32
    %mul3A_68 = arith.constant 640 : i32
    %mul3A_69 = arith.muli %arg1, %mul3A_68 : i32
    "tpu.region"() ({
      %run_scoped3A_70 = tpu.sem_alloc : memref<!tpu.dma_semaphore, #tpu.memory_space<semaphore_mem>>
      %dma_start3A_71 = arith.constant 0 : i32
      %dma_start3A_72 = tpu.memref_slice %arg4[%arg0, %mul3A_69, %dma_start3A_71] : memref<2x10240x64xf32, #tpu.memory_space<hbm>> -> memref<1x640x64xf32, #tpu.memory_space<hbm>>
      %dma_start3A_73 = tpu.memref_squeeze %dma_start3A_72 : memref<1x640x64xf32, #tpu.memory_space<hbm>> -> memref<640x64xf32, #tpu.memory_space<hbm>>
      %dma_start3A_74 = arith.constant 0 : i32
      %dma_start3A_75 = tpu.memref_slice %arg10[%mul3A_67, %dma_start3A_74] : memref<10240x64xf32, #tpu.memory_space<vmem_shared>> -> memref<640x64xf32, #tpu.memory_space<vmem_shared>>
      tpu.enqueue_dma source(%dma_start3A_75 : memref<640x64xf32, #tpu.memory_space<vmem_shared>>) target(%dma_start3A_73 : memref<640x64xf32, #tpu.memory_space<hbm>>) target_semaphore(%run_scoped3A_70 : memref<!tpu.dma_semaphore, #tpu.memory_space<semaphore_mem>>)
      %dma_wait3A = arith.constant 0 : i32
      %dma_wait3A_76 = tpu.memref_slice %arg4[%arg0, %mul3A_69, %dma_wait3A] : memref<2x10240x64xf32, #tpu.memory_space<hbm>> -> memref<1x640x64xf32, #tpu.memory_space<hbm>>
      %dma_wait3A_77 = tpu.memref_squeeze %dma_wait3A_76 : memref<1x640x64xf32, #tpu.memory_space<hbm>> -> memref<640x64xf32, #tpu.memory_space<hbm>>
      %dma_wait3A_78 = arith.constant 0 : i32
      %dma_wait3A_79 = tpu.memref_slice %arg10[%mul3A_67, %dma_wait3A_78] : memref<10240x64xf32, #tpu.memory_space<vmem_shared>> -> memref<640x64xf32, #tpu.memory_space<vmem_shared>>
      tpu.wait_dma2 semaphore(%run_scoped3A_70 : memref<!tpu.dma_semaphore, #tpu.memory_space<semaphore_mem>>) src(%dma_wait3A_79 : memref<640x64xf32, #tpu.memory_space<vmem_shared>>) dst(%dma_wait3A_77 : memref<640x64xf32, #tpu.memory_space<hbm>>)
      tpu.yield
    }) : () -> ()
    return
  }
}

module attributes {stable_mosaic.version = 14 : i64} {
  func.func @_k2a_body(%arg0: i32, %arg1: memref<1024x128xf32, #tpu.memory_space<vmem>>, %arg2: memref<2x128xf32, #tpu.memory_space<vmem>>, %arg3: memref<128x64xf32, #tpu.memory_space<vmem>>, %arg4: memref<1x64xf32, #tpu.memory_space<vmem>>, %arg5: memref<128x64xf32, #tpu.memory_space<vmem>>, %arg6: memref<64x64xf32, #tpu.memory_space<vmem>>, %arg7: memref<1024x64xf32, #tpu.memory_space<vmem>>) attributes {dimension_semantics = [#tpu.dimension_semantics<arbitrary>], iteration_bounds = array<i64: 10>, scalar_prefetch = 0 : i64, scratch_operands = 0 : i64, tpu.core_type = #tpu.core_type<tc>, window_params = [{transform_indices = @transform_0, window_bounds = array<i64: 1024, 128>}, {pipeline_mode = #tpu.pipeline_mode<synchronous>, transform_indices = @transform_1, window_bounds = array<i64: 2, 128>}, {pipeline_mode = #tpu.pipeline_mode<synchronous>, transform_indices = @transform_2, window_bounds = array<i64: 128, 64>}, {pipeline_mode = #tpu.pipeline_mode<synchronous>, transform_indices = @transform_3, window_bounds = array<i64: 1, 64>}, {pipeline_mode = #tpu.pipeline_mode<synchronous>, transform_indices = @transform_4, window_bounds = array<i64: 128, 64>}, {pipeline_mode = #tpu.pipeline_mode<synchronous>, transform_indices = @transform_5, window_bounds = array<i64: 64, 64>}, {transform_indices = @transform_6, window_bounds = array<i64: 1024, 64>}]} {
    %get3A = arith.constant 0 : index
    %get3A_0 = arith.constant 0 : index
    %get3A_1 = vector.load %arg1[%get3A, %get3A_0] : memref<1024x128xf32, #tpu.memory_space<vmem>>, vector<1024x128xf32>
    %get3A_2 = arith.constant 0 : index
    %get3A_3 = arith.constant 0 : index
    %get3A_4 = vector.load %arg2[%get3A_2, %get3A_3] : memref<2x128xf32, #tpu.memory_space<vmem>>, vector<1x128xf32>
    %mul3A = vector.broadcast %get3A_4 : vector<1x128xf32> to vector<1024x128xf32>
    %mul3A_5 = arith.mulf %get3A_1, %mul3A : vector<1024x128xf32>
    %get3A_6 = arith.constant 1 : index
    %get3A_7 = arith.constant 0 : index
    %get3A_8 = vector.load %arg2[%get3A_6, %get3A_7] : memref<2x128xf32, #tpu.memory_space<vmem>>, vector<1x128xf32>
    %add3A = vector.broadcast %get3A_8 : vector<1x128xf32> to vector<1024x128xf32>
    %add3A_9 = arith.addf %mul3A_5, %add3A : vector<1024x128xf32>
    %get3A_10 = arith.constant 0 : index
    %get3A_11 = arith.constant 0 : index
    %get3A_12 = vector.load %arg3[%get3A_10, %get3A_11] : memref<128x64xf32, #tpu.memory_space<vmem>>, vector<128x64xf32>
    %dot_general3A = arith.constant dense<0.000000e+00> : vector<1024x64xf32>
    %dot_general3A_13 = tpu.matmul %add3A_9, %get3A_12, %dot_general3A {dimension_numbers = #tpu.dot_dimension_numbers<[1], [0], [0], [1], [0, 0, 1, 1], [], []>, transpose_lhs_hint = false} : vector<1024x128xf32>, vector<128x64xf32>, vector<1024x64xf32> -> vector<1024x64xf32>
    %get3A_14 = arith.constant 0 : index
    %get3A_15 = arith.constant 0 : index
    %get3A_16 = vector.load %arg4[%get3A_14, %get3A_15] : memref<1x64xf32, #tpu.memory_space<vmem>>, vector<1x64xf32>
    %add3A_17 = vector.broadcast %get3A_16 : vector<1x64xf32> to vector<1024x64xf32>
    %add3A_18 = arith.addf %dot_general3A_13, %add3A_17 : vector<1024x64xf32>
    %get3A_19 = arith.constant 0 : index
    %get3A_20 = arith.constant 0 : index
    %get3A_21 = vector.load %arg5[%get3A_19, %get3A_20] : memref<128x64xf32, #tpu.memory_space<vmem>>, vector<128x64xf32>
    %dot_general3A_22 = arith.constant dense<0.000000e+00> : vector<1024x64xf32>
    %dot_general3A_23 = tpu.matmul %get3A_1, %get3A_21, %dot_general3A_22 {dimension_numbers = #tpu.dot_dimension_numbers<[1], [0], [0], [1], [0, 0, 1, 1], [], []>, transpose_lhs_hint = false} : vector<1024x128xf32>, vector<128x64xf32>, vector<1024x64xf32> -> vector<1024x64xf32>
    %get3A_24 = arith.constant 0 : index
    %get3A_25 = arith.constant 0 : index
    %get3A_26 = vector.load %arg6[%get3A_24, %get3A_25] : memref<64x64xf32, #tpu.memory_space<vmem>>, vector<64x64xf32>
    %dot_general3A_27 = arith.constant dense<0.000000e+00> : vector<1024x64xf32>
    %dot_general3A_28 = tpu.matmul %add3A_18, %get3A_26, %dot_general3A_27 {dimension_numbers = #tpu.dot_dimension_numbers<[1], [0], [0], [1], [0, 0, 1, 1], [], []>, transpose_lhs_hint = false} : vector<1024x64xf32>, vector<64x64xf32>, vector<1024x64xf32> -> vector<1024x64xf32>
    %add3A_29 = arith.addf %dot_general3A_23, %dot_general3A_28 : vector<1024x64xf32>
    %swap3A = arith.constant 0 : index
    %swap3A_30 = arith.constant 0 : index
    %swap3A_31 = vector.load %arg7[%swap3A, %swap3A_30] : memref<1024x64xf32, #tpu.memory_space<vmem>>, vector<1024x64xf32>
    tpu.vector_store %arg7[%swap3A, %swap3A_30], %add3A_29 {strides = array<i32>} : memref<1024x64xf32, #tpu.memory_space<vmem>>, vector<1024x64xf32>,
    return
  }
  func.func @transform_0(%arg0: i32) -> (i32, i32) {
    %c0_i32 = arith.constant 0 : i32
    %c0_i32_0 = arith.constant 0 : i32
    return %arg0, %c0_i32 : i32, i32
  }
  func.func @transform_1(%arg0: i32) -> (i32, i32) {
    %c0_i32 = arith.constant 0 : i32
    %c0_i32_0 = arith.constant 0 : i32
    %c0_i32_1 = arith.constant 0 : i32
    return %c0_i32, %c0_i32_0 : i32, i32
  }
  func.func @transform_2(%arg0: i32) -> (i32, i32) {
    %c0_i32 = arith.constant 0 : i32
    %c0_i32_0 = arith.constant 0 : i32
    %c0_i32_1 = arith.constant 0 : i32
    return %c0_i32, %c0_i32_0 : i32, i32
  }
  func.func @transform_3(%arg0: i32) -> (i32, i32) {
    %c0_i32 = arith.constant 0 : i32
    %c0_i32_0 = arith.constant 0 : i32
    %c0_i32_1 = arith.constant 0 : i32
    return %c0_i32, %c0_i32_0 : i32, i32
  }
  func.func @transform_4(%arg0: i32) -> (i32, i32) {
    %c0_i32 = arith.constant 0 : i32
    %c0_i32_0 = arith.constant 0 : i32
    %c0_i32_1 = arith.constant 0 : i32
    return %c0_i32, %c0_i32_0 : i32, i32
  }
  func.func @transform_5(%arg0: i32) -> (i32, i32) {
    %c0_i32 = arith.constant 0 : i32
    %c0_i32_0 = arith.constant 0 : i32
    %c0_i32_1 = arith.constant 0 : i32
    return %c0_i32, %c0_i32_0 : i32, i32
  }
  func.func @transform_6(%arg0: i32) -> (i32, i32) {
    %c0_i32 = arith.constant 0 : i32
    %c0_i32_0 = arith.constant 0 : i32
    return %arg0, %c0_i32 : i32, i32
  }
}

module attributes {stable_mosaic.version = 14 : i64} {
  func.func @_k2b_body(%arg0: i32, %arg1: memref<1024x64xf32, #tpu.memory_space<vmem>>, %arg2: memref<2x1024x8xf32, #tpu.memory_space<vmem>>, %arg3: memref<1024x64xf32, #tpu.memory_space<vmem>>, %arg4: memref<1024x1xf32, #tpu.memory_space<vmem>>) attributes {dimension_semantics = [#tpu.dimension_semantics<arbitrary>], iteration_bounds = array<i64: 10>, scalar_prefetch = 0 : i64, scratch_operands = 0 : i64, tpu.core_type = #tpu.core_type<tc>, window_params = [{transform_indices = @transform_0, window_bounds = array<i64: 1024, 64>}, {transform_indices = @transform_1, window_bounds = array<i64: 2, 1024, 8>}, {transform_indices = @transform_2, window_bounds = array<i64: 1024, 64>}, {transform_indices = @transform_3, window_bounds = array<i64: 1024, 1>}]} {
    %get3A = arith.constant 0 : index
    %get3A_0 = arith.constant 0 : index
    %get3A_1 = arith.constant 0 : index
    %get3A_2 = vector.load %arg2[%get3A, %get3A_0, %get3A_1] : memref<2x1024x8xf32, #tpu.memory_space<vmem>>, vector<1x1024x1xf32>
    %get3A_3 = vector.shape_cast %get3A_2 : vector<1x1024x1xf32> to vector<1024xf32>
    %get3A_4 = arith.constant 1 : index
    %get3A_5 = arith.constant 0 : index
    %get3A_6 = arith.constant 0 : index
    %get3A_7 = vector.load %arg2[%get3A_4, %get3A_5, %get3A_6] : memref<2x1024x8xf32, #tpu.memory_space<vmem>>, vector<1x1024x1xf32>
    %get3A_8 = vector.shape_cast %get3A_7 : vector<1x1024x1xf32> to vector<1024xf32>
    %add3A = arith.addf %get3A_3, %get3A_8 : vector<1024xf32>
    %add3A_9 = arith.constant 1.000000e+00 : f32
    %add3A_10 = vector.broadcast %add3A_9 : f32 to vector<1024xf32>
    %add3A_11 = arith.addf %add3A, %add3A_10 : vector<1024xf32>
    %rsqrt3A = math.rsqrt %add3A_11 : vector<1024xf32>
    %broadcast_in_dim3A = vector.shape_cast %rsqrt3A : vector<1024xf32> to vector<1024x1xf32>
    %get3A_12 = arith.constant 0 : index
    %get3A_13 = arith.constant 0 : index
    %get3A_14 = vector.load %arg1[%get3A_12, %get3A_13] : memref<1024x64xf32, #tpu.memory_space<vmem>>, vector<1024x64xf32>
    %mul3A = vector.broadcast %broadcast_in_dim3A : vector<1024x1xf32> to vector<1024x64xf32>
    %mul3A_15 = arith.mulf %get3A_14, %mul3A : vector<1024x64xf32>
    %swap3A = arith.constant 0 : index
    %swap3A_16 = arith.constant 0 : index
    %swap3A_17 = vector.load %arg3[%swap3A, %swap3A_16] : memref<1024x64xf32, #tpu.memory_space<vmem>>, vector<1024x64xf32>
    tpu.vector_store %arg3[%swap3A, %swap3A_16], %mul3A_15 {strides = array<i32>} : memref<1024x64xf32, #tpu.memory_space<vmem>>, vector<1024x64xf32>,
    %swap3A_18 = arith.constant 0 : index
    %swap3A_19 = arith.constant 0 : index
    %swap3A_20 = vector.load %arg4[%swap3A_18, %swap3A_19] : memref<1024x1xf32, #tpu.memory_space<vmem>>, vector<1024x1xf32>
    tpu.vector_store %arg4[%swap3A_18, %swap3A_19], %broadcast_in_dim3A {strides = array<i32>} : memref<1024x1xf32, #tpu.memory_space<vmem>>, vector<1024x1xf32>,
    return
  }
  func.func @transform_0(%arg0: i32) -> (i32, i32) {
    %c0_i32 = arith.constant 0 : i32
    %c0_i32_0 = arith.constant 0 : i32
    return %arg0, %c0_i32 : i32, i32
  }
  func.func @transform_1(%arg0: i32) -> (i32, i32, i32) {
    %c0_i32 = arith.constant 0 : i32
    %c0_i32_0 = arith.constant 0 : i32
    %c0_i32_1 = arith.constant 0 : i32
    return %c0_i32, %arg0, %c0_i32_0 : i32, i32, i32
  }
  func.func @transform_2(%arg0: i32) -> (i32, i32) {
    %c0_i32 = arith.constant 0 : i32
    %c0_i32_0 = arith.constant 0 : i32
    return %arg0, %c0_i32 : i32, i32
  }
  func.func @transform_3(%arg0: i32) -> (i32, i32) {
    %c0_i32 = arith.constant 0 : i32
    %c0_i32_0 = arith.constant 0 : i32
    return %arg0, %c0_i32 : i32, i32
  }
}

module attributes {stable_mosaic.version = 14 : i64} {
  func.func @_k4_body(%arg0: i32, %arg1: memref<2x1024x64xf32, #tpu.memory_space<vmem>>, %arg2: memref<1024x64xf32, #tpu.memory_space<vmem>>, %arg3: memref<1024x1xf32, #tpu.memory_space<vmem>>, %arg4: memref<1x64xf32, #tpu.memory_space<vmem>>, %arg5: memref<1x64xf32, #tpu.memory_space<vmem>>, %arg6: memref<1x64xf32, #tpu.memory_space<vmem>>, %arg7: memref<64x64xf32, #tpu.memory_space<vmem>>, %arg8: memref<1024x64xf32, #tpu.memory_space<vmem>>, %arg9: memref<1024x64xf32, #tpu.memory_space<vmem>>) attributes {dimension_semantics = [#tpu.dimension_semantics<arbitrary>], iteration_bounds = array<i64: 10>, scalar_prefetch = 0 : i64, scratch_operands = 0 : i64, tpu.core_type = #tpu.core_type<tc>, window_params = [{transform_indices = @transform_0, window_bounds = array<i64: 2, 1024, 64>}, {transform_indices = @transform_1, window_bounds = array<i64: 1024, 64>}, {transform_indices = @transform_2, window_bounds = array<i64: 1024, 1>}, {pipeline_mode = #tpu.pipeline_mode<synchronous>, transform_indices = @transform_3, window_bounds = array<i64: 1, 64>}, {pipeline_mode = #tpu.pipeline_mode<synchronous>, transform_indices = @transform_4, window_bounds = array<i64: 1, 64>}, {pipeline_mode = #tpu.pipeline_mode<synchronous>, transform_indices = @transform_5, window_bounds = array<i64: 1, 64>}, {pipeline_mode = #tpu.pipeline_mode<synchronous>, transform_indices = @transform_6, window_bounds = array<i64: 64, 64>}, {transform_indices = @transform_7, window_bounds = array<i64: 1024, 64>}, {transform_indices = @transform_8, window_bounds = array<i64: 1024, 64>}]} {
    %get3A = arith.constant 0 : index
    %get3A_0 = arith.constant 0 : index
    %get3A_1 = vector.load %arg3[%get3A, %get3A_0] : memref<1024x1xf32, #tpu.memory_space<vmem>>, vector<1024x1xf32>
    %get3A_2 = arith.constant 0 : index
    %get3A_3 = arith.constant 0 : index
    %get3A_4 = arith.constant 0 : index
    %get3A_5 = vector.load %arg1[%get3A_2, %get3A_3, %get3A_4] : memref<2x1024x64xf32, #tpu.memory_space<vmem>>, vector<1x1024x64xf32>
    %get3A_6 = vector.shape_cast %get3A_5 : vector<1x1024x64xf32> to vector<1024x64xf32>
    %get3A_7 = arith.constant 1 : index
    %get3A_8 = arith.constant 0 : index
    %get3A_9 = arith.constant 0 : index
    %get3A_10 = vector.load %arg1[%get3A_7, %get3A_8, %get3A_9] : memref<2x1024x64xf32, #tpu.memory_space<vmem>>, vector<1x1024x64xf32>
    %get3A_11 = vector.shape_cast %get3A_10 : vector<1x1024x64xf32> to vector<1024x64xf32>
    %add3A = arith.addf %get3A_6, %get3A_11 : vector<1024x64xf32>
    %get3A_12 = arith.constant 0 : index
    %get3A_13 = arith.constant 0 : index
    %get3A_14 = vector.load %arg2[%get3A_12, %get3A_13] : memref<1024x64xf32, #tpu.memory_space<vmem>>, vector<1024x64xf32>
    %add3A_15 = arith.addf %add3A, %get3A_14 : vector<1024x64xf32>
    %mul3A = vector.broadcast %get3A_1 : vector<1024x1xf32> to vector<1024x64xf32>
    %mul3A_16 = arith.mulf %add3A_15, %mul3A : vector<1024x64xf32>
    %get3A_17 = arith.constant 0 : index
    %get3A_18 = arith.constant 0 : index
    %get3A_19 = vector.load %arg4[%get3A_17, %get3A_18] : memref<1x64xf32, #tpu.memory_space<vmem>>, vector<1x64xf32>
    %add3A_20 = vector.broadcast %get3A_19 : vector<1x64xf32> to vector<1024x64xf32>
    %add3A_21 = arith.addf %mul3A_16, %add3A_20 : vector<1024x64xf32>
    %get3A_22 = arith.constant 0 : index
    %get3A_23 = arith.constant 0 : index
    %get3A_24 = vector.load %arg5[%get3A_22, %get3A_23] : memref<1x64xf32, #tpu.memory_space<vmem>>, vector<1x64xf32>
    %get3A_25 = arith.constant 0 : index
    %get3A_26 = arith.constant 0 : index
    %get3A_27 = vector.load %arg6[%get3A_25, %get3A_26] : memref<1x64xf32, #tpu.memory_space<vmem>>, vector<1x64xf32>
    %reduce_sum3A = arith.constant dense<0.000000e+00> : vector<1024xf32>
    %reduce_sum3A_28 = vector.multi_reduction <add>, %add3A_21, %reduce_sum3A [1] : vector<1024x64xf32> to vector<1024xf32>
    %broadcast_in_dim3A = vector.shape_cast %reduce_sum3A_28 : vector<1024xf32> to vector<1024x1xf32>
    %div3A = arith.constant 6.400000e+01 : f32
    %div3A_29 = vector.broadcast %div3A : f32 to vector<1024x1xf32>
    %div3A_30 = arith.divf %broadcast_in_dim3A, %div3A_29 : vector<1024x1xf32>
    %jit3A = arith.constant 0 : i32
    %reduce_sum3A_31 = arith.constant dense<0.000000e+00> : vector<1024xf32>
    %reduce_sum3A_32 = vector.multi_reduction <add>, %add3A_21, %reduce_sum3A_31 [1] : vector<1024x64xf32> to vector<1024xf32>
    %broadcast_in_dim3A_33 = vector.shape_cast %reduce_sum3A_32 : vector<1024xf32> to vector<1024x1xf32>
    %div3A_34 = arith.constant 6.400000e+01 : f32
    %div3A_35 = vector.broadcast %div3A_34 : f32 to vector<1024x1xf32>
    %div3A_36 = arith.divf %broadcast_in_dim3A_33, %div3A_35 : vector<1024x1xf32>
    %sub3A = vector.broadcast %div3A_36 : vector<1024x1xf32> to vector<1024x64xf32>
    %sub3A_37 = arith.subf %add3A_21, %sub3A : vector<1024x64xf32>
    %square3A = arith.mulf %sub3A_37, %sub3A_37 : vector<1024x64xf32>
    %convert_element_type3A = arith.sitofp %jit3A : i32 to f32
    %sub3A_38 = arith.constant 6.400000e+01 : f32
    %sub3A_39 = arith.subf %sub3A_38, %convert_element_type3A : f32
    %reduce_sum3A_40 = arith.constant dense<0.000000e+00> : vector<1024xf32>
    %reduce_sum3A_41 = vector.multi_reduction <add>, %square3A, %reduce_sum3A_40 [1] : vector<1024x64xf32> to vector<1024xf32>
    %broadcast_in_dim3A_42 = vector.shape_cast %reduce_sum3A_41 : vector<1024xf32> to vector<1024x1xf32>
    %div3A_43 = vector.broadcast %sub3A_39 : f32 to vector<1024x1xf32>
    %div3A_44 = arith.divf %broadcast_in_dim3A_42, %div3A_43 : vector<1024x1xf32>
    %gt3A = arith.constant 0.000000e+00 : f32
    %gt3A_45 = arith.cmpf ogt, %sub3A_39, %gt3A : f32
    %jit3A_46 = arith.constant 0x7FC00000 : f32
    %broadcast_in_dim3A_47 = vector.broadcast %jit3A_46 : f32 to vector<1024x1xf32>
    %select_n3A = arith.select %gt3A_45, %div3A_44, %broadcast_in_dim3A_47 : vector<1024x1xf32>
    %sub3A_48 = vector.broadcast %div3A_30 : vector<1024x1xf32> to vector<1024x64xf32>
    %sub3A_49 = arith.subf %add3A_21, %sub3A_48 : vector<1024x64xf32>
    %add3A_50 = arith.constant 9.99999974E-6 : f32
    %add3A_51 = vector.broadcast %add3A_50 : f32 to vector<1024x1xf32>
    %add3A_52 = arith.addf %select_n3A, %add3A_51 : vector<1024x1xf32>
    %sqrt3A = math.sqrt %add3A_52 : vector<1024x1xf32>
    %div3A_53 = vector.broadcast %sqrt3A : vector<1024x1xf32> to vector<1024x64xf32>
    %div3A_54 = arith.divf %sub3A_49, %div3A_53 : vector<1024x64xf32>
    %mul3A_55 = vector.broadcast %get3A_24 : vector<1x64xf32> to vector<1024x64xf32>
    %mul3A_56 = arith.mulf %div3A_54, %mul3A_55 : vector<1024x64xf32>
    %add3A_57 = vector.broadcast %get3A_27 : vector<1x64xf32> to vector<1024x64xf32>
    %add3A_58 = arith.addf %mul3A_56, %add3A_57 : vector<1024x64xf32>
    %swap3A = arith.constant 0 : index
    %swap3A_59 = arith.constant 0 : index
    %swap3A_60 = vector.load %arg8[%swap3A, %swap3A_59] : memref<1024x64xf32, #tpu.memory_space<vmem>>, vector<1024x64xf32>
    tpu.vector_store %arg8[%swap3A, %swap3A_59], %add3A_58 {strides = array<i32>} : memref<1024x64xf32, #tpu.memory_space<vmem>>, vector<1024x64xf32>,
    %max3A = arith.constant 0.000000e+00 : f32
    %max3A_61 = vector.broadcast %max3A : f32 to vector<1024x64xf32>
    %max3A_62 = arith.maximumf %add3A_58, %max3A_61 : vector<1024x64xf32>
    %get3A_63 = arith.constant 0 : index
    %get3A_64 = arith.constant 0 : index
    %get3A_65 = vector.load %arg7[%get3A_63, %get3A_64] : memref<64x64xf32, #tpu.memory_space<vmem>>, vector<64x64xf32>
    %dot_general3A = arith.constant dense<0.000000e+00> : vector<1024x64xf32>
    %dot_general3A_66 = tpu.matmul %max3A_62, %get3A_65, %dot_general3A {dimension_numbers = #tpu.dot_dimension_numbers<[1], [0], [0], [1], [0, 0, 1, 1], [], []>, transpose_lhs_hint = false} : vector<1024x64xf32>, vector<64x64xf32>, vector<1024x64xf32> -> vector<1024x64xf32>
    %mul3A_67 = vector.broadcast %get3A_1 : vector<1024x1xf32> to vector<1024x64xf32>
    %mul3A_68 = arith.mulf %dot_general3A_66, %mul3A_67 : vector<1024x64xf32>
    %swap3A_69 = arith.constant 0 : index
    %swap3A_70 = arith.constant 0 : index
    %swap3A_71 = vector.load %arg9[%swap3A_69, %swap3A_70] : memref<1024x64xf32, #tpu.memory_space<vmem>>, vector<1024x64xf32>
    tpu.vector_store %arg9[%swap3A_69, %swap3A_70], %mul3A_68 {strides = array<i32>} : memref<1024x64xf32, #tpu.memory_space<vmem>>, vector<1024x64xf32>,
    return
  }
  func.func @transform_0(%arg0: i32) -> (i32, i32, i32) {
    %c0_i32 = arith.constant 0 : i32
    %c0_i32_0 = arith.constant 0 : i32
    %c0_i32_1 = arith.constant 0 : i32
    return %c0_i32, %arg0, %c0_i32_0 : i32, i32, i32
  }
  func.func @transform_1(%arg0: i32) -> (i32, i32) {
    %c0_i32 = arith.constant 0 : i32
    %c0_i32_0 = arith.constant 0 : i32
    return %arg0, %c0_i32 : i32, i32
  }
  func.func @transform_2(%arg0: i32) -> (i32, i32) {
    %c0_i32 = arith.constant 0 : i32
    %c0_i32_0 = arith.constant 0 : i32
    return %arg0, %c0_i32 : i32, i32
  }
  func.func @transform_3(%arg0: i32) -> (i32, i32) {
    %c0_i32 = arith.constant 0 : i32
    %c0_i32_0 = arith.constant 0 : i32
    %c0_i32_1 = arith.constant 0 : i32
    return %c0_i32, %c0_i32_0 : i32, i32
  }
  func.func @transform_4(%arg0: i32) -> (i32, i32) {
    %c0_i32 = arith.constant 0 : i32
    %c0_i32_0 = arith.constant 0 : i32
    %c0_i32_1 = arith.constant 0 : i32
    return %c0_i32, %c0_i32_0 : i32, i32
  }
  func.func @transform_5(%arg0: i32) -> (i32, i32) {
    %c0_i32 = arith.constant 0 : i32
    %c0_i32_0 = arith.constant 0 : i32
    %c0_i32_1 = arith.constant 0 : i32
    return %c0_i32, %c0_i32_0 : i32, i32
  }
  func.func @transform_6(%arg0: i32) -> (i32, i32) {
    %c0_i32 = arith.constant 0 : i32
    %c0_i32_0 = arith.constant 0 : i32
    %c0_i32_1 = arith.constant 0 : i32
    return %c0_i32, %c0_i32_0 : i32, i32
  }
  func.func @transform_7(%arg0: i32) -> (i32, i32) {
    %c0_i32 = arith.constant 0 : i32
    %c0_i32_0 = arith.constant 0 : i32
    return %arg0, %c0_i32 : i32, i32
  }
  func.func @transform_8(%arg0: i32) -> (i32, i32) {
    %c0_i32 = arith.constant 0 : i32
    %c0_i32_0 = arith.constant 0 : i32
    return %arg0, %c0_i32 : i32, i32
  }
}

module attributes {stable_mosaic.version = 14 : i64} {
  func.func @_k6_body(%arg0: i32, %arg1: memref<2x1024x64xf32, #tpu.memory_space<vmem>>, %arg2: memref<1024x64xf32, #tpu.memory_space<vmem>>, %arg3: memref<1024x64xf32, #tpu.memory_space<vmem>>, %arg4: memref<1024x1xf32, #tpu.memory_space<vmem>>, %arg5: memref<1x64xf32, #tpu.memory_space<vmem>>, %arg6: memref<1x64xf32, #tpu.memory_space<vmem>>, %arg7: memref<1x64xf32, #tpu.memory_space<vmem>>, %arg8: memref<64x32xf32, #tpu.memory_space<vmem>>, %arg9: memref<1x32xf32, #tpu.memory_space<vmem>>, %arg10: memref<32x1xf32, #tpu.memory_space<vmem>>, %arg11: memref<1x1xf32, #tpu.memory_space<vmem>>, %arg12: memref<1024x1xf32, #tpu.memory_space<vmem>>) attributes {dimension_semantics = [#tpu.dimension_semantics<arbitrary>], iteration_bounds = array<i64: 10>, scalar_prefetch = 0 : i64, scratch_operands = 0 : i64, tpu.core_type = #tpu.core_type<tc>, window_params = [{transform_indices = @transform_0, window_bounds = array<i64: 2, 1024, 64>}, {transform_indices = @transform_1, window_bounds = array<i64: 1024, 64>}, {transform_indices = @transform_2, window_bounds = array<i64: 1024, 64>}, {transform_indices = @transform_3, window_bounds = array<i64: 1024, 1>}, {pipeline_mode = #tpu.pipeline_mode<synchronous>, transform_indices = @transform_4, window_bounds = array<i64: 1, 64>}, {pipeline_mode = #tpu.pipeline_mode<synchronous>, transform_indices = @transform_5, window_bounds = array<i64: 1, 64>}, {pipeline_mode = #tpu.pipeline_mode<synchronous>, transform_indices = @transform_6, window_bounds = array<i64: 1, 64>}, {pipeline_mode = #tpu.pipeline_mode<synchronous>, transform_indices = @transform_7, window_bounds = array<i64: 64, 32>}, {pipeline_mode = #tpu.pipeline_mode<synchronous>, transform_indices = @transform_8, window_bounds = array<i64: 1, 32>}, {pipeline_mode = #tpu.pipeline_mode<synchronous>, transform_indices = @transform_9, window_bounds = array<i64: 32, 1>}, {pipeline_mode = #tpu.pipeline_mode<synchronous>, transform_indices = @transform_10, window_bounds = array<i64: 1, 1>}, {transform_indices = @transform_11, window_bounds = array<i64: 1024, 1>}]} {
    %get3A = arith.constant 0 : index
    %get3A_0 = arith.constant 0 : index
    %get3A_1 = arith.constant 0 : index
    %get3A_2 = vector.load %arg1[%get3A, %get3A_0, %get3A_1] : memref<2x1024x64xf32, #tpu.memory_space<vmem>>, vector<1x1024x64xf32>
    %get3A_3 = vector.shape_cast %get3A_2 : vector<1x1024x64xf32> to vector<1024x64xf32>
    %get3A_4 = arith.constant 1 : index
    %get3A_5 = arith.constant 0 : index
    %get3A_6 = arith.constant 0 : index
    %get3A_7 = vector.load %arg1[%get3A_4, %get3A_5, %get3A_6] : memref<2x1024x64xf32, #tpu.memory_space<vmem>>, vector<1x1024x64xf32>
    %get3A_8 = vector.shape_cast %get3A_7 : vector<1x1024x64xf32> to vector<1024x64xf32>
    %add3A = arith.addf %get3A_3, %get3A_8 : vector<1024x64xf32>
    %get3A_9 = arith.constant 0 : index
    %get3A_10 = arith.constant 0 : index
    %get3A_11 = vector.load %arg2[%get3A_9, %get3A_10] : memref<1024x64xf32, #tpu.memory_space<vmem>>, vector<1024x64xf32>
    %add3A_12 = arith.addf %add3A, %get3A_11 : vector<1024x64xf32>
    %get3A_13 = arith.constant 0 : index
    %get3A_14 = arith.constant 0 : index
    %get3A_15 = vector.load %arg4[%get3A_13, %get3A_14] : memref<1024x1xf32, #tpu.memory_space<vmem>>, vector<1024x1xf32>
    %mul3A = vector.broadcast %get3A_15 : vector<1024x1xf32> to vector<1024x64xf32>
    %mul3A_16 = arith.mulf %add3A_12, %mul3A : vector<1024x64xf32>
    %get3A_17 = arith.constant 0 : index
    %get3A_18 = arith.constant 0 : index
    %get3A_19 = vector.load %arg5[%get3A_17, %get3A_18] : memref<1x64xf32, #tpu.memory_space<vmem>>, vector<1x64xf32>
    %add3A_20 = vector.broadcast %get3A_19 : vector<1x64xf32> to vector<1024x64xf32>
    %add3A_21 = arith.addf %mul3A_16, %add3A_20 : vector<1024x64xf32>
    %get3A_22 = arith.constant 0 : index
    %get3A_23 = arith.constant 0 : index
    %get3A_24 = vector.load %arg6[%get3A_22, %get3A_23] : memref<1x64xf32, #tpu.memory_space<vmem>>, vector<1x64xf32>
    %get3A_25 = arith.constant 0 : index
    %get3A_26 = arith.constant 0 : index
    %get3A_27 = vector.load %arg7[%get3A_25, %get3A_26] : memref<1x64xf32, #tpu.memory_space<vmem>>, vector<1x64xf32>
    %reduce_sum3A = arith.constant dense<0.000000e+00> : vector<1024xf32>
    %reduce_sum3A_28 = vector.multi_reduction <add>, %add3A_21, %reduce_sum3A [1] : vector<1024x64xf32> to vector<1024xf32>
    %broadcast_in_dim3A = vector.shape_cast %reduce_sum3A_28 : vector<1024xf32> to vector<1024x1xf32>
    %div3A = arith.constant 6.400000e+01 : f32
    %div3A_29 = vector.broadcast %div3A : f32 to vector<1024x1xf32>
    %div3A_30 = arith.divf %broadcast_in_dim3A, %div3A_29 : vector<1024x1xf32>
    %jit3A = arith.constant 0 : i32
    %reduce_sum3A_31 = arith.constant dense<0.000000e+00> : vector<1024xf32>
    %reduce_sum3A_32 = vector.multi_reduction <add>, %add3A_21, %reduce_sum3A_31 [1] : vector<1024x64xf32> to vector<1024xf32>
    %broadcast_in_dim3A_33 = vector.shape_cast %reduce_sum3A_32 : vector<1024xf32> to vector<1024x1xf32>
    %div3A_34 = arith.constant 6.400000e+01 : f32
    %div3A_35 = vector.broadcast %div3A_34 : f32 to vector<1024x1xf32>
    %div3A_36 = arith.divf %broadcast_in_dim3A_33, %div3A_35 : vector<1024x1xf32>
    %sub3A = vector.broadcast %div3A_36 : vector<1024x1xf32> to vector<1024x64xf32>
    %sub3A_37 = arith.subf %add3A_21, %sub3A : vector<1024x64xf32>
    %square3A = arith.mulf %sub3A_37, %sub3A_37 : vector<1024x64xf32>
    %convert_element_type3A = arith.sitofp %jit3A : i32 to f32
    %sub3A_38 = arith.constant 6.400000e+01 : f32
    %sub3A_39 = arith.subf %sub3A_38, %convert_element_type3A : f32
    %reduce_sum3A_40 = arith.constant dense<0.000000e+00> : vector<1024xf32>
    %reduce_sum3A_41 = vector.multi_reduction <add>, %square3A, %reduce_sum3A_40 [1] : vector<1024x64xf32> to vector<1024xf32>
    %broadcast_in_dim3A_42 = vector.shape_cast %reduce_sum3A_41 : vector<1024xf32> to vector<1024x1xf32>
    %div3A_43 = vector.broadcast %sub3A_39 : f32 to vector<1024x1xf32>
    %div3A_44 = arith.divf %broadcast_in_dim3A_42, %div3A_43 : vector<1024x1xf32>
    %gt3A = arith.constant 0.000000e+00 : f32
    %gt3A_45 = arith.cmpf ogt, %sub3A_39, %gt3A : f32
    %jit3A_46 = arith.constant 0x7FC00000 : f32
    %broadcast_in_dim3A_47 = vector.broadcast %jit3A_46 : f32 to vector<1024x1xf32>
    %select_n3A = arith.select %gt3A_45, %div3A_44, %broadcast_in_dim3A_47 : vector<1024x1xf32>
    %sub3A_48 = vector.broadcast %div3A_30 : vector<1024x1xf32> to vector<1024x64xf32>
    %sub3A_49 = arith.subf %add3A_21, %sub3A_48 : vector<1024x64xf32>
    %add3A_50 = arith.constant 9.99999974E-6 : f32
    %add3A_51 = vector.broadcast %add3A_50 : f32 to vector<1024x1xf32>
    %add3A_52 = arith.addf %select_n3A, %add3A_51 : vector<1024x1xf32>
    %sqrt3A = math.sqrt %add3A_52 : vector<1024x1xf32>
    %div3A_53 = vector.broadcast %sqrt3A : vector<1024x1xf32> to vector<1024x64xf32>
    %div3A_54 = arith.divf %sub3A_49, %div3A_53 : vector<1024x64xf32>
    %mul3A_55 = vector.broadcast %get3A_24 : vector<1x64xf32> to vector<1024x64xf32>
    %mul3A_56 = arith.mulf %div3A_54, %mul3A_55 : vector<1024x64xf32>
    %add3A_57 = vector.broadcast %get3A_27 : vector<1x64xf32> to vector<1024x64xf32>
    %add3A_58 = arith.addf %mul3A_56, %add3A_57 : vector<1024x64xf32>
    %get3A_59 = arith.constant 0 : index
    %get3A_60 = arith.constant 0 : index
    %get3A_61 = vector.load %arg3[%get3A_59, %get3A_60] : memref<1024x64xf32, #tpu.memory_space<vmem>>, vector<1024x64xf32>
    %add3A_62 = arith.addf %add3A_58, %get3A_61 : vector<1024x64xf32>
    %get3A_63 = arith.constant 0 : index
    %get3A_64 = arith.constant 0 : index
    %get3A_65 = vector.load %arg8[%get3A_63, %get3A_64] : memref<64x32xf32, #tpu.memory_space<vmem>>, vector<64x32xf32>
    %dot_general3A = arith.constant dense<0.000000e+00> : vector<1024x32xf32>
    %dot_general3A_66 = tpu.matmul %add3A_62, %get3A_65, %dot_general3A {dimension_numbers = #tpu.dot_dimension_numbers<[1], [0], [0], [1], [0, 0, 1, 1], [], []>, transpose_lhs_hint = false} : vector<1024x64xf32>, vector<64x32xf32>, vector<1024x32xf32> -> vector<1024x32xf32>
    %get3A_67 = arith.constant 0 : index
    %get3A_68 = arith.constant 0 : index
    %get3A_69 = vector.load %arg9[%get3A_67, %get3A_68] : memref<1x32xf32, #tpu.memory_space<vmem>>, vector<1x32xf32>
    %add3A_70 = vector.broadcast %get3A_69 : vector<1x32xf32> to vector<1024x32xf32>
    %add3A_71 = arith.addf %dot_general3A_66, %add3A_70 : vector<1024x32xf32>
    %max3A = arith.constant 0.000000e+00 : f32
    %max3A_72 = vector.broadcast %max3A : f32 to vector<1024x32xf32>
    %max3A_73 = arith.maximumf %add3A_71, %max3A_72 : vector<1024x32xf32>
    %get3A_74 = arith.constant 0 : index
    %get3A_75 = arith.constant 0 : index
    %get3A_76 = vector.load %arg10[%get3A_74, %get3A_75] : memref<32x1xf32, #tpu.memory_space<vmem>>, vector<32x1xf32>
    %transpose3A = tpu.transpose %get3A_76, [1, 0] : vector<32x1xf32> -> vector<1x32xf32>
    %mul3A_77 = vector.broadcast %transpose3A : vector<1x32xf32> to vector<1024x32xf32>
    %mul3A_78 = arith.mulf %max3A_73, %mul3A_77 : vector<1024x32xf32>
    %reduce_sum3A_79 = arith.constant dense<0.000000e+00> : vector<1024xf32>
    %reduce_sum3A_80 = vector.multi_reduction <add>, %mul3A_78, %reduce_sum3A_79 [1] : vector<1024x32xf32> to vector<1024xf32>
    %broadcast_in_dim3A_81 = vector.shape_cast %reduce_sum3A_80 : vector<1024xf32> to vector<1024x1xf32>
    %get3A_82 = arith.constant 0 : index
    %get3A_83 = arith.constant 0 : index
    %get3A_84 = vector.load %arg11[%get3A_82, %get3A_83] : memref<1x1xf32, #tpu.memory_space<vmem>>, vector<1x1xf32>
    %add3A_85 = vector.broadcast %get3A_84 : vector<1x1xf32> to vector<1024x1xf32>
    %add3A_86 = arith.addf %broadcast_in_dim3A_81, %add3A_85 : vector<1024x1xf32>
    %logistic3A = arith.negf %add3A_86 : vector<1024x1xf32>
    %logistic3A_87 = math.exp %logistic3A : vector<1024x1xf32>
    %logistic3A_88 = arith.constant 1.000000e+00 : f32
    %logistic3A_89 = vector.broadcast %logistic3A_88 : f32 to vector<1024x1xf32>
    %logistic3A_90 = arith.addf %logistic3A_89, %logistic3A_87 : vector<1024x1xf32>
    %logistic3A_91 = arith.divf %logistic3A_89, %logistic3A_90 : vector<1024x1xf32>
    %swap3A = arith.constant 0 : index
    %swap3A_92 = arith.constant 0 : index
    %swap3A_93 = vector.load %arg12[%swap3A, %swap3A_92] : memref<1024x1xf32, #tpu.memory_space<vmem>>, vector<1024x1xf32>
    tpu.vector_store %arg12[%swap3A, %swap3A_92], %logistic3A_91 {strides = array<i32>} : memref<1024x1xf32, #tpu.memory_space<vmem>>, vector<1024x1xf32>,
    return
  }
  func.func @transform_0(%arg0: i32) -> (i32, i32, i32) {
    %c0_i32 = arith.constant 0 : i32
    %c0_i32_0 = arith.constant 0 : i32
    %c0_i32_1 = arith.constant 0 : i32
    return %c0_i32, %arg0, %c0_i32_0 : i32, i32, i32
  }
  func.func @transform_1(%arg0: i32) -> (i32, i32) {
    %c0_i32 = arith.constant 0 : i32
    %c0_i32_0 = arith.constant 0 : i32
    return %arg0, %c0_i32 : i32, i32
  }
  func.func @transform_2(%arg0: i32) -> (i32, i32) {
    %c0_i32 = arith.constant 0 : i32
    %c0_i32_0 = arith.constant 0 : i32
    return %arg0, %c0_i32 : i32, i32
  }
  func.func @transform_3(%arg0: i32) -> (i32, i32) {
    %c0_i32 = arith.constant 0 : i32
    %c0_i32_0 = arith.constant 0 : i32
    return %arg0, %c0_i32 : i32, i32
  }
  func.func @transform_4(%arg0: i32) -> (i32, i32) {
    %c0_i32 = arith.constant 0 : i32
    %c0_i32_0 = arith.constant 0 : i32
    %c0_i32_1 = arith.constant 0 : i32
    return %c0_i32, %c0_i32_0 : i32, i32
  }
  func.func @transform_5(%arg0: i32) -> (i32, i32) {
    %c0_i32 = arith.constant 0 : i32
    %c0_i32_0 = arith.constant 0 : i32
    %c0_i32_1 = arith.constant 0 : i32
    return %c0_i32, %c0_i32_0 : i32, i32
  }
  func.func @transform_6(%arg0: i32) -> (i32, i32) {
    %c0_i32 = arith.constant 0 : i32
    %c0_i32_0 = arith.constant 0 : i32
    %c0_i32_1 = arith.constant 0 : i32
    return %c0_i32, %c0_i32_0 : i32, i32
  }
  func.func @transform_7(%arg0: i32) -> (i32, i32) {
    %c0_i32 = arith.constant 0 : i32
    %c0_i32_0 = arith.constant 0 : i32
    %c0_i32_1 = arith.constant 0 : i32
    return %c0_i32, %c0_i32_0 : i32, i32
  }
  func.func @transform_8(%arg0: i32) -> (i32, i32) {
    %c0_i32 = arith.constant 0 : i32
    %c0_i32_0 = arith.constant 0 : i32
    %c0_i32_1 = arith.constant 0 : i32
    return %c0_i32, %c0_i32_0 : i32, i32
  }
  func.func @transform_9(%arg0: i32) -> (i32, i32) {
    %c0_i32 = arith.constant 0 : i32
    %c0_i32_0 = arith.constant 0 : i32
    %c0_i32_1 = arith.constant 0 : i32
    return %c0_i32, %c0_i32_0 : i32, i32
  }
  func.func @transform_10(%arg0: i32) -> (i32, i32) {
    %c0_i32 = arith.constant 0 : i32
    %c0_i32_0 = arith.constant 0 : i32
    %c0_i32_1 = arith.constant 0 : i32
    return %c0_i32, %c0_i32_0 : i32, i32
  }
  func.func @transform_11(%arg0: i32) -> (i32, i32) {
    %c0_i32 = arith.constant 0 : i32
    %c0_i32_0 = arith.constant 0 : i32
    return %arg0, %c0_i32 : i32, i32
  }
}

</mosaic_0001>

<sc_bundles>
// kernel: kernel.12.cloned.1.call-start
scs
__scs_entry_jumppad:
0x0: {  	(pc) =	sbr.rel $0x88, $3  }
0x1: {  	(tag) =	ssettag $0x0;
	lr =	simm.s32 $0x1  }
0x2: {  	[smem:$0x3F8F] =	sst lr;
	_ =	strace $0xD0000000  }
0x3: {  	_ = 	snop  }
0x4: {  	_ = 	snop  }
0x5: {  	_ = 	snop  }
0x6: {  	_ = 	snop  }
0x7: {  	_ = 	snop  }
__scs_overlays_trampoline_lowered:
0x8: {  	[smem:$0x3F9E] =	sst s0  }
0x9: {  	[smem:$0x3F9F] =	sst s1  }
0xa: {  	[smem:$0x3FA0] =	sst s2  }
0xb: {  	[smem:$0x3FA1] =	sst s3  }
0xc: {  	[smem:$0x3FA2] =	sst s4  }
0xd: {  	[smem:$0x3FA3] =	sst s5  }
0xe: {  	[smem:$0x3FA4] =	sst s6  }
0xf: {  	[smem:$0x3FA5] =	sst s7  }
0x10: {  	[smem:$0x3FA6] =	sst s8  }
0x11: {  	[smem:$0x3FA7] =	sst s9;
	s0 =	simm.s32 @!p0 $0x0  }
0x12: {  	s1 =	sld [smem:$0x3F8D];
	s0 =	simm.s32 @p0 $0x1  }
0x13: {  	[smem:$0x3FA8] =	sst s0;
	s0 =	simm.s32 @!p1 $0x0  }
0x14: {  	s2 =	sld [smem:$0x3F8C];
	s0 =	simm.s32 @p1 $0x1  }
0x15: {  	[smem:$0x3FA9] =	sst s0;
	s0 =	simm.s32 @!p2 $0x0  }
0x16: {  	s3 =	sld [smem:$0x3FDB];
	s0 =	simm.s32 @p2 $0x1  }
0x17: {  	s4 =	simm.s32 $0x1BF5;
	[smem:$0x3FAB] =	sst s0  }
0x18: {  	s0 =	sld [smem:$0x3F8E];
	_ =	swait.ge [sflag:s4], $0x0  }
0x19: {  	s7 =	sld [smem:$0x3F8F]  }
0x1a: {  	s8 =	sadd.s32 $0xFFFFE003, lr  }
0x1b: {  	s9 =	sadd.s32 $0xFFFFFEF7, lr;
	s5 =	simm.s32 $0xFFFFFFFF;
	p2 =	slt.u32 s8, $0xFFFFF086  }
0x1c: {  	p1 =	slt.u32 s9, $0xF7A;
	s5 =	simm.s32 @!p2 $0x0  }
0x1d: {  	s5 =	simm.s32 @p1 $0x1;
	p0 =	seq.s32 s7, s2  }
0x1e: {  	s7 =	smul.u32 @!p0 $0xF7A, s2;
	p2 =	seq.s32 @!p0 s5, $0x0  }
0x1f: {  	s9 =	smul.u32 $0xF7A, s1;
	s8 =	simm.s32 @!p0 $0x1BF5;
	p2 =	por !p2, p0  }
0x20: {  	[sflag:s8] =	ssyncset.s32 @!p0 $0xFFFFF086;
	s6 =	sadd.s32 @!p0 s3, s7;
	s7 =	simm.s32 @!p0 $0x108  }
0x21: {  	s3 =	sadd.s32 s3, s9;
	s6 =	sadd.s32 @!p0 $0x88, s6;
	s7 =	simm.s32 @p2 $0x1082  }
0x22: {  	[simem:s7], [sflag:s8] =	dma.local @!p0 [hbm:s6], $0xF7A  }
0x23: {  	s9 =	sor.u32 $0xD0000000, s2;
	s6 =	simm.s32 $0x108;
	_ =	swait.ge @!p0 [sflag:s8], $0x0  }
0x24: {  	s3 =	sadd.s32 $0x88, s3;
	s6 =	simm.s32 @!p1 $0x1082;
	[sflag:s4] =	ssyncset.s32 $0xFFFFF086  }
0x25: {  	[simem:s6], [sflag:s4] =	dma.local [hbm:s3], $0xF7A  }
0x26: {  	[smem:$0x3F8F] =	sst s1;
	(tag) =	ssettag s2;
	_ =	strace s9  }
0x27: {  	s1 =	sld [smem:$0x3F9F]  }
0x28: {  	s2 =	sld [smem:$0x3FA0]  }
0x29: {  	s4 =	sld [smem:$0x3FA2]  }
0x2a: {  	p0 =	seq.s32 s5, $0x0;
	s5 =	sld [smem:$0x3FA3]  }
0x2b: {  	s6 =	sld [smem:$0x3FA4]  }
0x2c: {  	s7 =	sld [smem:$0x3FA5]  }
0x2d: {  	s3 =	simm.s32 $0x108;
	s8 =	sld [smem:$0x3FA6]  }
0x2e: {  	s3 =	simm.s32 @!p0 $0x1082;
	s9 =	sld [smem:$0x3FA7]  }
0x2f: {  	lr =	sadd.s32 s0, s3;
	s0 =	sld [smem:$0x3F9E]  }
0x30: {  	s3 =	sld [smem:$0x3FA1]  }
0x31: {  	[smem:$0x3FAA] =	sst s10  }
0x32: {  	s10 =	sld [smem:$0x3FA8];
	_ =	sdelay $0x3  }
0x33: {  	p0 =	seq.s32 s10, $0x1;
	s10 =	sld [smem:$0x3FAA];
	_ =	sdelay $0x3  }
0x34: {  	[smem:$0x3FAA] =	sst s10  }
0x35: {  	s10 =	sld [smem:$0x3FA9];
	_ =	sdelay $0x3  }
0x36: {  	p1 =	seq.s32 s10, $0x1;
	s10 =	sld [smem:$0x3FAA];
	_ =	sdelay $0x3  }
0x37: {  	[smem:$0x3FAA] =	sst s10  }
0x38: {  	s10 =	sld [smem:$0x3FAB]  }
0x39: {  	_ = 	snop;
	(pc) =	sbr.ind lr, $3  }
0x3a: {  	_ = 	snop  }
0x3b: {  	_ = 	snop  }
0x3c: {  	p2 =	seq.s32 s10, $0x1;
	s10 =	sld [smem:$0x3FAA]  }
0x3d: {  	_ =	shalt  }
0x3e: {  	_ =	shalt  }
0x3f: {  	_ =	shalt  }
0x40: {  	_ =	shalt  }
0x41: {  	_ =	shalt  }
0x42: {  	_ =	shalt  }
0x43: {  	_ =	shalt  }
0x44: {  	_ =	shalt  }
0x45: {  	_ =	shalt  }
0x46: {  	_ =	shalt  }
0x47: {  	_ =	shalt  }
0x48: {  	_ =	shalt  }
0x49: {  	_ =	shalt  }
0x4a: {  	_ =	shalt  }
0x4b: {  	_ =	shalt  }
0x4c: {  	_ =	shalt  }
0x4d: {  	_ =	shalt  }
0x4e: {  	_ =	shalt  }
0x4f: {  	_ =	shalt  }
0x50: {  	_ =	shalt  }
0x51: {  	_ =	shalt  }
0x52: {  	_ =	shalt  }
0x53: {  	_ =	shalt  }
0x54: {  	_ =	shalt  }
0x55: {  	_ =	shalt  }
0x56: {  	_ =	shalt  }
0x57: {  	_ =	shalt  }
0x58: {  	_ =	shalt  }
0x59: {  	_ =	shalt  }
0x5a: {  	_ =	shalt  }
0x5b: {  	_ =	shalt  }
0x5c: {  	_ =	shalt  }
0x5d: {  	_ =	shalt  }
0x5e: {  	_ =	shalt  }
0x5f: {  	_ =	shalt  }
0x60: {  	_ =	shalt  }
0x61: {  	_ =	shalt  }
0x62: {  	_ =	shalt  }
0x63: {  	_ =	shalt  }
0x64: {  	_ =	shalt  }
0x65: {  	_ =	shalt  }
0x66: {  	_ =	shalt  }
0x67: {  	_ =	shalt  }
0x68: {  	_ =	shalt  }
0x69: {  	_ =	shalt  }
0x6a: {  	_ =	shalt  }
0x6b: {  	_ =	shalt  }
0x6c: {  	_ =	shalt  }
0x6d: {  	_ =	shalt  }
0x6e: {  	_ =	shalt  }
0x6f: {  	_ =	shalt  }
0x70: {  	_ =	shalt  }
0x71: {  	_ =	shalt  }
0x72: {  	_ =	shalt  }
0x73: {  	_ =	shalt  }
0x74: {  	_ =	shalt  }
0x75: {  	_ =	shalt  }
0x76: {  	_ =	shalt  }
0x77: {  	_ =	shalt  }
0x78: {  	_ =	shalt  }
0x79: {  	_ =	shalt  }
0x7a: {  	_ =	shalt  }
0x7b: {  	_ =	shalt  }
0x7c: {  	_ =	shalt  }
0x7d: {  	_ =	shalt  }
0x7e: {  	_ =	shalt  }
0x7f: {  	_ =	shalt  }
0x80: {  	_ =	shalt  }
0x81: {  	_ =	shalt  }
0x82: {  	_ =	shalt  }
0x83: {  	_ =	shalt  }
0x84: {  	_ =	shalt  }
0x85: {  	_ =	shalt  }
0x86: {  	_ =	shalt  }
0x87: {  	_ =	shalt  }
.Lfunc_end0:
.L_simem_size_0:
called_computation.1_lowered:
.L_overlay_start_0:
0x88: {  	s2 =	sld [smem:$0x3FD9]  }
0x89: {  	s3 =	sld [smem:$0x3FFE];
	_ =	sdelay $0x1  }
0x8a: {  	s1 =	srdreg.scid  }
0x8b: {  	s0 =	sand.u32 $0x1, s1  }
0x8c: {  	s16 =	sshll.u32 s0, $0xA;
	s2 =	sadd.s32 s3, s2  }
0x8d: {  	s2 =	sadd.s32 s2, s16  }
0x8e: {  	[smem:$0x3FB6] =	sst s2  }
0x8f: {  	_ = 	snop  }
0x90: {  	(tm) =	ssettm $0x1  }
0x91: {  	s17 =	sld [smem:$0x3FFB];
	_ =	sdelay $0x3  }
0x92: {  	_ =	strace s17  }
0x93: {  	s2 =	sld [smem:$0x3FFC];
	_ =	sdelay $0x3  }
0x94: {  	_ =	strace s2  }
0x95: {  	s2 =	sld [smem:$0x3FFD];
	_ =	sdelay $0x3  }
0x96: {  	_ =	strace s2  }
0x97: {  	_ =	strace $0x8FFFFFFF  }
0x98: {  	s18 =	sld [smem:$0x3FDB];
	_ =	sdelay $0x1  }
0x99: {  	s19 =	simm.s32 $_scs_section_size  }
0x9a: {  	s4 =	simm.s32 $_size__tile_overlayer_lowered;
	s5 =	simm.s32 $_tile_overlayer_lowered  }
0x9b: {  	s22 =	simm.s32 $0x1BFF;
	s21 =	sshll.u32 s5, $0x1;
	s2 =	sadd.s32 s19, s18  }
0x9c: {  	s6 =	simm.s32 $0x0;
	s20 =	sshll.u32 s4, $0x1;
	s4 =	sadd.s32 s21, s2  }
0x9d: {  	[timem:s6], [sflag:s22] =	dma.local [hbm:s4], s20  }
0x9e: {  	_ =	swait.ge [sflag:s22], s20  }
0x9f: {  	s3 =	ssub.s32 $0x0, s20;
	[sflag:s22] =	ssyncset.done $0x0  }
0xa0: {  	[sflag:s22] =	ssyncadd.s32 s3;
	_ =	sdelay $0x1  }
0xa1: {  	s23 =	simm.s32 $0x1B8B  }
0xa2: {  	_ =	swait.ge [sflag:s23], $0x1  }
0xa3: {  	[sflag:s23] =	ssyncset.done $0x0  }
0xa4: {  	s25 =	simm.s32 $0x1B8E;
	s24 =	sld [smem:$0x3FFE];
	[sflag:s23] =	ssyncadd.s32 $0xFFFFFFFF  }
0xa5: {  	s26 =	simm.s32 $execute0_lowered;
	[smem:$0x3FD2] =	sst s25  }
0xa6: {  	s4 =	sshll.u32 s26, $0x1;
	_ =	strace $0x80000049;
	[dreg:$0x1] =	wrdreg $0xFFFFFFFF  }
0xa7: {  	s28 =	simm.s32 $_size_execute0_lowered;
	s2 =	sadd.s32 s2, s4;
	[dreg:$0x0] =	wrdreg $0x0  }
0xa8: {  	s4 =	sshll.u32 s28, $0x1;
	[dreg:$0x2] =	wrdreg s2  }
0xa9: {  	[dreg:$0x3] =	wrdreg s4  }
0xaa: {  	[dreg:$0x4] =	wrdreg $0xC0  }
0xab: {  	_ =	task [dreg:s6], $0x5FFFF  }
0xac: {  	[dreg:$0x1] =	wrdreg $0xFFFFFFFF  }
0xad: {  	[dreg:$0x0] =	wrdreg $0x60  }
0xae: {  	[dreg:$0x2] =	wrdreg s24  }
0xaf: {  	[dreg:$0x3] =	wrdreg $0x8F000  }
0xb0: {  	[dreg:$0x4] =	wrdreg $0x12F000  }
0xb1: {  	[dreg:$0x5] =	wrdreg $0x9  }
0xb2: {  	_ =	task.clear_ibuf [dreg:s6], $0x6FFFF;
	_ =	strace $0x90000049  }
0xb3: {  	s29 =	simm.s32 $0x9;
	_ =	strace $0x8000004B  }
0xb4: {  	_ =	swait.ge [sflag:s29], $0x1  }
0xb5: {  	[sflag:s29] =	ssyncadd.s32 $0xFFFFFFFF  }
0xb6: {  	_ =	strace $0x9000004B  }
0xb7: {  	_ =	sfence  }
0xb8: {  	s30 =	sld [smem:$0x0];
	_ =	sdelay $0x2  }
0xb9: {  	s31 =	sshll.u32 s1, $0xD;
	s1 =	sshrl.u32 s1, $0x2  }
0xba: {  	s3 =	sand.u32 $0x4000, s31;
	s1 =	sadd.s32 s1, s30  }
0xbb: {  	s0 =	sor.u32 s3, s0;
	s1 =	sshll.u32 s1, $0x11  }
0xbc: {  	s0 =	sor.u32 s1, s0  }
0xbd: {  	s0 =	sadd.s32 $0x8F2B, s0  }
0xbe: {  	[sflag:s0] =	ssyncadd.remote.s32 $0x1  }
0xbf: {  	_ =	sfence.sel $0xFFFF  }
0xc0: {  	[dreg:$0x0] =	wrdreg $0xFFFFFFFF;
	(pc) =	sbr.abs _section_cstart, $3  }
0xc1: {  	[dreg:$0x1] =	wrdreg $0xFFFFFFFF  }
0xc2: {  	_ =	task.clear_ibuf [dreg:s6], $0x2FFFF;
	_ =	strace $0x9FFFFFFF  }
0xc3: {  	(tm) =	ssettm $0x7FFFFFFF  }
tec
execute0_lowered:
.L_overlay_start_1:
0x0: {  	(tag) =	ssettag $0x1  }
0x1: {  	s5 =	rddreg [dreg:$0x0]  }
0x2: {  	s0 =	srdreg.scid;
	s2 =	rddreg [dreg:$0x1]  }
0x3: {  	s23 =	stileid.u32;
	s3 =	rddreg [dreg:$0x2]  }
0x4: {  	s24 =	simm.s32 $0x0;
	s20 =	simm.s32 $0x4F00;
	s21 =	simm.s32 $0x80  }
0x5: {  	s22 =	simm.s32 $0x6F00;
	s28 =	simm.s32 $0x4E00;
	s29 =	simm.s32 $0x0  }
0x6: {  	s6 =	sand.u32 $0x1, s0;
	s10 =	smul.u32 $0xA000, s23;
	[smem:$0x7FF] =	sst s24  }
0x7: {  	s12 =	smul.u32 $0x28000, s23;
	s18 =	sshll.u32 s23, $0x6;
	s24 =	simm.s32 $0x2  }
0x8: {  	s1 =	sshll.u32 s6, $0x4;
	s9 =	smul.u32 $0xA0000, s6;
	_ =	strace $0x8000004A  }
0x9: {  	s6 =	ssub.s32 $0x2, s6;
	s18 =	sor.u32 $0x1C03, s18;
	s17 =	sor.u32 s23, s1  }
0xa: {  	s11 =	sshrl.u32 s10, $0x3;
	s31 =	sshrl.u32 s6, $0x1;
	s12 =	sshrl.u32 s12, $0x2  }
0xb: {  	s19 =	sadd.s32 s10, s2;
	s23 =	simm.s32 $0x1;
	s7 =	smul.u32 $0x4E, s17  }
0xc: {  	s8 =	smin.u32 s17, $0x4;
	s11 =	sadd.s32 s11, s5;
	s25 =	sadd.s32 s10, s9  }
0xd: {  	s16 =	ssub.s32 s6, s31;
	s14 =	sadd.s32 s12, s3;
	s10 =	sadd.s32 s10, s3  }
0xe: {  	p0 =	sgt.u32 s17, $0x3;
	s17 =	simm.s32 $0x3;
	s19 =	sshrl.u32 s19, $0x3  }
0xf: {  	s30 =	sshrl.u32 s25, $0x3;
	s9 =	sadd.s32 $0x17200, s11;
	s11 =	sadd.s32 $0x2000, s14  }
0x10: {  	s12 =	sadd.s32 $0x4000, s14;
	s13 =	sadd.s32 $0x6000, s14;
	s7 =	sadd.s32 s8, s7  }
0x11: {  	s14 =	sadd.s32 $0x8000, s14;
	s16 =	smax.u32 s16, $0x1;
	s7 =	sshll.u32 s7, $0x4  }
0x12: {  	s25 =	simm.s32 $0x2680;
	s15 =	sadd.s32 s30, s5;
	s26 =	sadd.s32 s7, s5  }
0x13: {  	s15 =	sadd.s32 $0x2B200, s15;
	s5 =	sadd.s32 $0x3800, s26;
	s6 =	sadd.s32 $0xD440, s26  }
0x14: {  	v0 =	vimm.f32 $0.0e+00;
	s7 =	sadd.s32 $0x3CE0, s26;
	s8 =	sadd.s32 $0xD920, s26;
	s26 =	simm.s32 $0x4D80  }
.LBB2_1:
0x15: {  	s0 =	simm.s32 $0x0  }
0x16: {  	[tilespmem:s0], [sflag:$0x3] =	stream.linear.gather [hbm4b:s5+s0], $0x2700, $0x38;
	[tilespmem:$0x1CF00] =	vst v63  }
0x17: {  	_ =	swait.ge [sflag:s17], $0x2700  }
0x18: {  	[sflag:s17] =	ssyncset.done $0x0  }
0x19: {  	s30 =	simm.s32 @p0 $0x0;
	s31 =	simm.s32 @p0 $0x2780;
	[sflag:s17] =	ssyncadd.s32 $0xFFFFD900  }
0x1a: {  	[tilespmem:s31], [sflag:$0x3] =	stream.linear.gather @p0 [hbm4b:s6+s30], $0x2700, $0x38;
	[tilespmem:$0x1CF00] =	vst v63  }
0x1b: {  	s30 =	simm.s32 @p0 $0x3  }
0x1c: {  	_ =	swait.ge @p0 [sflag:s30], $0x2700  }
0x1d: {  	[sflag:s30] =	ssyncset.done @p0 $0x0  }
0x1e: {  	s31 =	simm.s32 @!p0 $0x2700;
	[sflag:s30] =	ssyncadd.s32 @p0 $0xFFFFD900;
	s30 =	simm.s32 @!p0 $0x0  }
0x1f: {  	[tilespmem:s31], [sflag:$0x3] =	stream.linear.gather @!p0 [hbm4b:s7+s30], $0x80, $0x38;
	[tilespmem:$0x1CF00] =	vst v63  }
0x20: {  	s31 =	simm.s32 @!p0 $0x3  }
0x21: {  	_ =	swait.ge @!p0 [sflag:s31], $0x80  }
0x22: {  	[sflag:s31] =	ssyncset.done @!p0 $0x0  }
0x23: {  	s1 =	simm.s32 @!p0 $0x2780;
	[sflag:s31] =	ssyncadd.s32 @!p0 $0xFFFFFF80  }
0x24: {  	[tilespmem:s1], [sflag:$0x3] =	stream.linear.gather @!p0 [hbm4b:s6+s30], $0x2700, $0x38;
	[tilespmem:$0x1CF00] =	vst v63  }
0x25: {  	_ =	swait.ge @!p0 [sflag:s31], $0x2700  }
0x26: {  	[sflag:s31] =	ssyncset.done @!p0 $0x0  }
0x27: {  	s1 =	simm.s32 @!p0 $0x4E80;
	[sflag:s31] =	ssyncadd.s32 @!p0 $0xFFFFD900  }
0x28: {  	[tilespmem:s1], [sflag:$0x3] =	stream.linear.gather @!p0 [hbm4b:s8+s30], $0x80, $0x38;
	[tilespmem:$0x1CF00] =	vst v63  }
0x29: {  	_ =	swait.ge @!p0 [sflag:s31], $0x80  }
0x2a: {  	[sflag:s31] =	ssyncset.done @!p0 $0x0  }
0x2b: {  	[sflag:s31] =	ssyncadd.s32 @!p0 $0xFFFFFF80  }
0x2c: {  	[spmem:s19], [sflag:s18] =	dma.local [hbm:s9], $0x1400  }
0x2d: {  	_ =	swait.ge [sflag:s17], $0x1400  }
0x2e: {  	[sflag:s17] =	ssyncset.done $0x0  }
0x2f: {  	s30 =	simm.s32 $0x0;
	s31 =	simm.s32 $0x100;
	[sflag:s17] =	ssyncadd.s32 $0xFFFFEC00  }
.LBB2_2:
0x30: {  	p1 =	sne.s32 s31, $0x7F00;
	[tilespmem:s30+$0x4F30] =	vst v0;
	s1 =	smov.u32 s31;
	s31 =	sadd.s32 $0x100, s31  }
.Ltmp0:
0x31: {  	[tilespmem:s30+$0x4F20] =	vst v0;
	(pc) =	sbr.rel @p1 .LBB2_2-.Ltmp0, $3  }
0x32: {  	[tilespmem:s30+$0x4F00] =	vst v0  }
0x33: {  	[tilespmem:s30+$0x4F10] =	vst v0;
	_ =	sdelay $0x1  }
0x34: {  	s30 =	sshra.s32 s1, $0x2  }
0x35: {  	[tilespmem:s30+$0x4F30] =	vst v0  }
0x36: {  	[tilespmem:s30+$0x4F20] =	vst v0  }
0x37: {  	[tilespmem:s30+$0x4F00] =	vst v0  }
0x38: {  	[tilespmem:s30+$0x4F10] =	vst v0  }
0x39: {  	[spmem:s10] =	stream.linear.scatter [tilespmem:s20], [sflag:$0x3], $0x2000, $0x38;
	[tilespmem:$0x1CF00] =	vst v63  }
0x3a: {  	_ =	swait.ge [sflag:s17], $0x2000  }
0x3b: {  	[sflag:s17] =	ssyncset.done $0x0  }
0x3c: {  	[sflag:s17] =	ssyncadd.s32 $0xFFFFE000  }
0x3d: {  	[spmem:s11] =	stream.linear.scatter [tilespmem:s20], [sflag:$0x3], $0x2000, $0x38;
	[tilespmem:$0x1CF00] =	vst v63  }
0x3e: {  	_ =	swait.ge [sflag:s17], $0x2000  }
0x3f: {  	[sflag:s17] =	ssyncset.done $0x0  }
0x40: {  	[sflag:s17] =	ssyncadd.s32 $0xFFFFE000  }
0x41: {  	[spmem:s12] =	stream.linear.scatter [tilespmem:s20], [sflag:$0x3], $0x2000, $0x38;
	[tilespmem:$0x1CF00] =	vst v63  }
0x42: {  	_ =	swait.ge [sflag:s17], $0x2000  }
0x43: {  	[sflag:s17] =	ssyncset.done $0x0  }
0x44: {  	[sflag:s17] =	ssyncadd.s32 $0xFFFFE000  }
0x45: {  	[spmem:s13] =	stream.linear.scatter [tilespmem:s20], [sflag:$0x3], $0x2000, $0x38;
	[tilespmem:$0x1CF00] =	vst v63  }
0x46: {  	_ =	swait.ge [sflag:s17], $0x2000  }
0x47: {  	[sflag:s17] =	ssyncset.done $0x0  }
0x48: {  	[sflag:s17] =	ssyncadd.s32 $0xFFFFE000  }
0x49: {  	[spmem:s14] =	stream.linear.scatter [tilespmem:s20], [sflag:$0x3], $0x2000, $0x38;
	[tilespmem:$0x1CF00] =	vst v63  }
0x4a: {  	_ =	swait.ge [sflag:s17], $0x2000  }
0x4b: {  	[sflag:s17] =	ssyncset.done $0x0  }
0x4c: {  	[sflag:s17] =	ssyncadd.s32 $0xFFFFE000  }
0x4d: {  	s1 =	simm.s32 $0x0;
	[bflag:$0x0] =	sbarrier.arrive $0xFFFF  }
0x4e: {  	[tilespmem:s20], [sflag:$0x1] =	stream.indirect.gather [spmem:s2], $0x40, s1, s21, $0xb8;
	[tilespmem:$0x1CF00] =	vst v63  }
0x4f: {  	s0 =	simm.s32 $0x80  }
0x50: {  	[tilespmem:s22], [sflag:$0x2] =	stream.indirect.gather [spmem:s2], $0x40, s0, s21, $0xb8;
	[tilespmem:$0x1CF00] =	vst v63  }
0x51: {  	_ =	swait.ge [sflag:s23], $0x2000  }
0x52: {  	[sflag:s23] =	ssyncset.done $0x0  }
0x53: {  	s4 =	simm.s32 $0x2780;
	[sflag:s23] =	ssyncadd.s32 $0xFFFFE000  }
0x54: {  	[spmem:s3] =	stream.indirect.scatter.add.f32 [tilespmem:s20], [sflag:$0x3], $0x40, s4, s21, $0xb8;
	[tilespmem:$0x1CF00] =	vst v63  }
0x55: {  	_ =	swait.ge [sflag:s17], $0x2000  }
0x56: {  	[sflag:s17] =	ssyncset.done $0x0  }
0x57: {  	s0 =	simm.s32 $0x100;
	[sflag:s17] =	ssyncadd.s32 $0xFFFFE000  }
0x58: {  	[tilespmem:s20], [sflag:$0x1] =	stream.indirect.gather [spmem:s2], $0x40, s0, s21, $0xb8;
	[tilespmem:$0x1CF00] =	vst v63  }
0x59: {  	_ =	swait.ge [sflag:s24], $0x2000  }
0x5a: {  	[sflag:s24] =	ssyncset.done $0x0  }
0x5b: {  	s4 =	simm.s32 $0x2800;
	[sflag:s24] =	ssyncadd.s32 $0xFFFFE000  }
0x5c: {  	[spmem:s3] =	stream.indirect.scatter.add.f32 [tilespmem:s22], [sflag:$0x3], $0x40, s4, s21, $0xb8;
	[tilespmem:$0x1CF00] =	vst v63  }
0x5d: {  	_ =	swait.ge [sflag:s17], $0x2000  }
0x5e: {  	s31 =	simm.s32 $0x800;
	s30 =	simm.s32 $0x100;
	[sflag:s17] =	ssyncset.done $0x0  }
.LBB2_4:
0x5f: {  	s1 =	sadd.s32 $0x80, s30  }
0x60: {  	[sflag:s17] =	ssyncadd.s32 $0xFFFFE000;
	s0 =	smov.u32 s31;
	s4 =	sadd.s32 $0x400, s31  }
0x61: {  	[tilespmem:s22], [sflag:$0x2] =	stream.indirect.gather [spmem:s2], $0x40, s1, s21, $0xb8;
	[tilespmem:$0x1CF00] =	vst v63  }
0x62: {  	p1 =	sne.s32 s31, $0x9400;
	_ =	swait.ge [sflag:s23], $0x2000  }
0x63: {  	[sflag:s23] =	ssyncset.done $0x0  }
0x64: {  	s1 =	sadd.s32 $0x2780, s30;
	[sflag:s23] =	ssyncadd.s32 $0xFFFFE000  }
0x65: {  	[spmem:s3] =	stream.indirect.scatter.add.f32 [tilespmem:s20], [sflag:$0x3], $0x40, s1, s21, $0xb8;
	[tilespmem:$0x1CF00] =	vst v63  }
0x66: {  	_ =	swait.ge [sflag:s17], $0x2000  }
0x67: {  	[sflag:s17] =	ssyncset.done $0x0  }
0x68: {  	s1 =	sadd.s32 $0x100, s30;
	[sflag:s17] =	ssyncadd.s32 $0xFFFFE000  }
0x69: {  	[tilespmem:s20], [sflag:$0x1] =	stream.indirect.gather [spmem:s2], $0x40, s1, s21, $0xb8;
	[tilespmem:$0x1CF00] =	vst v63  }
0x6a: {  	_ =	swait.ge [sflag:s24], $0x2000  }
.Ltmp1:
0x6b: {  	[sflag:s24] =	ssyncset.done $0x0;
	(pc) =	sbr.rel @p1 .LBB2_4-.Ltmp1, $4  }
0x6c: {  	s1 =	sadd.s32 $0x2800, s30;
	[sflag:s24] =	ssyncadd.s32 $0xFFFFE000  }
0x6d: {  	[spmem:s3] =	stream.indirect.scatter.add.f32 [tilespmem:s22], [sflag:$0x3], $0x40, s1, s21, $0xb8;
	[tilespmem:$0x1CF00] =	vst v63  }
0x6e: {  	_ =	swait.ge [sflag:s17], $0x2000  }
0x6f: {  	s31 =	smov.u32 s4;
	s30 =	sshra.s32 s0, $0x2;
	[sflag:s17] =	ssyncset.done $0x0  }
0x70: {  	s0 =	sadd.s32 $0x80, s30;
	[sflag:s17] =	ssyncadd.s32 $0xFFFFE000  }
0x71: {  	[tilespmem:s22], [sflag:$0x2] =	stream.indirect.gather [spmem:s2], $0x40, s0, s21, $0xb8;
	[tilespmem:$0x1CF00] =	vst v63  }
0x72: {  	_ =	swait.ge [sflag:s23], $0x2000  }
0x73: {  	[sflag:s23] =	ssyncset.done $0x0  }
0x74: {  	s1 =	sadd.s32 $0x2780, s30;
	[sflag:s23] =	ssyncadd.s32 $0xFFFFE000  }
0x75: {  	[spmem:s3] =	stream.indirect.scatter.add.f32 [tilespmem:s20], [sflag:$0x3], $0x40, s1, s21, $0xb8;
	[tilespmem:$0x1CF00] =	vst v63  }
0x76: {  	_ =	swait.ge [sflag:s17], $0x2000  }
0x77: {  	[sflag:s17] =	ssyncset.done $0x0  }
0x78: {  	s4 =	sadd.s32 $0x100, s30;
	[sflag:s17] =	ssyncadd.s32 $0xFFFFE000  }
0x79: {  	[tilespmem:s20], [sflag:$0x1] =	stream.indirect.gather [spmem:s2], $0x40, s4, s21, $0xb8;
	[tilespmem:$0x1CF00] =	vst v63  }
0x7a: {  	_ =	swait.ge [sflag:s24], $0x2000  }
0x7b: {  	[sflag:s24] =	ssyncset.done $0x0  }
0x7c: {  	s30 =	sadd.s32 $0x2800, s30;
	[sflag:s24] =	ssyncadd.s32 $0xFFFFE000  }
0x7d: {  	[spmem:s3] =	stream.indirect.scatter.add.f32 [tilespmem:s22], [sflag:$0x3], $0x40, s30, s21, $0xb8;
	[tilespmem:$0x1CF00] =	vst v63  }
0x7e: {  	_ =	swait.ge [sflag:s17], $0x2000  }
0x7f: {  	[sflag:s17] =	ssyncset.done $0x0  }
0x80: {  	[sflag:s17] =	ssyncadd.s32 $0xFFFFE000  }
0x81: {  	[tilespmem:s22], [sflag:$0x2] =	stream.indirect.gather [spmem:s2], $0x40, s25, s21, $0xb8;
	[tilespmem:$0x1CF00] =	vst v63  }
0x82: {  	_ =	swait.ge [sflag:s23], $0x2000  }
0x83: {  	[sflag:s23] =	ssyncset.done $0x0  }
0x84: {  	[sflag:s23] =	ssyncadd.s32 $0xFFFFE000  }
0x85: {  	[spmem:s3] =	stream.indirect.scatter.add.f32 [tilespmem:s20], [sflag:$0x3], $0x40, s26, s21, $0xb8;
	[tilespmem:$0x1CF00] =	vst v63  }
0x86: {  	_ =	swait.ge [sflag:s17], $0x2000  }
0x87: {  	[sflag:s17] =	ssyncset.done $0x0  }
0x88: {  	[sflag:s17] =	ssyncadd.s32 $0xFFFFE000  }
0x89: {  	_ =	swait.ge [sflag:s24], $0x2000  }
0x8a: {  	[sflag:s24] =	ssyncset.done $0x0  }
0x8b: {  	[sflag:s24] =	ssyncadd.s32 $0xFFFFE000  }
0x8c: {  	[spmem:s3] =	stream.indirect.scatter.add.f32 [tilespmem:s22], [sflag:$0x3], $0x40, s28, s21, $0xb8;
	[tilespmem:$0x1CF00] =	vst v63  }
0x8d: {  	_ =	swait.ge [sflag:s17], $0x2000  }
0x8e: {  	s0 =	simm.s32 @!p0 $0x80;
	[sflag:s17] =	ssyncset.done $0x0  }
0x8f: {  	s1 =	simm.s32 @!p0 $0x2700;
	s4 =	simm.s32 @!p0 $0x4F00;
	[sflag:s17] =	ssyncadd.s32 $0xFFFFE000  }
0x90: {  	[tilespmem:s4], [sflag:$0x1] =	stream.indirect.gather @!p0 [spmem:s2], $0x40, s1, s0, $0xb8;
	[tilespmem:$0x1CF00] =	vst v63  }
0x91: {  	s1 =	simm.s32 @!p0 $0x1  }
0x92: {  	_ =	swait.ge @!p0 [sflag:s1], $0x2000  }
0x93: {  	[sflag:s1] =	ssyncset.done @!p0 $0x0  }
0x94: {  	[sflag:s1] =	ssyncadd.s32 @!p0 $0xFFFFE000;
	s1 =	simm.s32 @!p0 $0x4E80  }
0x95: {  	[spmem:s3] =	stream.indirect.scatter.add.f32 @!p0 [tilespmem:s4], [sflag:$0x3], $0x40, s1, s0, $0xb8;
	[tilespmem:$0x1CF00] =	vst v63  }
0x96: {  	s0 =	simm.s32 @!p0 $0x3  }
0x97: {  	_ =	swait.ge @!p0 [sflag:s0], $0x2000  }
0x98: {  	s29 =	sadd.s32 $0x1, s29;
	[sflag:s0] =	ssyncset.done @!p0 $0x0  }
0x99: {  	p1 =	sne.s32 s29, s16;
	[sflag:s0] =	ssyncadd.s32 @!p0 $0xFFFFE000  }
.Ltmp2:
0x9a: {  	s31 =	sshrl.u32 s10, $0x3;
	[bflag:$0x0] =	sbarrier.arrive $0xFFFF;
	(pc) =	sbr.rel @p1 .LBB2_1-.Ltmp2, $4  }
0x9b: {  	[hbm:s15], [sflag:s18] =	dma.local [spmem:s31], $0x1400  }
0x9c: {  	_ =	swait.ge [sflag:s17], $0x1400  }
0x9d: {  	[sflag:s17] =	ssyncset.done $0x0  }
0x9e: {  	[sflag:s17] =	ssyncadd.s32 $0xFFFFEC00  }
0x9f: {  	_ =	sfence.sel $0x180000  }
0xa0: {  	[bflag:$0x0] =	sbarrier.arrive $0xFFFF  }
0xa1: {  	_ =	strace $0x9000004A  }
0xa2: {  	s0 =	stileid.u32;
	[bflag:$0x2] =	sbarrier.arrive $0xFFFF  }
0xa3: {  	p0 =	sne.s32 s0, $0x0;
	s0 =	rddreg [dreg:$0x3]  }
0xa4: {  	s0 =	sadd.s32 @!p0 $0x100000, s0  }
0xa5: {  	[sflag:s0] =	ssyncadd.tile.s32 @!p0 $0x1;
	_ =	shalt  }
.Lfunc_end2:
_tile_overlayer_lowered:
.L_overlay_start_2:
0xa6: {  	(tag) =	ssettag $0x2  }
0xa7: {  	s0 =	rddreg [dreg:$0x0];
	s2 =	stileid.u32  }
0xa8: {  	s1 =	rddreg [dreg:$0x1];
	p0 =	sne.s32 s2, $0x0  }
0xa9: {  	s3 =	rddreg [dreg:$0x2];
	[bflag:$0x3] =	sbarrier.arrive $0xFFFF;
	s2 =	simm.s32 @!p0 $0x1C03  }
0xaa: {  	[timem:s3], [sflag:s2] =	dma.local @!p0 [hbm:s0], s1  }
0xab: {  	s0 =	simm.s32 @!p0 $0x3  }
0xac: {  	_ =	swait.ge @!p0 [sflag:s0], s1  }
0xad: {  	s1 =	ssub.s32 @!p0 $0x0, s1;
	[sflag:s0] =	ssyncset.done @!p0 $0x0  }
0xae: {  	[sflag:s0] =	ssyncadd.s32 @!p0 s1  }
0xaf: {  	[bflag:$0x3] =	sbarrier.arrive $0xFFFF  }
0xb0: {  	_ =	shalt  }

// kernel: kernel.15.cloned.1.call-start
scs
__scs_entry_jumppad:
0x0: {  	(pc) =	sbr.rel $0x88, $3  }
0x1: {  	(tag) =	ssettag $0x0;
	lr =	simm.s32 $0x1  }
0x2: {  	[smem:$0x3F8F] =	sst lr;
	_ =	strace $0xD0000000  }
0x3: {  	_ = 	snop  }
0x4: {  	_ = 	snop  }
0x5: {  	_ = 	snop  }
0x6: {  	_ = 	snop  }
0x7: {  	_ = 	snop  }
__scs_overlays_trampoline_lowered:
0x8: {  	[smem:$0x3F9E] =	sst s0  }
0x9: {  	[smem:$0x3F9F] =	sst s1  }
0xa: {  	[smem:$0x3FA0] =	sst s2  }
0xb: {  	[smem:$0x3FA1] =	sst s3  }
0xc: {  	[smem:$0x3FA2] =	sst s4  }
0xd: {  	[smem:$0x3FA3] =	sst s5  }
0xe: {  	[smem:$0x3FA4] =	sst s6  }
0xf: {  	[smem:$0x3FA5] =	sst s7  }
0x10: {  	[smem:$0x3FA6] =	sst s8  }
0x11: {  	[smem:$0x3FA7] =	sst s9;
	s0 =	simm.s32 @!p0 $0x0  }
0x12: {  	s1 =	sld [smem:$0x3F8D];
	s0 =	simm.s32 @p0 $0x1  }
0x13: {  	[smem:$0x3FA8] =	sst s0;
	s0 =	simm.s32 @!p1 $0x0  }
0x14: {  	s2 =	sld [smem:$0x3F8C];
	s0 =	simm.s32 @p1 $0x1  }
0x15: {  	[smem:$0x3FA9] =	sst s0;
	s0 =	simm.s32 @!p2 $0x0  }
0x16: {  	s3 =	sld [smem:$0x3FDB];
	s0 =	simm.s32 @p2 $0x1  }
0x17: {  	s4 =	simm.s32 $0x1BF5;
	[smem:$0x3FAB] =	sst s0  }
0x18: {  	s0 =	sld [smem:$0x3F8E];
	_ =	swait.ge [sflag:s4], $0x0  }
0x19: {  	s7 =	sld [smem:$0x3F8F]  }
0x1a: {  	s8 =	sadd.s32 $0xFFFFE003, lr  }
0x1b: {  	s9 =	sadd.s32 $0xFFFFFEF7, lr;
	s5 =	simm.s32 $0xFFFFFFFF;
	p2 =	slt.u32 s8, $0xFFFFF086  }
0x1c: {  	p1 =	slt.u32 s9, $0xF7A;
	s5 =	simm.s32 @!p2 $0x0  }
0x1d: {  	s5 =	simm.s32 @p1 $0x1;
	p0 =	seq.s32 s7, s2  }
0x1e: {  	s7 =	smul.u32 @!p0 $0xF7A, s2;
	p2 =	seq.s32 @!p0 s5, $0x0  }
0x1f: {  	s9 =	smul.u32 $0xF7A, s1;
	s8 =	simm.s32 @!p0 $0x1BF5;
	p2 =	por !p2, p0  }
0x20: {  	[sflag:s8] =	ssyncset.s32 @!p0 $0xFFFFF086;
	s6 =	sadd.s32 @!p0 s3, s7;
	s7 =	simm.s32 @!p0 $0x108  }
0x21: {  	s3 =	sadd.s32 s3, s9;
	s6 =	sadd.s32 @!p0 $0x88, s6;
	s7 =	simm.s32 @p2 $0x1082  }
0x22: {  	[simem:s7], [sflag:s8] =	dma.local @!p0 [hbm:s6], $0xF7A  }
0x23: {  	s9 =	sor.u32 $0xD0000000, s2;
	s6 =	simm.s32 $0x108;
	_ =	swait.ge @!p0 [sflag:s8], $0x0  }
0x24: {  	s3 =	sadd.s32 $0x88, s3;
	s6 =	simm.s32 @!p1 $0x1082;
	[sflag:s4] =	ssyncset.s32 $0xFFFFF086  }
0x25: {  	[simem:s6], [sflag:s4] =	dma.local [hbm:s3], $0xF7A  }
0x26: {  	[smem:$0x3F8F] =	sst s1;
	(tag) =	ssettag s2;
	_ =	strace s9  }
0x27: {  	s1 =	sld [smem:$0x3F9F]  }
0x28: {  	s2 =	sld [smem:$0x3FA0]  }
0x29: {  	s4 =	sld [smem:$0x3FA2]  }
0x2a: {  	p0 =	seq.s32 s5, $0x0;
	s5 =	sld [smem:$0x3FA3]  }
0x2b: {  	s6 =	sld [smem:$0x3FA4]  }
0x2c: {  	s7 =	sld [smem:$0x3FA5]  }
0x2d: {  	s3 =	simm.s32 $0x108;
	s8 =	sld [smem:$0x3FA6]  }
0x2e: {  	s3 =	simm.s32 @!p0 $0x1082;
	s9 =	sld [smem:$0x3FA7]  }
0x2f: {  	lr =	sadd.s32 s0, s3;
	s0 =	sld [smem:$0x3F9E]  }
0x30: {  	s3 =	sld [smem:$0x3FA1]  }
0x31: {  	[smem:$0x3FAA] =	sst s10  }
0x32: {  	s10 =	sld [smem:$0x3FA8];
	_ =	sdelay $0x3  }
0x33: {  	p0 =	seq.s32 s10, $0x1;
	s10 =	sld [smem:$0x3FAA];
	_ =	sdelay $0x3  }
0x34: {  	[smem:$0x3FAA] =	sst s10  }
0x35: {  	s10 =	sld [smem:$0x3FA9];
	_ =	sdelay $0x3  }
0x36: {  	p1 =	seq.s32 s10, $0x1;
	s10 =	sld [smem:$0x3FAA];
	_ =	sdelay $0x3  }
0x37: {  	[smem:$0x3FAA] =	sst s10  }
0x38: {  	s10 =	sld [smem:$0x3FAB]  }
0x39: {  	_ = 	snop;
	(pc) =	sbr.ind lr, $3  }
0x3a: {  	_ = 	snop  }
0x3b: {  	_ = 	snop  }
0x3c: {  	p2 =	seq.s32 s10, $0x1;
	s10 =	sld [smem:$0x3FAA]  }
0x3d: {  	_ =	shalt  }
0x3e: {  	_ =	shalt  }
0x3f: {  	_ =	shalt  }
0x40: {  	_ =	shalt  }
0x41: {  	_ =	shalt  }
0x42: {  	_ =	shalt  }
0x43: {  	_ =	shalt  }
0x44: {  	_ =	shalt  }
0x45: {  	_ =	shalt  }
0x46: {  	_ =	shalt  }
0x47: {  	_ =	shalt  }
0x48: {  	_ =	shalt  }
0x49: {  	_ =	shalt  }
0x4a: {  	_ =	shalt  }
0x4b: {  	_ =	shalt  }
0x4c: {  	_ =	shalt  }
0x4d: {  	_ =	shalt  }
0x4e: {  	_ =	shalt  }
0x4f: {  	_ =	shalt  }
0x50: {  	_ =	shalt  }
0x51: {  	_ =	shalt  }
0x52: {  	_ =	shalt  }
0x53: {  	_ =	shalt  }
0x54: {  	_ =	shalt  }
0x55: {  	_ =	shalt  }
0x56: {  	_ =	shalt  }
0x57: {  	_ =	shalt  }
0x58: {  	_ =	shalt  }
0x59: {  	_ =	shalt  }
0x5a: {  	_ =	shalt  }
0x5b: {  	_ =	shalt  }
0x5c: {  	_ =	shalt  }
0x5d: {  	_ =	shalt  }
0x5e: {  	_ =	shalt  }
0x5f: {  	_ =	shalt  }
0x60: {  	_ =	shalt  }
0x61: {  	_ =	shalt  }
0x62: {  	_ =	shalt  }
0x63: {  	_ =	shalt  }
0x64: {  	_ =	shalt  }
0x65: {  	_ =	shalt  }
0x66: {  	_ =	shalt  }
0x67: {  	_ =	shalt  }
0x68: {  	_ =	shalt  }
0x69: {  	_ =	shalt  }
0x6a: {  	_ =	shalt  }
0x6b: {  	_ =	shalt  }
0x6c: {  	_ =	shalt  }
0x6d: {  	_ =	shalt  }
0x6e: {  	_ =	shalt  }
0x6f: {  	_ =	shalt  }
0x70: {  	_ =	shalt  }
0x71: {  	_ =	shalt  }
0x72: {  	_ =	shalt  }
0x73: {  	_ =	shalt  }
0x74: {  	_ =	shalt  }
0x75: {  	_ =	shalt  }
0x76: {  	_ =	shalt  }
0x77: {  	_ =	shalt  }
0x78: {  	_ =	shalt  }
0x79: {  	_ =	shalt  }
0x7a: {  	_ =	shalt  }
0x7b: {  	_ =	shalt  }
0x7c: {  	_ =	shalt  }
0x7d: {  	_ =	shalt  }
0x7e: {  	_ =	shalt  }
0x7f: {  	_ =	shalt  }
0x80: {  	_ =	shalt  }
0x81: {  	_ =	shalt  }
0x82: {  	_ =	shalt  }
0x83: {  	_ =	shalt  }
0x84: {  	_ =	shalt  }
0x85: {  	_ =	shalt  }
0x86: {  	_ =	shalt  }
0x87: {  	_ =	shalt  }
.Lfunc_end0:
.L_simem_size_0:
called_computation.2_lowered:
.L_overlay_start_0:
0x88: {  	s2 =	sld [smem:$0x3FD9]  }
0x89: {  	s3 =	sld [smem:$0x3FFE];
	_ =	sdelay $0x1  }
0x8a: {  	s1 =	srdreg.scid  }
0x8b: {  	s0 =	sand.u32 $0x1, s1  }
0x8c: {  	s16 =	sshll.u32 s0, $0xA;
	s2 =	sadd.s32 s3, s2  }
0x8d: {  	s2 =	sadd.s32 s2, s16  }
0x8e: {  	[smem:$0x3FB6] =	sst s2  }
0x8f: {  	_ = 	snop  }
0x90: {  	(tm) =	ssettm $0x1  }
0x91: {  	s17 =	sld [smem:$0x3FFB];
	_ =	sdelay $0x3  }
0x92: {  	_ =	strace s17  }
0x93: {  	s2 =	sld [smem:$0x3FFC];
	_ =	sdelay $0x3  }
0x94: {  	_ =	strace s2  }
0x95: {  	s2 =	sld [smem:$0x3FFD];
	_ =	sdelay $0x3  }
0x96: {  	_ =	strace s2  }
0x97: {  	_ =	strace $0x8FFFFFFF  }
0x98: {  	s18 =	sld [smem:$0x3FDB];
	_ =	sdelay $0x1  }
0x99: {  	s19 =	simm.s32 $_scs_section_size  }
0x9a: {  	s4 =	simm.s32 $_size__tile_overlayer_lowered;
	s5 =	simm.s32 $_tile_overlayer_lowered  }
0x9b: {  	s22 =	simm.s32 $0x1BFF;
	s21 =	sshll.u32 s5, $0x1;
	s2 =	sadd.s32 s19, s18  }
0x9c: {  	s6 =	simm.s32 $0x0;
	s20 =	sshll.u32 s4, $0x1;
	s4 =	sadd.s32 s21, s2  }
0x9d: {  	[timem:s6], [sflag:s22] =	dma.local [hbm:s4], s20  }
0x9e: {  	_ =	swait.ge [sflag:s22], s20  }
0x9f: {  	s3 =	ssub.s32 $0x0, s20;
	[sflag:s22] =	ssyncset.done $0x0  }
0xa0: {  	[sflag:s22] =	ssyncadd.s32 s3;
	_ =	sdelay $0x1  }
0xa1: {  	s23 =	simm.s32 $0x1B8B  }
0xa2: {  	_ =	swait.ge [sflag:s23], $0x1  }
0xa3: {  	[sflag:s23] =	ssyncset.done $0x0  }
0xa4: {  	s25 =	simm.s32 $0x1B8E;
	s24 =	sld [smem:$0x3FFE];
	[sflag:s23] =	ssyncadd.s32 $0xFFFFFFFF  }
0xa5: {  	s26 =	simm.s32 $execute0_lowered;
	[smem:$0x3FD2] =	sst s25  }
0xa6: {  	s4 =	sshll.u32 s26, $0x1;
	_ =	strace $0x8000004C;
	[dreg:$0x1] =	wrdreg $0xFFFFFFFF  }
0xa7: {  	s28 =	simm.s32 $_size_execute0_lowered;
	s2 =	sadd.s32 s2, s4;
	[dreg:$0x0] =	wrdreg $0x0  }
0xa8: {  	s4 =	sshll.u32 s28, $0x1;
	[dreg:$0x2] =	wrdreg s2  }
0xa9: {  	[dreg:$0x3] =	wrdreg s4  }
0xaa: {  	[dreg:$0x4] =	wrdreg $0xC0  }
0xab: {  	_ =	task [dreg:s6], $0x5FFFF  }
0xac: {  	[dreg:$0x1] =	wrdreg $0xFFFFFFFF  }
0xad: {  	[dreg:$0x0] =	wrdreg $0x60  }
0xae: {  	[dreg:$0x2] =	wrdreg s24  }
0xaf: {  	[dreg:$0x3] =	wrdreg $0x8F000  }
0xb0: {  	[dreg:$0x4] =	wrdreg $0x12F000  }
0xb1: {  	[dreg:$0x5] =	wrdreg $0x9  }
0xb2: {  	_ =	task.clear_ibuf [dreg:s6], $0x6FFFF;
	_ =	strace $0x9000004C  }
0xb3: {  	s29 =	simm.s32 $0x9;
	_ =	strace $0x8000004E  }
0xb4: {  	_ =	swait.ge [sflag:s29], $0x1  }
0xb5: {  	[sflag:s29] =	ssyncadd.s32 $0xFFFFFFFF  }
0xb6: {  	_ =	strace $0x9000004E  }
0xb7: {  	_ =	sfence  }
0xb8: {  	s30 =	sld [smem:$0x0];
	_ =	sdelay $0x2  }
0xb9: {  	s31 =	sshll.u32 s1, $0xD;
	s1 =	sshrl.u32 s1, $0x2  }
0xba: {  	s3 =	sand.u32 $0x4000, s31;
	s1 =	sadd.s32 s1, s30  }
0xbb: {  	s0 =	sor.u32 s3, s0;
	s1 =	sshll.u32 s1, $0x11  }
0xbc: {  	s0 =	sor.u32 s1, s0  }
0xbd: {  	s0 =	sadd.s32 $0x8F2B, s0  }
0xbe: {  	[sflag:s0] =	ssyncadd.remote.s32 $0x1  }
0xbf: {  	_ =	sfence.sel $0xFFFF  }
0xc0: {  	[dreg:$0x0] =	wrdreg $0xFFFFFFFF;
	(pc) =	sbr.abs _section_cstart, $3  }
0xc1: {  	[dreg:$0x1] =	wrdreg $0xFFFFFFFF  }
0xc2: {  	_ =	task.clear_ibuf [dreg:s6], $0x2FFFF;
	_ =	strace $0x9FFFFFFF  }
0xc3: {  	(tm) =	ssettm $0x7FFFFFFF  }
tec
execute0_lowered:
.L_overlay_start_1:
0x0: {  	(tag) =	ssettag $0x1  }
0x1: {  	s5 =	rddreg [dreg:$0x0]  }
0x2: {  	s0 =	srdreg.scid;
	s2 =	rddreg [dreg:$0x1]  }
0x3: {  	s23 =	stileid.u32;
	s3 =	rddreg [dreg:$0x2]  }
0x4: {  	s24 =	simm.s32 $0x0;
	s20 =	simm.s32 $0x4F00;
	s21 =	simm.s32 $0x80  }
0x5: {  	s22 =	simm.s32 $0x6F00;
	s28 =	simm.s32 $0x4E00;
	s29 =	simm.s32 $0x0  }
0x6: {  	s6 =	sand.u32 $0x1, s0;
	s10 =	smul.u32 $0xA000, s23;
	[smem:$0x7FF] =	sst s24  }
0x7: {  	s12 =	smul.u32 $0x28000, s23;
	s18 =	sshll.u32 s23, $0x6;
	s24 =	simm.s32 $0x2  }
0x8: {  	s1 =	sshll.u32 s6, $0x4;
	s9 =	smul.u32 $0xA0000, s6;
	_ =	strace $0x8000004D  }
0x9: {  	s6 =	ssub.s32 $0x2, s6;
	s18 =	sor.u32 $0x1C03, s18;
	s17 =	sor.u32 s23, s1  }
0xa: {  	s11 =	sshrl.u32 s10, $0x3;
	s31 =	sshrl.u32 s6, $0x1;
	s12 =	sshrl.u32 s12, $0x2  }
0xb: {  	s19 =	sadd.s32 s10, s2;
	s23 =	simm.s32 $0x1;
	s7 =	smul.u32 $0x4E, s17  }
0xc: {  	s8 =	smin.u32 s17, $0x4;
	s11 =	sadd.s32 s11, s5;
	s25 =	sadd.s32 s10, s9  }
0xd: {  	s16 =	ssub.s32 s6, s31;
	s14 =	sadd.s32 s12, s3;
	s10 =	sadd.s32 s10, s3  }
0xe: {  	p0 =	sgt.u32 s17, $0x3;
	s17 =	simm.s32 $0x3;
	s19 =	sshrl.u32 s19, $0x3  }
0xf: {  	s30 =	sshrl.u32 s25, $0x3;
	s9 =	sadd.s32 $0x17200, s11;
	s11 =	sadd.s32 $0x2000, s14  }
0x10: {  	s12 =	sadd.s32 $0x4000, s14;
	s13 =	sadd.s32 $0x6000, s14;
	s7 =	sadd.s32 s8, s7  }
0x11: {  	s14 =	sadd.s32 $0x8000, s14;
	s16 =	smax.u32 s16, $0x1;
	s7 =	sshll.u32 s7, $0x4  }
0x12: {  	s25 =	simm.s32 $0x2680;
	s15 =	sadd.s32 s30, s5;
	s26 =	sadd.s32 s7, s5  }
0x13: {  	s15 =	sadd.s32 $0x2B200, s15;
	s5 =	sadd.s32 $0x3800, s26;
	s6 =	sadd.s32 $0xD440, s26  }
0x14: {  	v0 =	vimm.f32 $0.0e+00;
	s7 =	sadd.s32 $0x3CE0, s26;
	s8 =	sadd.s32 $0xD920, s26;
	s26 =	simm.s32 $0x4D80  }
.LBB2_1:
0x15: {  	s0 =	simm.s32 $0x0  }
0x16: {  	[tilespmem:s0], [sflag:$0x3] =	stream.linear.gather [hbm4b:s5+s0], $0x2700, $0x38;
	[tilespmem:$0x1CF00] =	vst v63  }
0x17: {  	_ =	swait.ge [sflag:s17], $0x2700  }
0x18: {  	[sflag:s17] =	ssyncset.done $0x0  }
0x19: {  	s30 =	simm.s32 @p0 $0x0;
	s31 =	simm.s32 @p0 $0x2780;
	[sflag:s17] =	ssyncadd.s32 $0xFFFFD900  }
0x1a: {  	[tilespmem:s31], [sflag:$0x3] =	stream.linear.gather @p0 [hbm4b:s6+s30], $0x2700, $0x38;
	[tilespmem:$0x1CF00] =	vst v63  }
0x1b: {  	s30 =	simm.s32 @p0 $0x3  }
0x1c: {  	_ =	swait.ge @p0 [sflag:s30], $0x2700  }
0x1d: {  	[sflag:s30] =	ssyncset.done @p0 $0x0  }
0x1e: {  	s31 =	simm.s32 @!p0 $0x2700;
	[sflag:s30] =	ssyncadd.s32 @p0 $0xFFFFD900;
	s30 =	simm.s32 @!p0 $0x0  }
0x1f: {  	[tilespmem:s31], [sflag:$0x3] =	stream.linear.gather @!p0 [hbm4b:s7+s30], $0x80, $0x38;
	[tilespmem:$0x1CF00] =	vst v63  }
0x20: {  	s31 =	simm.s32 @!p0 $0x3  }
0x21: {  	_ =	swait.ge @!p0 [sflag:s31], $0x80  }
0x22: {  	[sflag:s31] =	ssyncset.done @!p0 $0x0  }
0x23: {  	s1 =	simm.s32 @!p0 $0x2780;
	[sflag:s31] =	ssyncadd.s32 @!p0 $0xFFFFFF80  }
0x24: {  	[tilespmem:s1], [sflag:$0x3] =	stream.linear.gather @!p0 [hbm4b:s6+s30], $0x2700, $0x38;
	[tilespmem:$0x1CF00] =	vst v63  }
0x25: {  	_ =	swait.ge @!p0 [sflag:s31], $0x2700  }
0x26: {  	[sflag:s31] =	ssyncset.done @!p0 $0x0  }
0x27: {  	s1 =	simm.s32 @!p0 $0x4E80;
	[sflag:s31] =	ssyncadd.s32 @!p0 $0xFFFFD900  }
0x28: {  	[tilespmem:s1], [sflag:$0x3] =	stream.linear.gather @!p0 [hbm4b:s8+s30], $0x80, $0x38;
	[tilespmem:$0x1CF00] =	vst v63  }
0x29: {  	_ =	swait.ge @!p0 [sflag:s31], $0x80  }
0x2a: {  	[sflag:s31] =	ssyncset.done @!p0 $0x0  }
0x2b: {  	[sflag:s31] =	ssyncadd.s32 @!p0 $0xFFFFFF80  }
0x2c: {  	[spmem:s19], [sflag:s18] =	dma.local [hbm:s9], $0x1400  }
0x2d: {  	_ =	swait.ge [sflag:s17], $0x1400  }
0x2e: {  	[sflag:s17] =	ssyncset.done $0x0  }
0x2f: {  	s30 =	simm.s32 $0x0;
	s31 =	simm.s32 $0x100;
	[sflag:s17] =	ssyncadd.s32 $0xFFFFEC00  }
.LBB2_2:
0x30: {  	p1 =	sne.s32 s31, $0x7F00;
	[tilespmem:s30+$0x4F30] =	vst v0;
	s1 =	smov.u32 s31;
	s31 =	sadd.s32 $0x100, s31  }
.Ltmp0:
0x31: {  	[tilespmem:s30+$0x4F20] =	vst v0;
	(pc) =	sbr.rel @p1 .LBB2_2-.Ltmp0, $3  }
0x32: {  	[tilespmem:s30+$0x4F00] =	vst v0  }
0x33: {  	[tilespmem:s30+$0x4F10] =	vst v0;
	_ =	sdelay $0x1  }
0x34: {  	s30 =	sshra.s32 s1, $0x2  }
0x35: {  	[tilespmem:s30+$0x4F30] =	vst v0  }
0x36: {  	[tilespmem:s30+$0x4F20] =	vst v0  }
0x37: {  	[tilespmem:s30+$0x4F00] =	vst v0  }
0x38: {  	[tilespmem:s30+$0x4F10] =	vst v0  }
0x39: {  	[spmem:s10] =	stream.linear.scatter [tilespmem:s20], [sflag:$0x3], $0x2000, $0x38;
	[tilespmem:$0x1CF00] =	vst v63  }
0x3a: {  	_ =	swait.ge [sflag:s17], $0x2000  }
0x3b: {  	[sflag:s17] =	ssyncset.done $0x0  }
0x3c: {  	[sflag:s17] =	ssyncadd.s32 $0xFFFFE000  }
0x3d: {  	[spmem:s11] =	stream.linear.scatter [tilespmem:s20], [sflag:$0x3], $0x2000, $0x38;
	[tilespmem:$0x1CF00] =	vst v63  }
0x3e: {  	_ =	swait.ge [sflag:s17], $0x2000  }
0x3f: {  	[sflag:s17] =	ssyncset.done $0x0  }
0x40: {  	[sflag:s17] =	ssyncadd.s32 $0xFFFFE000  }
0x41: {  	[spmem:s12] =	stream.linear.scatter [tilespmem:s20], [sflag:$0x3], $0x2000, $0x38;
	[tilespmem:$0x1CF00] =	vst v63  }
0x42: {  	_ =	swait.ge [sflag:s17], $0x2000  }
0x43: {  	[sflag:s17] =	ssyncset.done $0x0  }
0x44: {  	[sflag:s17] =	ssyncadd.s32 $0xFFFFE000  }
0x45: {  	[spmem:s13] =	stream.linear.scatter [tilespmem:s20], [sflag:$0x3], $0x2000, $0x38;
	[tilespmem:$0x1CF00] =	vst v63  }
0x46: {  	_ =	swait.ge [sflag:s17], $0x2000  }
0x47: {  	[sflag:s17] =	ssyncset.done $0x0  }
0x48: {  	[sflag:s17] =	ssyncadd.s32 $0xFFFFE000  }
0x49: {  	[spmem:s14] =	stream.linear.scatter [tilespmem:s20], [sflag:$0x3], $0x2000, $0x38;
	[tilespmem:$0x1CF00] =	vst v63  }
0x4a: {  	_ =	swait.ge [sflag:s17], $0x2000  }
0x4b: {  	[sflag:s17] =	ssyncset.done $0x0  }
0x4c: {  	[sflag:s17] =	ssyncadd.s32 $0xFFFFE000  }
0x4d: {  	s1 =	simm.s32 $0x0;
	[bflag:$0x0] =	sbarrier.arrive $0xFFFF  }
0x4e: {  	[tilespmem:s20], [sflag:$0x1] =	stream.indirect.gather [spmem:s2], $0x40, s1, s21, $0xb8;
	[tilespmem:$0x1CF00] =	vst v63  }
0x4f: {  	s0 =	simm.s32 $0x80  }
0x50: {  	[tilespmem:s22], [sflag:$0x2] =	stream.indirect.gather [spmem:s2], $0x40, s0, s21, $0xb8;
	[tilespmem:$0x1CF00] =	vst v63  }
0x51: {  	_ =	swait.ge [sflag:s23], $0x2000  }
0x52: {  	[sflag:s23] =	ssyncset.done $0x0  }
0x53: {  	s4 =	simm.s32 $0x2780;
	[sflag:s23] =	ssyncadd.s32 $0xFFFFE000  }
0x54: {  	[spmem:s3] =	stream.indirect.scatter.add.f32 [tilespmem:s20], [sflag:$0x3], $0x40, s4, s21, $0xb8;
	[tilespmem:$0x1CF00] =	vst v63  }
0x55: {  	_ =	swait.ge [sflag:s17], $0x2000  }
0x56: {  	[sflag:s17] =	ssyncset.done $0x0  }
0x57: {  	s0 =	simm.s32 $0x100;
	[sflag:s17] =	ssyncadd.s32 $0xFFFFE000  }
0x58: {  	[tilespmem:s20], [sflag:$0x1] =	stream.indirect.gather [spmem:s2], $0x40, s0, s21, $0xb8;
	[tilespmem:$0x1CF00] =	vst v63  }
0x59: {  	_ =	swait.ge [sflag:s24], $0x2000  }
0x5a: {  	[sflag:s24] =	ssyncset.done $0x0  }
0x5b: {  	s4 =	simm.s32 $0x2800;
	[sflag:s24] =	ssyncadd.s32 $0xFFFFE000  }
0x5c: {  	[spmem:s3] =	stream.indirect.scatter.add.f32 [tilespmem:s22], [sflag:$0x3], $0x40, s4, s21, $0xb8;
	[tilespmem:$0x1CF00] =	vst v63  }
0x5d: {  	_ =	swait.ge [sflag:s17], $0x2000  }
0x5e: {  	s31 =	simm.s32 $0x800;
	s30 =	simm.s32 $0x100;
	[sflag:s17] =	ssyncset.done $0x0  }
.LBB2_4:
0x5f: {  	s1 =	sadd.s32 $0x80, s30  }
0x60: {  	[sflag:s17] =	ssyncadd.s32 $0xFFFFE000;
	s0 =	smov.u32 s31;
	s4 =	sadd.s32 $0x400, s31  }
0x61: {  	[tilespmem:s22], [sflag:$0x2] =	stream.indirect.gather [spmem:s2], $0x40, s1, s21, $0xb8;
	[tilespmem:$0x1CF00] =	vst v63  }
0x62: {  	p1 =	sne.s32 s31, $0x9400;
	_ =	swait.ge [sflag:s23], $0x2000  }
0x63: {  	[sflag:s23] =	ssyncset.done $0x0  }
0x64: {  	s1 =	sadd.s32 $0x2780, s30;
	[sflag:s23] =	ssyncadd.s32 $0xFFFFE000  }
0x65: {  	[spmem:s3] =	stream.indirect.scatter.add.f32 [tilespmem:s20], [sflag:$0x3], $0x40, s1, s21, $0xb8;
	[tilespmem:$0x1CF00] =	vst v63  }
0x66: {  	_ =	swait.ge [sflag:s17], $0x2000  }
0x67: {  	[sflag:s17] =	ssyncset.done $0x0  }
0x68: {  	s1 =	sadd.s32 $0x100, s30;
	[sflag:s17] =	ssyncadd.s32 $0xFFFFE000  }
0x69: {  	[tilespmem:s20], [sflag:$0x1] =	stream.indirect.gather [spmem:s2], $0x40, s1, s21, $0xb8;
	[tilespmem:$0x1CF00] =	vst v63  }
0x6a: {  	_ =	swait.ge [sflag:s24], $0x2000  }
.Ltmp1:
0x6b: {  	[sflag:s24] =	ssyncset.done $0x0;
	(pc) =	sbr.rel @p1 .LBB2_4-.Ltmp1, $4  }
0x6c: {  	s1 =	sadd.s32 $0x2800, s30;
	[sflag:s24] =	ssyncadd.s32 $0xFFFFE000  }
0x6d: {  	[spmem:s3] =	stream.indirect.scatter.add.f32 [tilespmem:s22], [sflag:$0x3], $0x40, s1, s21, $0xb8;
	[tilespmem:$0x1CF00] =	vst v63  }
0x6e: {  	_ =	swait.ge [sflag:s17], $0x2000  }
0x6f: {  	s31 =	smov.u32 s4;
	s30 =	sshra.s32 s0, $0x2;
	[sflag:s17] =	ssyncset.done $0x0  }
0x70: {  	s0 =	sadd.s32 $0x80, s30;
	[sflag:s17] =	ssyncadd.s32 $0xFFFFE000  }
0x71: {  	[tilespmem:s22], [sflag:$0x2] =	stream.indirect.gather [spmem:s2], $0x40, s0, s21, $0xb8;
	[tilespmem:$0x1CF00] =	vst v63  }
0x72: {  	_ =	swait.ge [sflag:s23], $0x2000  }
0x73: {  	[sflag:s23] =	ssyncset.done $0x0  }
0x74: {  	s1 =	sadd.s32 $0x2780, s30;
	[sflag:s23] =	ssyncadd.s32 $0xFFFFE000  }
0x75: {  	[spmem:s3] =	stream.indirect.scatter.add.f32 [tilespmem:s20], [sflag:$0x3], $0x40, s1, s21, $0xb8;
	[tilespmem:$0x1CF00] =	vst v63  }
0x76: {  	_ =	swait.ge [sflag:s17], $0x2000  }
0x77: {  	[sflag:s17] =	ssyncset.done $0x0  }
0x78: {  	s4 =	sadd.s32 $0x100, s30;
	[sflag:s17] =	ssyncadd.s32 $0xFFFFE000  }
0x79: {  	[tilespmem:s20], [sflag:$0x1] =	stream.indirect.gather [spmem:s2], $0x40, s4, s21, $0xb8;
	[tilespmem:$0x1CF00] =	vst v63  }
0x7a: {  	_ =	swait.ge [sflag:s24], $0x2000  }
0x7b: {  	[sflag:s24] =	ssyncset.done $0x0  }
0x7c: {  	s30 =	sadd.s32 $0x2800, s30;
	[sflag:s24] =	ssyncadd.s32 $0xFFFFE000  }
0x7d: {  	[spmem:s3] =	stream.indirect.scatter.add.f32 [tilespmem:s22], [sflag:$0x3], $0x40, s30, s21, $0xb8;
	[tilespmem:$0x1CF00] =	vst v63  }
0x7e: {  	_ =	swait.ge [sflag:s17], $0x2000  }
0x7f: {  	[sflag:s17] =	ssyncset.done $0x0  }
0x80: {  	[sflag:s17] =	ssyncadd.s32 $0xFFFFE000  }
0x81: {  	[tilespmem:s22], [sflag:$0x2] =	stream.indirect.gather [spmem:s2], $0x40, s25, s21, $0xb8;
	[tilespmem:$0x1CF00] =	vst v63  }
0x82: {  	_ =	swait.ge [sflag:s23], $0x2000  }
0x83: {  	[sflag:s23] =	ssyncset.done $0x0  }
0x84: {  	[sflag:s23] =	ssyncadd.s32 $0xFFFFE000  }
0x85: {  	[spmem:s3] =	stream.indirect.scatter.add.f32 [tilespmem:s20], [sflag:$0x3], $0x40, s26, s21, $0xb8;
	[tilespmem:$0x1CF00] =	vst v63  }
0x86: {  	_ =	swait.ge [sflag:s17], $0x2000  }
0x87: {  	[sflag:s17] =	ssyncset.done $0x0  }
0x88: {  	[sflag:s17] =	ssyncadd.s32 $0xFFFFE000  }
0x89: {  	_ =	swait.ge [sflag:s24], $0x2000  }
0x8a: {  	[sflag:s24] =	ssyncset.done $0x0  }
0x8b: {  	[sflag:s24] =	ssyncadd.s32 $0xFFFFE000  }
0x8c: {  	[spmem:s3] =	stream.indirect.scatter.add.f32 [tilespmem:s22], [sflag:$0x3], $0x40, s28, s21, $0xb8;
	[tilespmem:$0x1CF00] =	vst v63  }
0x8d: {  	_ =	swait.ge [sflag:s17], $0x2000  }
0x8e: {  	s0 =	simm.s32 @!p0 $0x80;
	[sflag:s17] =	ssyncset.done $0x0  }
0x8f: {  	s1 =	simm.s32 @!p0 $0x2700;
	s4 =	simm.s32 @!p0 $0x4F00;
	[sflag:s17] =	ssyncadd.s32 $0xFFFFE000  }
0x90: {  	[tilespmem:s4], [sflag:$0x1] =	stream.indirect.gather @!p0 [spmem:s2], $0x40, s1, s0, $0xb8;
	[tilespmem:$0x1CF00] =	vst v63  }
0x91: {  	s1 =	simm.s32 @!p0 $0x1  }
0x92: {  	_ =	swait.ge @!p0 [sflag:s1], $0x2000  }
0x93: {  	[sflag:s1] =	ssyncset.done @!p0 $0x0  }
0x94: {  	[sflag:s1] =	ssyncadd.s32 @!p0 $0xFFFFE000;
	s1 =	simm.s32 @!p0 $0x4E80  }
0x95: {  	[spmem:s3] =	stream.indirect.scatter.add.f32 @!p0 [tilespmem:s4], [sflag:$0x3], $0x40, s1, s0, $0xb8;
	[tilespmem:$0x1CF00] =	vst v63  }
0x96: {  	s0 =	simm.s32 @!p0 $0x3  }
0x97: {  	_ =	swait.ge @!p0 [sflag:s0], $0x2000  }
0x98: {  	s29 =	sadd.s32 $0x1, s29;
	[sflag:s0] =	ssyncset.done @!p0 $0x0  }
0x99: {  	p1 =	sne.s32 s29, s16;
	[sflag:s0] =	ssyncadd.s32 @!p0 $0xFFFFE000  }
.Ltmp2:
0x9a: {  	s31 =	sshrl.u32 s10, $0x3;
	[bflag:$0x0] =	sbarrier.arrive $0xFFFF;
	(pc) =	sbr.rel @p1 .LBB2_1-.Ltmp2, $4  }
0x9b: {  	[hbm:s15], [sflag:s18] =	dma.local [spmem:s31], $0x1400  }
0x9c: {  	_ =	swait.ge [sflag:s17], $0x1400  }
0x9d: {  	[sflag:s17] =	ssyncset.done $0x0  }
0x9e: {  	[sflag:s17] =	ssyncadd.s32 $0xFFFFEC00  }
0x9f: {  	_ =	sfence.sel $0x180000  }
0xa0: {  	[bflag:$0x0] =	sbarrier.arrive $0xFFFF  }
0xa1: {  	_ =	strace $0x9000004D  }
0xa2: {  	s0 =	stileid.u32;
	[bflag:$0x2] =	sbarrier.arrive $0xFFFF  }
0xa3: {  	p0 =	sne.s32 s0, $0x0;
	s0 =	rddreg [dreg:$0x3]  }
0xa4: {  	s0 =	sadd.s32 @!p0 $0x100000, s0  }
0xa5: {  	[sflag:s0] =	ssyncadd.tile.s32 @!p0 $0x1;
	_ =	shalt  }
.Lfunc_end2:
_tile_overlayer_lowered:
.L_overlay_start_2:
0xa6: {  	(tag) =	ssettag $0x2  }
0xa7: {  	s0 =	rddreg [dreg:$0x0];
	s2 =	stileid.u32  }
0xa8: {  	s1 =	rddreg [dreg:$0x1];
	p0 =	sne.s32 s2, $0x0  }
0xa9: {  	s3 =	rddreg [dreg:$0x2];
	[bflag:$0x3] =	sbarrier.arrive $0xFFFF;
	s2 =	simm.s32 @!p0 $0x1C03  }
0xaa: {  	[timem:s3], [sflag:s2] =	dma.local @!p0 [hbm:s0], s1  }
0xab: {  	s0 =	simm.s32 @!p0 $0x3  }
0xac: {  	_ =	swait.ge @!p0 [sflag:s0], s1  }
0xad: {  	s1 =	ssub.s32 @!p0 $0x0, s1;
	[sflag:s0] =	ssyncset.done @!p0 $0x0  }
0xae: {  	[sflag:s0] =	ssyncadd.s32 @!p0 s1  }
0xaf: {  	[bflag:$0x3] =	sbarrier.arrive $0xFFFF  }
0xb0: {  	_ =	shalt  }

// kernel: kernel.9.cloned.1.call-start
scs
__scs_entry_jumppad:
0x0: {  	(pc) =	sbr.rel $0x88, $3  }
0x1: {  	(tag) =	ssettag $0x0;
	lr =	simm.s32 $0x1  }
0x2: {  	[smem:$0x3F8F] =	sst lr;
	_ =	strace $0xD0000000  }
0x3: {  	_ = 	snop  }
0x4: {  	_ = 	snop  }
0x5: {  	_ = 	snop  }
0x6: {  	_ = 	snop  }
0x7: {  	_ = 	snop  }
__scs_overlays_trampoline_lowered:
0x8: {  	[smem:$0x3F9E] =	sst s0  }
0x9: {  	[smem:$0x3F9F] =	sst s1  }
0xa: {  	[smem:$0x3FA0] =	sst s2  }
0xb: {  	[smem:$0x3FA1] =	sst s3  }
0xc: {  	[smem:$0x3FA2] =	sst s4  }
0xd: {  	[smem:$0x3FA3] =	sst s5  }
0xe: {  	[smem:$0x3FA4] =	sst s6  }
0xf: {  	[smem:$0x3FA5] =	sst s7  }
0x10: {  	[smem:$0x3FA6] =	sst s8  }
0x11: {  	[smem:$0x3FA7] =	sst s9;
	s0 =	simm.s32 @!p0 $0x0  }
0x12: {  	s1 =	sld [smem:$0x3F8D];
	s0 =	simm.s32 @p0 $0x1  }
0x13: {  	[smem:$0x3FA8] =	sst s0;
	s0 =	simm.s32 @!p1 $0x0  }
0x14: {  	s2 =	sld [smem:$0x3F8C];
	s0 =	simm.s32 @p1 $0x1  }
0x15: {  	[smem:$0x3FA9] =	sst s0;
	s0 =	simm.s32 @!p2 $0x0  }
0x16: {  	s3 =	sld [smem:$0x3FDB];
	s0 =	simm.s32 @p2 $0x1  }
0x17: {  	s4 =	simm.s32 $0x1BF5;
	[smem:$0x3FAB] =	sst s0  }
0x18: {  	s0 =	sld [smem:$0x3F8E];
	_ =	swait.ge [sflag:s4], $0x0  }
0x19: {  	s7 =	sld [smem:$0x3F8F]  }
0x1a: {  	s8 =	sadd.s32 $0xFFFFE003, lr  }
0x1b: {  	s9 =	sadd.s32 $0xFFFFFEF7, lr;
	s5 =	simm.s32 $0xFFFFFFFF;
	p2 =	slt.u32 s8, $0xFFFFF086  }
0x1c: {  	p1 =	slt.u32 s9, $0xF7A;
	s5 =	simm.s32 @!p2 $0x0  }
0x1d: {  	s5 =	simm.s32 @p1 $0x1;
	p0 =	seq.s32 s7, s2  }
0x1e: {  	s7 =	smul.u32 @!p0 $0xF7A, s2;
	p2 =	seq.s32 @!p0 s5, $0x0  }
0x1f: {  	s9 =	smul.u32 $0xF7A, s1;
	s8 =	simm.s32 @!p0 $0x1BF5;
	p2 =	por !p2, p0  }
0x20: {  	[sflag:s8] =	ssyncset.s32 @!p0 $0xFFFFF086;
	s6 =	sadd.s32 @!p0 s3, s7;
	s7 =	simm.s32 @!p0 $0x108  }
0x21: {  	s3 =	sadd.s32 s3, s9;
	s6 =	sadd.s32 @!p0 $0x88, s6;
	s7 =	simm.s32 @p2 $0x1082  }
0x22: {  	[simem:s7], [sflag:s8] =	dma.local @!p0 [hbm:s6], $0xF7A  }
0x23: {  	s9 =	sor.u32 $0xD0000000, s2;
	s6 =	simm.s32 $0x108;
	_ =	swait.ge @!p0 [sflag:s8], $0x0  }
0x24: {  	s3 =	sadd.s32 $0x88, s3;
	s6 =	simm.s32 @!p1 $0x1082;
	[sflag:s4] =	ssyncset.s32 $0xFFFFF086  }
0x25: {  	[simem:s6], [sflag:s4] =	dma.local [hbm:s3], $0xF7A  }
0x26: {  	[smem:$0x3F8F] =	sst s1;
	(tag) =	ssettag s2;
	_ =	strace s9  }
0x27: {  	s1 =	sld [smem:$0x3F9F]  }
0x28: {  	s2 =	sld [smem:$0x3FA0]  }
0x29: {  	s4 =	sld [smem:$0x3FA2]  }
0x2a: {  	p0 =	seq.s32 s5, $0x0;
	s5 =	sld [smem:$0x3FA3]  }
0x2b: {  	s6 =	sld [smem:$0x3FA4]  }
0x2c: {  	s7 =	sld [smem:$0x3FA5]  }
0x2d: {  	s3 =	simm.s32 $0x108;
	s8 =	sld [smem:$0x3FA6]  }
0x2e: {  	s3 =	simm.s32 @!p0 $0x1082;
	s9 =	sld [smem:$0x3FA7]  }
0x2f: {  	lr =	sadd.s32 s0, s3;
	s0 =	sld [smem:$0x3F9E]  }
0x30: {  	s3 =	sld [smem:$0x3FA1]  }
0x31: {  	[smem:$0x3FAA] =	sst s10  }
0x32: {  	s10 =	sld [smem:$0x3FA8];
	_ =	sdelay $0x3  }
0x33: {  	p0 =	seq.s32 s10, $0x1;
	s10 =	sld [smem:$0x3FAA];
	_ =	sdelay $0x3  }
0x34: {  	[smem:$0x3FAA] =	sst s10  }
0x35: {  	s10 =	sld [smem:$0x3FA9];
	_ =	sdelay $0x3  }
0x36: {  	p1 =	seq.s32 s10, $0x1;
	s10 =	sld [smem:$0x3FAA];
	_ =	sdelay $0x3  }
0x37: {  	[smem:$0x3FAA] =	sst s10  }
0x38: {  	s10 =	sld [smem:$0x3FAB]  }
0x39: {  	_ = 	snop;
	(pc) =	sbr.ind lr, $3  }
0x3a: {  	_ = 	snop  }
0x3b: {  	_ = 	snop  }
0x3c: {  	p2 =	seq.s32 s10, $0x1;
	s10 =	sld [smem:$0x3FAA]  }
0x3d: {  	_ =	shalt  }
0x3e: {  	_ =	shalt  }
0x3f: {  	_ =	shalt  }
0x40: {  	_ =	shalt  }
0x41: {  	_ =	shalt  }
0x42: {  	_ =	shalt  }
0x43: {  	_ =	shalt  }
0x44: {  	_ =	shalt  }
0x45: {  	_ =	shalt  }
0x46: {  	_ =	shalt  }
0x47: {  	_ =	shalt  }
0x48: {  	_ =	shalt  }
0x49: {  	_ =	shalt  }
0x4a: {  	_ =	shalt  }
0x4b: {  	_ =	shalt  }
0x4c: {  	_ =	shalt  }
0x4d: {  	_ =	shalt  }
0x4e: {  	_ =	shalt  }
0x4f: {  	_ =	shalt  }
0x50: {  	_ =	shalt  }
0x51: {  	_ =	shalt  }
0x52: {  	_ =	shalt  }
0x53: {  	_ =	shalt  }
0x54: {  	_ =	shalt  }
0x55: {  	_ =	shalt  }
0x56: {  	_ =	shalt  }
0x57: {  	_ =	shalt  }
0x58: {  	_ =	shalt  }
0x59: {  	_ =	shalt  }
0x5a: {  	_ =	shalt  }
0x5b: {  	_ =	shalt  }
0x5c: {  	_ =	shalt  }
0x5d: {  	_ =	shalt  }
0x5e: {  	_ =	shalt  }
0x5f: {  	_ =	shalt  }
0x60: {  	_ =	shalt  }
0x61: {  	_ =	shalt  }
0x62: {  	_ =	shalt  }
0x63: {  	_ =	shalt  }
0x64: {  	_ =	shalt  }
0x65: {  	_ =	shalt  }
0x66: {  	_ =	shalt  }
0x67: {  	_ =	shalt  }
0x68: {  	_ =	shalt  }
0x69: {  	_ =	shalt  }
0x6a: {  	_ =	shalt  }
0x6b: {  	_ =	shalt  }
0x6c: {  	_ =	shalt  }
0x6d: {  	_ =	shalt  }
0x6e: {  	_ =	shalt  }
0x6f: {  	_ =	shalt  }
0x70: {  	_ =	shalt  }
0x71: {  	_ =	shalt  }
0x72: {  	_ =	shalt  }
0x73: {  	_ =	shalt  }
0x74: {  	_ =	shalt  }
0x75: {  	_ =	shalt  }
0x76: {  	_ =	shalt  }
0x77: {  	_ =	shalt  }
0x78: {  	_ =	shalt  }
0x79: {  	_ =	shalt  }
0x7a: {  	_ =	shalt  }
0x7b: {  	_ =	shalt  }
0x7c: {  	_ =	shalt  }
0x7d: {  	_ =	shalt  }
0x7e: {  	_ =	shalt  }
0x7f: {  	_ =	shalt  }
0x80: {  	_ =	shalt  }
0x81: {  	_ =	shalt  }
0x82: {  	_ =	shalt  }
0x83: {  	_ =	shalt  }
0x84: {  	_ =	shalt  }
0x85: {  	_ =	shalt  }
0x86: {  	_ =	shalt  }
0x87: {  	_ =	shalt  }
.Lfunc_end0:
.L_simem_size_0:
called_computation_lowered:
.L_overlay_start_0:
0x88: {  	s2 =	sld [smem:$0x3FD9]  }
0x89: {  	s3 =	sld [smem:$0x3FFE];
	_ =	sdelay $0x1  }
0x8a: {  	s1 =	srdreg.scid  }
0x8b: {  	s0 =	sand.u32 $0x1, s1  }
0x8c: {  	s17 =	sshll.u32 s0, $0xA;
	s2 =	sadd.s32 s3, s2  }
0x8d: {  	s2 =	sadd.s32 s2, s17  }
0x8e: {  	[smem:$0x3FB6] =	sst s2  }
0x8f: {  	_ = 	snop  }
0x90: {  	s2 =	sld [smem:$0x3FD0];
	(tm) =	ssettm $0x1  }
0x91: {  	s18 =	sld [smem:$0x3FFB];
	_ =	sdelay $0x3  }
0x92: {  	_ =	strace s18  }
0x93: {  	s3 =	sld [smem:$0x3FFC];
	_ =	sdelay $0x3  }
0x94: {  	_ =	strace s3  }
0x95: {  	s3 =	sld [smem:$0x3FFD];
	_ =	sdelay $0x3  }
0x96: {  	_ =	strace s3  }
0x97: {  	_ =	strace $0x8FFFFFFF  }
0x98: {  	s19 =	sld [smem:$0x3FDB];
	_ =	sdelay $0x1  }
0x99: {  	s4 =	simm.s32 $_scs_section_size  }
0x9a: {  	s5 =	simm.s32 $_size__tile_overlayer_lowered;
	s6 =	simm.s32 $_tile_overlayer_lowered  }
0x9b: {  	s22 =	simm.s32 $0x1BFF;
	s21 =	sshll.u32 s6, $0x1;
	s3 =	sadd.s32 s4, s19  }
0x9c: {  	s7 =	simm.s32 $0x0;
	s20 =	sshll.u32 s5, $0x1;
	s5 =	sadd.s32 s21, s3  }
0x9d: {  	[timem:s7], [sflag:s22] =	dma.local [hbm:s5], s20  }
0x9e: {  	_ =	swait.ge [sflag:s22], s20  }
0x9f: {  	s4 =	ssub.s32 $0x0, s20;
	[sflag:s22] =	ssyncset.done $0x0  }
0xa0: {  	[sflag:s22] =	ssyncadd.s32 s4;
	_ =	sdelay $0x1  }
0xa1: {  	s23 =	simm.s32 $0x1B8B  }
0xa2: {  	_ =	swait.ge [sflag:s23], $0x1  }
0xa3: {  	[sflag:s23] =	ssyncset.done $0x0  }
0xa4: {  	s25 =	simm.s32 $0x1B8E;
	s24 =	sld [smem:$0x3FFE];
	[sflag:s23] =	ssyncadd.s32 $0xFFFFFFFF  }
0xa5: {  	s26 =	simm.s32 $execute0_lowered;
	[smem:$0x3FD2] =	sst s25  }
0xa6: {  	s5 =	sshll.u32 s26, $0x1;
	_ =	strace $0x80000046;
	[dreg:$0x1] =	wrdreg $0xFFFFFFFF  }
0xa7: {  	s28 =	simm.s32 $_size_execute0_lowered;
	s3 =	sadd.s32 s3, s5;
	[dreg:$0x0] =	wrdreg $0x0  }
0xa8: {  	s5 =	sshll.u32 s28, $0x1;
	[dreg:$0x2] =	wrdreg s3  }
0xa9: {  	[dreg:$0x3] =	wrdreg s5  }
0xaa: {  	[dreg:$0x4] =	wrdreg $0xC0  }
0xab: {  	_ =	task [dreg:s7], $0x5FFFF  }
0xac: {  	[dreg:$0x1] =	wrdreg $0xFFFFFFFF  }
0xad: {  	[dreg:$0x0] =	wrdreg $0x60  }
0xae: {  	[dreg:$0x2] =	wrdreg s24  }
0xaf: {  	[dreg:$0x3] =	wrdreg s2  }
0xb0: {  	[dreg:$0x4] =	wrdreg $0x2B800  }
0xb1: {  	[dreg:$0x5] =	wrdreg $0x9  }
0xb2: {  	_ =	task.clear_ibuf [dreg:s7], $0x6FFFF;
	_ =	strace $0x90000046  }
0xb3: {  	s29 =	simm.s32 $0x9;
	_ =	strace $0x80000048  }
0xb4: {  	_ =	swait.ge [sflag:s29], $0x1  }
0xb5: {  	[sflag:s29] =	ssyncadd.s32 $0xFFFFFFFF  }
0xb6: {  	_ =	strace $0x90000048  }
0xb7: {  	_ =	sfence  }
0xb8: {  	s30 =	sld [smem:$0x0];
	_ =	sdelay $0x2  }
0xb9: {  	s31 =	sshll.u32 s1, $0xD;
	s1 =	sshrl.u32 s1, $0x2  }
0xba: {  	s3 =	sand.u32 $0x4000, s31;
	s1 =	sadd.s32 s1, s30  }
0xbb: {  	s0 =	sor.u32 s3, s0;
	s1 =	sshll.u32 s1, $0x11  }
0xbc: {  	s0 =	sor.u32 s1, s0  }
0xbd: {  	s0 =	sadd.s32 $0x8F2B, s0  }
0xbe: {  	[sflag:s0] =	ssyncadd.remote.s32 $0x1  }
0xbf: {  	_ =	sfence.sel $0xFFFF  }
0xc0: {  	[dreg:$0x0] =	wrdreg $0xFFFFFFFF;
	(pc) =	sbr.abs _section_cstart, $3  }
0xc1: {  	[dreg:$0x1] =	wrdreg $0xFFFFFFFF  }
0xc2: {  	_ =	task.clear_ibuf [dreg:s7], $0x2FFFF;
	_ =	strace $0x9FFFFFFF  }
0xc3: {  	(tm) =	ssettm $0x7FFFFFFF  }
tec
execute0_lowered:
.L_overlay_start_1:
0x0: {  	(tag) =	ssettag $0x1  }
0x1: {  	s6 =	rddreg [dreg:$0x0]  }
0x2: {  	s0 =	srdreg.scid;
	s2 =	rddreg [dreg:$0x1]  }
0x3: {  	s3 =	rddreg [dreg:$0x2];
	s4 =	simm.s32 $0x0;
	s14 =	simm.s32 $0x80  }
0x4: {  	s15 =	simm.s32 $0x0;
	s5 =	sand.u32 $0x1, s0;
	s0 =	stileid.u32  }
0x5: {  	[smem:$0x7FF] =	sst s4;
	s1 =	sshll.u32 s5, $0x4;
	s9 =	smul.u32 $0x1400, s0  }
0x6: {  	s30 =	smul.u32 $0x14000, s5;
	s11 =	ssub.s32 $0x2, s5;
	s5 =	sadd.s32 $0x17200, s6  }
0x7: {  	s31 =	sshll.u32 s0, $0x6;
	s10 =	sor.u32 s0, s1;
	s1 =	rddreg [dreg:$0x3]  }
0x8: {  	_ =	strace $0x80000047;
	s12 =	sshrl.u32 s11, $0x1;
	s7 =	smul.u32 $0x4E, s10  }
0x9: {  	s8 =	smin.u32 s10, $0x4;
	s11 =	ssub.s32 s11, s12;
	s13 =	sadd.s32 s9, s3  }
0xa: {  	p0 =	sgt.u32 s10, $0x3;
	s10 =	simm.s32 $0x1;
	s12 =	sor.u32 $0x1C01, s31  }
0xb: {  	s13 =	sshrl.u32 s13, $0x3;
	s7 =	sadd.s32 s8, s7;
	s8 =	sadd.s32 s9, s30  }
0xc: {  	s9 =	smax.u32 s11, $0x1;
	s7 =	sshll.u32 s7, $0x4;
	s8 =	sshrl.u32 s8, $0x3  }
0xd: {  	s11 =	simm.s32 $0x2780;
	s7 =	sadd.s32 s7, s6;
	s8 =	sadd.s32 s8, s6  }
0xe: {  	s6 =	sadd.s32 $0xD440, s7;
	s7 =	sadd.s32 $0xD920, s7;
	s8 =	sadd.s32 $0x17400, s8  }
.LBB2_1:
0xf: {  	[tilespmem:s4], [sflag:$0x1] =	stream.linear.gather [hbm4b:s6+s4], $0x2700, $0x38;
	[tilespmem:$0x3F80] =	vst v63  }
0x10: {  	_ =	swait.ge [sflag:s10], $0x2700  }
0x11: {  	[sflag:s10] =	ssyncset.done $0x0  }
0x12: {  	s16 =	simm.s32 @!p0 $0x0;
	s17 =	simm.s32 @!p0 $0x2700;
	[sflag:s10] =	ssyncadd.s32 $0xFFFFD900  }
0x13: {  	[tilespmem:s17], [sflag:$0x1] =	stream.linear.gather @!p0 [hbm4b:s7+s16], $0x80, $0x38;
	[tilespmem:$0x3F80] =	vst v63  }
0x14: {  	s16 =	simm.s32 @!p0 $0x1  }
0x15: {  	_ =	swait.ge @!p0 [sflag:s16], $0x80  }
0x16: {  	[sflag:s16] =	ssyncset.done @!p0 $0x0  }
0x17: {  	[sflag:s16] =	ssyncadd.s32 @!p0 $0xFFFFFF80  }
0x18: {  	[tilespmem:s11], [sflag:$0x1] =	stream.linear.gather [hbm4b:s5+s4], $0x400, $0x38;
	[tilespmem:$0x3F80] =	vst v63  }
0x19: {  	_ =	swait.ge [sflag:s10], $0x400  }
0x1a: {  	[sflag:s10] =	ssyncset.done $0x0  }
0x1b: {  	[sflag:s10] =	ssyncadd.s32 $0xFFFFFC00  }
0x1c: {  	[spmem:s13], [sflag:s12] =	dma.local [hbm:s2], $0x280  }
0x1d: {  	_ =	swait.ge [sflag:s10], $0x280  }
0x1e: {  	[sflag:s10] =	ssyncset.done $0x0  }
0x1f: {  	[sflag:s10] =	ssyncadd.s32 $0xFFFFFD80  }
0x20: {  	s31 =	simm.s32 $0x0;
	[bflag:$0x0] =	sbarrier.arrive $0xFFFF  }
0x21: {  	[spmem:s3] =	stream.indirect.scatter.add.f32 [tilespmem:s11], [sflag:$0x1], $0x8, s31, s14, $0xb8;
	[tilespmem:$0x3F80] =	vst v63  }
0x22: {  	_ =	swait.ge [sflag:s10], $0x400  }
0x23: {  	s16 =	simm.s32 $0x200;
	[sflag:s10] =	ssyncset.done $0x0  }
.LBB2_2:
0x24: {  	s17 =	sshra.s32 s16, $0x2;
	[sflag:s10] =	ssyncadd.s32 $0xFFFFFC00;
	p1 =	sne.s32 s16, $0x9A00  }
0x25: {  	[spmem:s3] =	stream.indirect.scatter.add.f32 [tilespmem:s11], [sflag:$0x1], $0x8, s17, s14, $0xb8;
	[tilespmem:$0x3F80] =	vst v63  }
.Ltmp0:
0x26: {  	_ = 	snop;
	(pc) =	sbr.rel @p1 .LBB2_2-.Ltmp0, $4  }
0x27: {  	_ = 	snop  }
0x28: {  	s16 =	sadd.s32 $0x200, s16  }
0x29: {  	_ =	swait.ge [sflag:s10], $0x400  }
0x2a: {  	[sflag:s10] =	ssyncset.done $0x0  }
0x2b: {  	[sflag:s10] =	ssyncadd.s32 $0xFFFFFC00  }
0x2c: {  	s16 =	simm.s32 @!p0 $0x80;
	s17 =	simm.s32 @!p0 $0x2700;
	s18 =	simm.s32 @!p0 $0x2780  }
0x2d: {  	[spmem:s3] =	stream.indirect.scatter.add.f32 @!p0 [tilespmem:s18], [sflag:$0x1], $0x8, s17, s16, $0xb8;
	[tilespmem:$0x3F80] =	vst v63  }
0x2e: {  	s16 =	simm.s32 @!p0 $0x1  }
0x2f: {  	_ =	swait.ge @!p0 [sflag:s16], $0x400  }
0x30: {  	s15 =	sadd.s32 $0x1, s15;
	[sflag:s16] =	ssyncset.done @!p0 $0x0  }
0x31: {  	p1 =	sne.s32 s15, s9;
	[sflag:s16] =	ssyncadd.s32 @!p0 $0xFFFFFC00  }
.Ltmp1:
0x32: {  	[bflag:$0x0] =	sbarrier.arrive $0xFFFF;
	(pc) =	sbr.rel @p1 .LBB2_1-.Ltmp1, $4  }
0x33: {  	[hbm:s8], [sflag:s12] =	dma.local [spmem:s13], $0x280  }
0x34: {  	_ =	swait.ge [sflag:s10], $0x280  }
0x35: {  	[sflag:s10] =	ssyncset.done $0x0  }
0x36: {  	[sflag:s10] =	ssyncadd.s32 $0xFFFFFD80  }
0x37: {  	_ =	sfence.sel $0x180000  }
0x38: {  	[bflag:$0x0] =	sbarrier.arrive $0xFFFF  }
0x39: {  	p0 =	sne.s32 s0, $0x0;
	_ =	strace $0x90000047  }
0x3a: {  	s0 =	sadd.s32 @!p0 $0x100000, s1;
	[bflag:$0x2] =	sbarrier.arrive $0xFFFF  }
0x3b: {  	[sflag:s0] =	ssyncadd.tile.s32 @!p0 $0x1;
	_ =	shalt  }
.Lfunc_end2:
_tile_overlayer_lowered:
.L_overlay_start_2:
0x3c: {  	(tag) =	ssettag $0x2  }
0x3d: {  	s0 =	rddreg [dreg:$0x0];
	s2 =	stileid.u32  }
0x3e: {  	s1 =	rddreg [dreg:$0x1];
	p0 =	sne.s32 s2, $0x0  }
0x3f: {  	s3 =	rddreg [dreg:$0x2];
	[bflag:$0x3] =	sbarrier.arrive $0xFFFF;
	s2 =	simm.s32 @!p0 $0x1C01  }
0x40: {  	[timem:s3], [sflag:s2] =	dma.local @!p0 [hbm:s0], s1  }
0x41: {  	s0 =	simm.s32 @!p0 $0x1  }
0x42: {  	_ =	swait.ge @!p0 [sflag:s0], s1  }
0x43: {  	s1 =	ssub.s32 @!p0 $0x0, s1;
	[sflag:s0] =	ssyncset.done @!p0 $0x0  }
0x44: {  	[sflag:s0] =	ssyncadd.s32 @!p0 s1  }
0x45: {  	[bflag:$0x3] =	sbarrier.arrive $0xFFFF  }
0x46: {  	_ =	shalt  }

</sc_bundles>
